<compile_context>
chip_gen: v7x
topology: tpu7x:2x2x1
jax: 0.10.2.dev20260603
libtpu: 0.0.44.dev20260713+nightly
codegen_flags: <defaults>
</compile_context>

<pallas_src>
import functools

import jax
import jax.numpy as jnp
from jax import lax
from jax.experimental import pallas as pl
from jax.experimental.pallas import tpu as pltpu
from jax.experimental.pallas import tpu_sc as plsc

_N = 10000
_E = 320000
_D = 128
_NC = 2
_NS = 16
_NW = _NC * _NS
_EPW = _E // _NW
_CH = 128
_IR = 80
_IRH = _IR // 2
_EPWP = _IR * _CH
_NP = 10112
_RPS = _NP // _NS
_XR = _N + 8


@functools.lru_cache(maxsize=None)
def _sc_agg():
  mesh = plsc.VectorSubcoreMesh(core_axis_name="c", subcore_axis_name="s")

  @functools.partial(
      pl.kernel, mesh=mesh,
      out_type=jax.ShapeDtypeStruct((_NC, _NP, _D), jnp.float32),
      scratch_types=(
          pltpu.VMEM_SHARED((_NP, _D), jnp.float32),
          pltpu.VMEM((_IRH, _CH), jnp.int32),
          pltpu.VMEM((_IRH, _CH), jnp.int32),
          pltpu.VMEM((_CH, _D), jnp.float32),
          pltpu.VMEM((_CH, _D), jnp.float32),
          pltpu.SemaphoreType.DMA,
          pltpu.SemaphoreType.DMA,
      ))
  def sc_agg(x_hbm, src_hbm, dst_hbm, z_hbm, agg_hbm,
             acc_sh, src_v, dst_v, rb0, rb1, sem0, sem1):
    cid = lax.axis_index("c")
    sid = lax.axis_index("s")
    wid = cid * _NS + sid
    r0 = sid * _RPS

    pltpu.sync_copy(z_hbm.at[pl.ds(r0, _RPS)], acc_sh.at[pl.ds(r0, _RPS)])
    plsc.subcore_barrier()

    for p in range(2):
      pltpu.sync_copy(src_hbm.at[wid, pl.ds(p * _IRH, _IRH)], src_v)
      pltpu.sync_copy(dst_hbm.at[wid, pl.ds(p * _IRH, _IRH)], dst_v)

      pltpu.async_copy(x_hbm.at[src_v.at[0]], rb0, sem0)
      pltpu.async_copy(x_hbm.at[src_v.at[1]], rb1, sem1)

      @pl.loop(0, _IRH - 2, step=2)
      def _(j):
        pltpu.make_async_copy(x_hbm.at[src_v.at[j]], rb0, sem0).wait()
        pltpu.sync_copy(rb0, acc_sh.at[dst_v.at[j]], add=True)
        pltpu.async_copy(x_hbm.at[src_v.at[j + 2]], rb0, sem0)
        pltpu.make_async_copy(x_hbm.at[src_v.at[j + 1]], rb1, sem1).wait()
        pltpu.sync_copy(rb1, acc_sh.at[dst_v.at[j + 1]], add=True)

        @pl.when(j + 3 < _IRH)
        def _():
          pltpu.async_copy(x_hbm.at[src_v.at[j + 3]], rb1, sem1)

      pltpu.make_async_copy(x_hbm.at[src_v.at[_IRH - 2]], rb0, sem0).wait()
      pltpu.sync_copy(rb0, acc_sh.at[dst_v.at[_IRH - 2]], add=True)
      pltpu.make_async_copy(x_hbm.at[src_v.at[_IRH - 1]], rb1, sem1).wait()
      pltpu.sync_copy(rb1, acc_sh.at[dst_v.at[_IRH - 1]], add=True)

    plsc.subcore_barrier()
    pltpu.sync_copy(acc_sh.at[pl.ds(r0, _RPS)], agg_hbm.at[cid, pl.ds(r0, _RPS)])

  return sc_agg


@functools.lru_cache(maxsize=None)
def _sc_counts():
  mesh = plsc.VectorSubcoreMesh(core_axis_name="c", subcore_axis_name="s")

  @functools.partial(
      pl.kernel, mesh=mesh,
      out_type=jax.ShapeDtypeStruct((_NC, _NP, _D), jnp.float32),
      scratch_types=(
          pltpu.VMEM_SHARED((_NP, _D), jnp.float32),
          pltpu.VMEM((_IR, _CH), jnp.int32),
          pltpu.VMEM((_CH, _D), jnp.float32),
          pltpu.SemaphoreType.DMA,
      ))
  def sc_counts(dst_hbm, zc_hbm, ones_hbm, cnt_hbm, cacc_sh, dst_v, ones_v,
                sem):
    cid = lax.axis_index("c")
    sid = lax.axis_index("s")
    wid = cid * _NS + sid
    r0 = sid * _RPS

    pltpu.sync_copy(zc_hbm.at[pl.ds(r0, _RPS)], cacc_sh.at[pl.ds(r0, _RPS)])
    pltpu.sync_copy(ones_hbm, ones_v)
    pltpu.sync_copy(dst_hbm.at[wid], dst_v)
    plsc.subcore_barrier()

    @pl.loop(0, _IR, step=16)
    def _(j0):
      @pl.loop(0, 16)
      def _(i):
        pltpu.async_copy(ones_v, cacc_sh.at[dst_v.at[j0 + i]], sem, add=True)

      @pl.loop(0, 16)
      def _(i):
        pltpu.make_async_copy(ones_v, cacc_sh.at[dst_v.at[j0]], sem).wait()

    plsc.subcore_barrier()
    pltpu.sync_copy(cacc_sh.at[pl.ds(r0, _RPS)], cnt_hbm.at[cid, pl.ds(r0, _RPS)])

  return sc_counts


_BN = 2000


def _dense_body(agg_ref, cnt_ref, x_ref, wl_ref, wr_ref, b_ref, o_ref):
  a = agg_ref[0] + agg_ref[1]
  c = cnt_ref[0] + cnt_ref[1]
  mean = a / jnp.maximum(c[:, 0:1], 1.0)
  o = (jnp.dot(mean, wl_ref[...], preferred_element_type=jnp.float32,
               precision=lax.Precision.HIGHEST)
       + jnp.dot(x_ref[...], wr_ref[...], preferred_element_type=jnp.float32,
                 precision=lax.Precision.HIGHEST)
       + b_ref[...])
  o_ref[...] = jnp.maximum(o, 0.0)


def _dense(agg, cnt, x, wl, wr, b):
  return pl.pallas_call(
      _dense_body,
      grid=(_N // _BN,),
      in_specs=[
          pl.BlockSpec((_NC, _BN, _D), lambda i: (0, i, 0)),
          pl.BlockSpec((_NC, _BN, _D), lambda i: (0, i, 0)),
          pl.BlockSpec((_BN, _D), lambda i: (i, 0)),
          pl.BlockSpec((_D, _D), lambda i: (0, 0)),
          pl.BlockSpec((_D, _D), lambda i: (0, 0)),
          pl.BlockSpec((1, _D), lambda i: (0, 0)),
      ],
      out_specs=pl.BlockSpec((_BN, _D), lambda i: (i, 0)),
      out_shape=jax.ShapeDtypeStruct((_N, _D), jnp.float32),
  )(agg, cnt, x, wl, wr, b)


def kernel(x, edge_index, W1_l, W1_r, b1, W2_l, W2_r, b2):
  npad = _EPWP - _EPW
  src = jnp.concatenate(
      [edge_index[0].reshape(_NW, _EPW),
       jnp.full((_NW, npad), _N, jnp.int32)], axis=1).reshape(_NW, _IR, _CH)
  junk = (_N + (jnp.arange(npad, dtype=jnp.int32) % (_NP - _N)))
  dst = jnp.concatenate(
      [edge_index[1].reshape(_NW, _EPW),
       jnp.broadcast_to(junk, (_NW, npad))], axis=1).reshape(_NW, _IR, _CH)
  zrow = jnp.zeros((_XR - _N, _D), jnp.float32)
  x_aug = jnp.concatenate([x, zrow], axis=0)
  z = jnp.zeros((_NP, _D), jnp.float32)
  ones = jnp.ones((_CH, _D), jnp.float32)

  cnt = _sc_counts()(dst, z, ones)
  agg1 = _sc_agg()(x_aug, src, dst, z)
  h = _dense(agg1, cnt, x, W1_l, W1_r, b1.reshape(1, _D))
  h_aug = jnp.concatenate([h, zrow], axis=0)
  agg2 = _sc_agg()(h_aug, src, dst, z)
  return _dense(agg2, cnt, h, W2_l, W2_r, b2.reshape(1, _D))

# --- scband reference (transcript-rebuilt; emitter-appended) ---
"""Pipeline reference for scband-gnn-37177236914658 (READ-ONLY COPY).

The authoritative reference and input builder live on the scoring server;
editing this copy changes nothing except your own understanding.
"""

import jax, jax.numpy as jnp
import numpy as np

N = 10000
E = 320000
D_IN = 128
D_H = 128
D_OUT = 128


def _sage_conv(x, edge_index, W_l, W_r, b):
    # PyG SAGEConv (mean aggr): out = lin_l(mean_{j in N(i)} x_j) + lin_r(x_i)
    src = edge_index[0]
    dst = edge_index[1]
    msg = jnp.take(x, src, axis=0)
    agg = jax.ops.segment_sum(msg, dst, num_segments=N)
    cnt = jax.ops.segment_sum(jnp.ones((E, 1), dtype=x.dtype), dst, num_segments=N)
    mean = agg / jnp.maximum(cnt, 1.0)
    return mean @ W_l + b + x @ W_r


def setup_inputs(seed: int = 0) -> dict:
    key = jax.random.key(seed)
    ks = jax.random.split(key, 8)
    x = jax.random.normal(ks[0], (N, D_IN), dtype=jnp.float32)
    edge_index = jax.random.randint(ks[1], (2, E), 0, N, dtype=jnp.int32)
    s1 = 1.0 / np.sqrt(D_IN)
    s2 = 1.0 / np.sqrt(D_H)
    W1_l = jax.random.uniform(ks[2], (D_IN, D_H), dtype=jnp.float32, minval=-s1, maxval=s1)
    W1_r = jax.random.uniform(ks[3], (D_IN, D_H), dtype=jnp.float32, minval=-s1, maxval=s1)
    b1 = jnp.zeros((D_H,), dtype=jnp.float32)
    W2_l = jax.random.uniform(ks[4], (D_H, D_OUT), dtype=jnp.float32, minval=-s2, maxval=s2)
    W2_r = jax.random.uniform(ks[5], (D_H, D_OUT), dtype=jnp.float32, minval=-s2, maxval=s2)
    b2 = jnp.zeros((D_OUT,), dtype=jnp.float32)
    return {"x": x, "edge_index": edge_index, "W1_l": W1_l, "W1_r": W1_r, "b1": b1,
            "W2_l": W2_l, "W2_r": W2_r, "b2": b2}


def reference(x, edge_index, W1_l, W1_r, b1, W2_l, W2_r, b2):
    h = jax.nn.relu(_sage_conv(x, edge_index, W1_l, W1_r, b1))
    # dropout is identity in eval mode
    out = jax.nn.relu(_sage_conv(h, edge_index, W2_l, W2_r, b2))
    return out

if __name__ == "__main__":
    import jax
    _d = setup_inputs()
    print(jax.jit(kernel)(*tuple(_d.values())))

</pallas_src>

<mosaic_0001>
#map = affine_map<(d0, d1) -> (0, 0, 0)>
#map1 = affine_map<(d0, d1) -> (0, 0)>
module attributes {stable_mosaic.version = 14 : i64} {
  func.func @sc_counts(%arg0: i32, %arg1: i32, %arg2: memref<32x80x128xi32, #tpu.memory_space<hbm>>, %arg3: memref<10112x128xf32, #tpu.memory_space<hbm>>, %arg4: memref<128x128xf32, #tpu.memory_space<hbm>>, %arg5: memref<2x10112x128xf32, #tpu.memory_space<hbm>>, %arg6: memref<10112x128xf32, #tpu.memory_space<vmem_shared>>, %arg7: memref<80x128xi32, #tpu.memory_space<vmem>>, %arg8: memref<128x128xf32, #tpu.memory_space<vmem>>, %arg9: memref<!tpu.dma_semaphore, #tpu.memory_space<semaphore_mem>>) attributes {dimension_semantics = [#tpu.dimension_semantics<core_parallel>, #tpu.dimension_semantics<subcore_parallel>], iteration_bounds = array<i64: 2, 16>, scalar_prefetch = 0 : i64, scratch_operands = 4 : i64, tpu.core_type = #tpu.core_type<sc_vector_subcore>, window_params = [{transform_indices = #map}, {transform_indices = #map1}, {transform_indices = #map1}, {transform_indices = #map}]} {
    %mul3A = arith.constant 16 : i32
    %mul3A_0 = arith.muli %arg0, %mul3A : i32
    %add3A = arith.addi %mul3A_0, %arg1 : i32
    %mul3A_1 = arith.constant 632 : i32
    %mul3A_2 = arith.muli %arg1, %mul3A_1 : i32
    "tpu.region"() ({
      %run_scoped3A = tpu.sem_alloc : memref<!tpu.dma_semaphore, #tpu.memory_space<semaphore_mem>>
      %dma_start3A = arith.constant 0 : i32
      %dma_start3A_8 = tpu.memref_slice %arg6[%mul3A_2, %dma_start3A] : memref<10112x128xf32, #tpu.memory_space<vmem_shared>> -> memref<632x128xf32, #tpu.memory_space<vmem_shared>>
      %dma_start3A_9 = arith.constant 0 : i32
      %dma_start3A_10 = tpu.memref_slice %arg3[%mul3A_2, %dma_start3A_9] : memref<10112x128xf32, #tpu.memory_space<hbm>> -> memref<632x128xf32, #tpu.memory_space<hbm>>
      tpu.enqueue_dma source(%dma_start3A_10 : memref<632x128xf32, #tpu.memory_space<hbm>>) target(%dma_start3A_8 : memref<632x128xf32, #tpu.memory_space<vmem_shared>>) target_semaphore(%run_scoped3A : memref<!tpu.dma_semaphore, #tpu.memory_space<semaphore_mem>>)
      %dma_wait3A = arith.constant 0 : i32
      %dma_wait3A_11 = tpu.memref_slice %arg6[%mul3A_2, %dma_wait3A] : memref<10112x128xf32, #tpu.memory_space<vmem_shared>> -> memref<632x128xf32, #tpu.memory_space<vmem_shared>>
      %dma_wait3A_12 = arith.constant 0 : i32
      %dma_wait3A_13 = tpu.memref_slice %arg3[%mul3A_2, %dma_wait3A_12] : memref<10112x128xf32, #tpu.memory_space<hbm>> -> memref<632x128xf32, #tpu.memory_space<hbm>>
      tpu.wait_dma2 semaphore(%run_scoped3A : memref<!tpu.dma_semaphore, #tpu.memory_space<semaphore_mem>>) src(%dma_wait3A_13 : memref<632x128xf32, #tpu.memory_space<hbm>>) dst(%dma_wait3A_11 : memref<632x128xf32, #tpu.memory_space<vmem_shared>>)
      tpu.yield
    }) : () -> ()
    "tpu.region"() ({
      %run_scoped3A = tpu.sem_alloc : memref<!tpu.dma_semaphore, #tpu.memory_space<semaphore_mem>>
      tpu.enqueue_dma source(%arg4 : memref<128x128xf32, #tpu.memory_space<hbm>>) target(%arg8 : memref<128x128xf32, #tpu.memory_space<vmem>>) target_semaphore(%run_scoped3A : memref<!tpu.dma_semaphore, #tpu.memory_space<semaphore_mem>>)
      tpu.wait_dma2 semaphore(%run_scoped3A : memref<!tpu.dma_semaphore, #tpu.memory_space<semaphore_mem>>) src(%arg4 : memref<128x128xf32, #tpu.memory_space<hbm>>) dst(%arg8 : memref<128x128xf32, #tpu.memory_space<vmem>>)
      tpu.yield
    }) : () -> ()
    "tpu.region"() ({
      %run_scoped3A = tpu.sem_alloc : memref<!tpu.dma_semaphore, #tpu.memory_space<semaphore_mem>>
      %dma_start3A = arith.constant 0 : i32
      %dma_start3A_8 = arith.constant 0 : i32
      %dma_start3A_9 = tpu.memref_slice %arg2[%add3A, %dma_start3A, %dma_start3A_8] : memref<32x80x128xi32, #tpu.memory_space<hbm>> -> memref<1x80x128xi32, #tpu.memory_space<hbm>>
      %dma_start3A_10 = tpu.memref_squeeze %dma_start3A_9 : memref<1x80x128xi32, #tpu.memory_space<hbm>> -> memref<80x128xi32, #tpu.memory_space<hbm>>
      %dma_start3A_11 = arith.constant 0 : i32
      %dma_start3A_12 = arith.constant 0 : i32
      %dma_start3A_13 = tpu.memref_slice %arg2[%add3A, %dma_start3A_11, %dma_start3A_12] : memref<32x80x128xi32, #tpu.memory_space<hbm>> -> memref<1x80x128xi32, #tpu.memory_space<hbm>>
      %dma_start3A_14 = tpu.memref_squeeze %dma_start3A_13 : memref<1x80x128xi32, #tpu.memory_space<hbm>> -> memref<80x128xi32, #tpu.memory_space<hbm>>
      tpu.enqueue_dma source(%dma_start3A_14 : memref<80x128xi32, #tpu.memory_space<hbm>>) target(%arg7 : memref<80x128xi32, #tpu.memory_space<vmem>>) target_semaphore(%run_scoped3A : memref<!tpu.dma_semaphore, #tpu.memory_space<semaphore_mem>>)
      %dma_wait3A = arith.constant 0 : i32
      %dma_wait3A_15 = arith.constant 0 : i32
      %dma_wait3A_16 = tpu.memref_slice %arg2[%add3A, %dma_wait3A, %dma_wait3A_15] : memref<32x80x128xi32, #tpu.memory_space<hbm>> -> memref<1x80x128xi32, #tpu.memory_space<hbm>>
      %dma_wait3A_17 = tpu.memref_squeeze %dma_wait3A_16 : memref<1x80x128xi32, #tpu.memory_space<hbm>> -> memref<80x128xi32, #tpu.memory_space<hbm>>
      %dma_wait3A_18 = arith.constant 0 : i32
      %dma_wait3A_19 = arith.constant 0 : i32
      %dma_wait3A_20 = tpu.memref_slice %arg2[%add3A, %dma_wait3A_18, %dma_wait3A_19] : memref<32x80x128xi32, #tpu.memory_space<hbm>> -> memref<1x80x128xi32, #tpu.memory_space<hbm>>
      %dma_wait3A_21 = tpu.memref_squeeze %dma_wait3A_20 : memref<1x80x128xi32, #tpu.memory_space<hbm>> -> memref<80x128xi32, #tpu.memory_space<hbm>>
      tpu.wait_dma2 semaphore(%run_scoped3A : memref<!tpu.dma_semaphore, #tpu.memory_space<semaphore_mem>>) src(%dma_wait3A_21 : memref<80x128xi32, #tpu.memory_space<hbm>>) dst(%arg7 : memref<80x128xi32, #tpu.memory_space<vmem>>)
      tpu.yield
    }) : () -> ()
    %barrier3A = arith.constant 0 : index
    tpu.barrier barrier_id(%barrier3A)
    %scan3A = arith.constant 0 : i32
    %scan3A_3 = arith.constant 5 : i32
    %scan3A_4 = arith.addi %scan3A, %scan3A_3 : i32
    %scan3A_5 = arith.constant 1 : i32
    scf.for %scan3A_8 = %scan3A to %scan3A_4 step %scan3A_5  : i32 {
      %mul3A_9 = arith.constant 16 : i32
      %mul3A_10 = arith.muli %scan3A_8, %mul3A_9 : i32
      %add3A_11 = arith.constant 0 : i32
      %add3A_12 = arith.addi %add3A_11, %mul3A_10 : i32
      %scan3A_13 = arith.constant 0 : i32
      %scan3A_14 = arith.constant 16 : i32
      %scan3A_15 = arith.addi %scan3A_13, %scan3A_14 : i32
      %scan3A_16 = arith.constant 1 : i32
      scf.for %scan3A_23 = %scan3A_13 to %scan3A_15 step %scan3A_16  : i32 {
        %mul3A_24 = arith.constant 1 : i32
        %mul3A_25 = arith.muli %scan3A_23, %mul3A_24 : i32
        %add3A_26 = arith.constant 0 : i32
        %add3A_27 = arith.addi %add3A_26, %mul3A_25 : i32
        %add3A_28 = arith.addi %add3A_12, %add3A_27 : i32
        %dma_start3A = arith.constant 0 : i32
        %dma_start3A_29 = tpu.memref_slice %arg7[%add3A_28, %dma_start3A] : memref<80x128xi32, #tpu.memory_space<vmem>> -> memref<1x128xi32, #tpu.memory_space<vmem>>
        %dma_start3A_30 = tpu.memref_squeeze %dma_start3A_29 : memref<1x128xi32, #tpu.memory_space<vmem>> -> memref<128xi32, #tpu.memory_space<vmem>>
        %dma_start3A_31 = arith.constant 0 : i32
        %dma_start3A_32 = arith.constant 0 : i32
        %dma_start3A_33 = tpu.memref_slice %arg6[%dma_start3A_31, %dma_start3A_32] : memref<10112x128xf32, #tpu.memory_space<vmem_shared>> -> memref<10112x128xf32, #tpu.memory_space<vmem_shared>>
        tpu.enqueue_indirect_dma source(%arg8 : memref<128x128xf32, #tpu.memory_space<vmem>>) target(%dma_start3A_33 : memref<10112x128xf32, #tpu.memory_space<vmem_shared>>) offsets(%dma_start3A_30 : memref<128xi32, #tpu.memory_space<vmem>>) semaphore(%arg9 : memref<!tpu.dma_semaphore, #tpu.memory_space<semaphore_mem>>) {add = true}
      }
      %scan3A_17 = arith.constant 16 : i32
      %scan3A_18 = arith.constant 0 : i32
      %scan3A_19 = arith.constant 16 : i32
      %scan3A_20 = arith.addi %scan3A_18, %scan3A_19 : i32
      %scan3A_21 = arith.constant 1 : i32
      scf.for %scan3A_23 = %scan3A_18 to %scan3A_20 step %scan3A_21  : i32 {
        %mul3A_24 = arith.constant 1 : i32
        %mul3A_25 = arith.muli %scan3A_23, %mul3A_24 : i32
        %add3A_26 = arith.constant 0 : i32
        %add3A_27 = arith.addi %add3A_26, %mul3A_25 : i32
        %dma_wait3A = arith.constant 0 : i32
        %dma_wait3A_28 = tpu.memref_slice %arg7[%add3A_12, %dma_wait3A] : memref<80x128xi32, #tpu.memory_space<vmem>> -> memref<1x128xi32, #tpu.memory_space<vmem>>
        %dma_wait3A_29 = tpu.memref_squeeze %dma_wait3A_28 : memref<1x128xi32, #tpu.memory_space<vmem>> -> memref<128xi32, #tpu.memory_space<vmem>>
        %dma_wait3A_30 = arith.constant 0 : i32
        %dma_wait3A_31 = arith.constant 0 : i32
        %dma_wait3A_32 = tpu.memref_slice %arg6[%dma_wait3A_30, %dma_wait3A_31] : memref<10112x128xf32, #tpu.memory_space<vmem_shared>> -> memref<10112x128xf32, #tpu.memory_space<vmem_shared>>
        tpu.wait_indirect_dma semaphore(%arg9 : memref<!tpu.dma_semaphore, #tpu.memory_space<semaphore_mem>>) src(%arg8 : memref<128x128xf32, #tpu.memory_space<vmem>>) dst(%dma_wait3A_32 : memref<10112x128xf32, #tpu.memory_space<vmem_shared>>)
      }
      %scan3A_22 = arith.constant 16 : i32
    }
    %scan3A_6 = arith.constant 5 : i32
    %barrier3A_7 = arith.constant 0 : index
    tpu.barrier barrier_id(%barrier3A_7)
    "tpu.region"() ({
      %run_scoped3A = tpu.sem_alloc : memref<!tpu.dma_semaphore, #tpu.memory_space<semaphore_mem>>
      %dma_start3A = arith.constant 0 : i32
      %dma_start3A_8 = tpu.memref_slice %arg5[%arg0, %mul3A_2, %dma_start3A] : memref<2x10112x128xf32, #tpu.memory_space<hbm>> -> memref<1x632x128xf32, #tpu.memory_space<hbm>>
      %dma_start3A_9 = tpu.memref_squeeze %dma_start3A_8 : memref<1x632x128xf32, #tpu.memory_space<hbm>> -> memref<632x128xf32, #tpu.memory_space<hbm>>
      %dma_start3A_10 = arith.constant 0 : i32
      %dma_start3A_11 = tpu.memref_slice %arg6[%mul3A_2, %dma_start3A_10] : memref<10112x128xf32, #tpu.memory_space<vmem_shared>> -> memref<632x128xf32, #tpu.memory_space<vmem_shared>>
      tpu.enqueue_dma source(%dma_start3A_11 : memref<632x128xf32, #tpu.memory_space<vmem_shared>>) target(%dma_start3A_9 : memref<632x128xf32, #tpu.memory_space<hbm>>) target_semaphore(%run_scoped3A : memref<!tpu.dma_semaphore, #tpu.memory_space<semaphore_mem>>)
      %dma_wait3A = arith.constant 0 : i32
      %dma_wait3A_12 = tpu.memref_slice %arg5[%arg0, %mul3A_2, %dma_wait3A] : memref<2x10112x128xf32, #tpu.memory_space<hbm>> -> memref<1x632x128xf32, #tpu.memory_space<hbm>>
      %dma_wait3A_13 = tpu.memref_squeeze %dma_wait3A_12 : memref<1x632x128xf32, #tpu.memory_space<hbm>> -> memref<632x128xf32, #tpu.memory_space<hbm>>
      %dma_wait3A_14 = arith.constant 0 : i32
      %dma_wait3A_15 = tpu.memref_slice %arg6[%mul3A_2, %dma_wait3A_14] : memref<10112x128xf32, #tpu.memory_space<vmem_shared>> -> memref<632x128xf32, #tpu.memory_space<vmem_shared>>
      tpu.wait_dma2 semaphore(%run_scoped3A : memref<!tpu.dma_semaphore, #tpu.memory_space<semaphore_mem>>) src(%dma_wait3A_15 : memref<632x128xf32, #tpu.memory_space<vmem_shared>>) dst(%dma_wait3A_13 : memref<632x128xf32, #tpu.memory_space<hbm>>)
      tpu.yield
    }) : () -> ()
    return
  }
}

#map = affine_map<(d0, d1) -> (0, 0)>
#map1 = affine_map<(d0, d1) -> (0, 0, 0)>
module attributes {stable_mosaic.version = 14 : i64} {
  func.func @sc_agg(%arg0: i32, %arg1: i32, %arg2: memref<10008x128xf32, #tpu.memory_space<hbm>>, %arg3: memref<32x80x128xi32, #tpu.memory_space<hbm>>, %arg4: memref<32x80x128xi32, #tpu.memory_space<hbm>>, %arg5: memref<10112x128xf32, #tpu.memory_space<hbm>>, %arg6: memref<2x10112x128xf32, #tpu.memory_space<hbm>>, %arg7: memref<10112x128xf32, #tpu.memory_space<vmem_shared>>, %arg8: memref<40x128xi32, #tpu.memory_space<vmem>>, %arg9: memref<40x128xi32, #tpu.memory_space<vmem>>, %arg10: memref<128x128xf32, #tpu.memory_space<vmem>>, %arg11: memref<128x128xf32, #tpu.memory_space<vmem>>, %arg12: memref<!tpu.dma_semaphore, #tpu.memory_space<semaphore_mem>>, %arg13: memref<!tpu.dma_semaphore, #tpu.memory_space<semaphore_mem>>) attributes {dimension_semantics = [#tpu.dimension_semantics<core_parallel>, #tpu.dimension_semantics<subcore_parallel>], iteration_bounds = array<i64: 2, 16>, scalar_prefetch = 0 : i64, scratch_operands = 7 : i64, tpu.core_type = #tpu.core_type<sc_vector_subcore>, window_params = [{transform_indices = #map}, {transform_indices = #map1}, {transform_indices = #map1}, {transform_indices = #map}, {transform_indices = #map1}]} {
    %mul3A = arith.constant 16 : i32
    %mul3A_0 = arith.muli %arg0, %mul3A : i32
    %add3A = arith.addi %mul3A_0, %arg1 : i32
    %mul3A_1 = arith.constant 632 : i32
    %mul3A_2 = arith.muli %arg1, %mul3A_1 : i32
    "tpu.region"() ({
      %run_scoped3A_70 = tpu.sem_alloc : memref<!tpu.dma_semaphore, #tpu.memory_space<semaphore_mem>>
      %dma_start3A_71 = arith.constant 0 : i32
      %dma_start3A_72 = tpu.memref_slice %arg7[%mul3A_2, %dma_start3A_71] : memref<10112x128xf32, #tpu.memory_space<vmem_shared>> -> memref<632x128xf32, #tpu.memory_space<vmem_shared>>
      %dma_start3A_73 = arith.constant 0 : i32
      %dma_start3A_74 = tpu.memref_slice %arg5[%mul3A_2, %dma_start3A_73] : memref<10112x128xf32, #tpu.memory_space<hbm>> -> memref<632x128xf32, #tpu.memory_space<hbm>>
      tpu.enqueue_dma source(%dma_start3A_74 : memref<632x128xf32, #tpu.memory_space<hbm>>) target(%dma_start3A_72 : memref<632x128xf32, #tpu.memory_space<vmem_shared>>) target_semaphore(%run_scoped3A_70 : memref<!tpu.dma_semaphore, #tpu.memory_space<semaphore_mem>>)
      %dma_wait3A_75 = arith.constant 0 : i32
      %dma_wait3A_76 = tpu.memref_slice %arg7[%mul3A_2, %dma_wait3A_75] : memref<10112x128xf32, #tpu.memory_space<vmem_shared>> -> memref<632x128xf32, #tpu.memory_space<vmem_shared>>
      %dma_wait3A_77 = arith.constant 0 : i32
      %dma_wait3A_78 = tpu.memref_slice %arg5[%mul3A_2, %dma_wait3A_77] : memref<10112x128xf32, #tpu.memory_space<hbm>> -> memref<632x128xf32, #tpu.memory_space<hbm>>
      tpu.wait_dma2 semaphore(%run_scoped3A_70 : memref<!tpu.dma_semaphore, #tpu.memory_space<semaphore_mem>>) src(%dma_wait3A_78 : memref<632x128xf32, #tpu.memory_space<hbm>>) dst(%dma_wait3A_76 : memref<632x128xf32, #tpu.memory_space<vmem_shared>>)
      tpu.yield
    }) : () -> ()
    %barrier3A = arith.constant 0 : index
    tpu.barrier barrier_id(%barrier3A)
    "tpu.region"() ({
      %run_scoped3A_70 = tpu.sem_alloc : memref<!tpu.dma_semaphore, #tpu.memory_space<semaphore_mem>>
      %dma_start3A_71 = arith.constant 0 : i32
      %dma_start3A_72 = arith.constant 0 : i32
      %dma_start3A_73 = tpu.memref_slice %arg3[%add3A, %dma_start3A_71, %dma_start3A_72] : memref<32x80x128xi32, #tpu.memory_space<hbm>> -> memref<1x40x128xi32, #tpu.memory_space<hbm>>
      %dma_start3A_74 = tpu.memref_squeeze %dma_start3A_73 : memref<1x40x128xi32, #tpu.memory_space<hbm>> -> memref<40x128xi32, #tpu.memory_space<hbm>>
      %dma_start3A_75 = arith.constant 0 : i32
      %dma_start3A_76 = arith.constant 0 : i32
      %dma_start3A_77 = tpu.memref_slice %arg3[%add3A, %dma_start3A_75, %dma_start3A_76] : memref<32x80x128xi32, #tpu.memory_space<hbm>> -> memref<1x40x128xi32, #tpu.memory_space<hbm>>
      %dma_start3A_78 = tpu.memref_squeeze %dma_start3A_77 : memref<1x40x128xi32, #tpu.memory_space<hbm>> -> memref<40x128xi32, #tpu.memory_space<hbm>>
      tpu.enqueue_dma source(%dma_start3A_78 : memref<40x128xi32, #tpu.memory_space<hbm>>) target(%arg8 : memref<40x128xi32, #tpu.memory_space<vmem>>) target_semaphore(%run_scoped3A_70 : memref<!tpu.dma_semaphore, #tpu.memory_space<semaphore_mem>>)
      %dma_wait3A_79 = arith.constant 0 : i32
      %dma_wait3A_80 = arith.constant 0 : i32
      %dma_wait3A_81 = tpu.memref_slice %arg3[%add3A, %dma_wait3A_79, %dma_wait3A_80] : memref<32x80x128xi32, #tpu.memory_space<hbm>> -> memref<1x40x128xi32, #tpu.memory_space<hbm>>
      %dma_wait3A_82 = tpu.memref_squeeze %dma_wait3A_81 : memref<1x40x128xi32, #tpu.memory_space<hbm>> -> memref<40x128xi32, #tpu.memory_space<hbm>>
      %dma_wait3A_83 = arith.constant 0 : i32
      %dma_wait3A_84 = arith.constant 0 : i32
      %dma_wait3A_85 = tpu.memref_slice %arg3[%add3A, %dma_wait3A_83, %dma_wait3A_84] : memref<32x80x128xi32, #tpu.memory_space<hbm>> -> memref<1x40x128xi32, #tpu.memory_space<hbm>>
      %dma_wait3A_86 = tpu.memref_squeeze %dma_wait3A_85 : memref<1x40x128xi32, #tpu.memory_space<hbm>> -> memref<40x128xi32, #tpu.memory_space<hbm>>
      tpu.wait_dma2 semaphore(%run_scoped3A_70 : memref<!tpu.dma_semaphore, #tpu.memory_space<semaphore_mem>>) src(%dma_wait3A_86 : memref<40x128xi32, #tpu.memory_space<hbm>>) dst(%arg8 : memref<40x128xi32, #tpu.memory_space<vmem>>)
      tpu.yield
    }) : () -> ()
    "tpu.region"() ({
      %run_scoped3A_70 = tpu.sem_alloc : memref<!tpu.dma_semaphore, #tpu.memory_space<semaphore_mem>>
      %dma_start3A_71 = arith.constant 0 : i32
      %dma_start3A_72 = arith.constant 0 : i32
      %dma_start3A_73 = tpu.memref_slice %arg4[%add3A, %dma_start3A_71, %dma_start3A_72] : memref<32x80x128xi32, #tpu.memory_space<hbm>> -> memref<1x40x128xi32, #tpu.memory_space<hbm>>
      %dma_start3A_74 = tpu.memref_squeeze %dma_start3A_73 : memref<1x40x128xi32, #tpu.memory_space<hbm>> -> memref<40x128xi32, #tpu.memory_space<hbm>>
      %dma_start3A_75 = arith.constant 0 : i32
      %dma_start3A_76 = arith.constant 0 : i32
      %dma_start3A_77 = tpu.memref_slice %arg4[%add3A, %dma_start3A_75, %dma_start3A_76] : memref<32x80x128xi32, #tpu.memory_space<hbm>> -> memref<1x40x128xi32, #tpu.memory_space<hbm>>
      %dma_start3A_78 = tpu.memref_squeeze %dma_start3A_77 : memref<1x40x128xi32, #tpu.memory_space<hbm>> -> memref<40x128xi32, #tpu.memory_space<hbm>>
      tpu.enqueue_dma source(%dma_start3A_78 : memref<40x128xi32, #tpu.memory_space<hbm>>) target(%arg9 : memref<40x128xi32, #tpu.memory_space<vmem>>) target_semaphore(%run_scoped3A_70 : memref<!tpu.dma_semaphore, #tpu.memory_space<semaphore_mem>>)
      %dma_wait3A_79 = arith.constant 0 : i32
      %dma_wait3A_80 = arith.constant 0 : i32
      %dma_wait3A_81 = tpu.memref_slice %arg4[%add3A, %dma_wait3A_79, %dma_wait3A_80] : memref<32x80x128xi32, #tpu.memory_space<hbm>> -> memref<1x40x128xi32, #tpu.memory_space<hbm>>
      %dma_wait3A_82 = tpu.memref_squeeze %dma_wait3A_81 : memref<1x40x128xi32, #tpu.memory_space<hbm>> -> memref<40x128xi32, #tpu.memory_space<hbm>>
      %dma_wait3A_83 = arith.constant 0 : i32
      %dma_wait3A_84 = arith.constant 0 : i32
      %dma_wait3A_85 = tpu.memref_slice %arg4[%add3A, %dma_wait3A_83, %dma_wait3A_84] : memref<32x80x128xi32, #tpu.memory_space<hbm>> -> memref<1x40x128xi32, #tpu.memory_space<hbm>>
      %dma_wait3A_86 = tpu.memref_squeeze %dma_wait3A_85 : memref<1x40x128xi32, #tpu.memory_space<hbm>> -> memref<40x128xi32, #tpu.memory_space<hbm>>
      tpu.wait_dma2 semaphore(%run_scoped3A_70 : memref<!tpu.dma_semaphore, #tpu.memory_space<semaphore_mem>>) src(%dma_wait3A_86 : memref<40x128xi32, #tpu.memory_space<hbm>>) dst(%arg9 : memref<40x128xi32, #tpu.memory_space<vmem>>)
      tpu.yield
    }) : () -> ()
    %dma_start3A = arith.constant 0 : i32
    %dma_start3A_3 = arith.constant 0 : i32
    %dma_start3A_4 = tpu.memref_slice %arg8[%dma_start3A, %dma_start3A_3] : memref<40x128xi32, #tpu.memory_space<vmem>> -> memref<1x128xi32, #tpu.memory_space<vmem>>
    %dma_start3A_5 = tpu.memref_squeeze %dma_start3A_4 : memref<1x128xi32, #tpu.memory_space<vmem>> -> memref<128xi32, #tpu.memory_space<vmem>>
    %dma_start3A_6 = arith.constant 0 : i32
    %dma_start3A_7 = arith.constant 0 : i32
    %dma_start3A_8 = tpu.memref_slice %arg2[%dma_start3A_6, %dma_start3A_7] : memref<10008x128xf32, #tpu.memory_space<hbm>> -> memref<10008x128xf32, #tpu.memory_space<hbm>>
    tpu.enqueue_indirect_dma source(%dma_start3A_8 : memref<10008x128xf32, #tpu.memory_space<hbm>>) target(%arg10 : memref<128x128xf32, #tpu.memory_space<vmem>>) offsets(%dma_start3A_5 : memref<128xi32, #tpu.memory_space<vmem>>) semaphore(%arg12 : memref<!tpu.dma_semaphore, #tpu.memory_space<semaphore_mem>>)
    %dma_start3A_9 = arith.constant 1 : i32
    %dma_start3A_10 = arith.constant 0 : i32
    %dma_start3A_11 = tpu.memref_slice %arg8[%dma_start3A_9, %dma_start3A_10] : memref<40x128xi32, #tpu.memory_space<vmem>> -> memref<1x128xi32, #tpu.memory_space<vmem>>
    %dma_start3A_12 = tpu.memref_squeeze %dma_start3A_11 : memref<1x128xi32, #tpu.memory_space<vmem>> -> memref<128xi32, #tpu.memory_space<vmem>>
    %dma_start3A_13 = arith.constant 0 : i32
    %dma_start3A_14 = arith.constant 0 : i32
    %dma_start3A_15 = tpu.memref_slice %arg2[%dma_start3A_13, %dma_start3A_14] : memref<10008x128xf32, #tpu.memory_space<hbm>> -> memref<10008x128xf32, #tpu.memory_space<hbm>>
    tpu.enqueue_indirect_dma source(%dma_start3A_15 : memref<10008x128xf32, #tpu.memory_space<hbm>>) target(%arg11 : memref<128x128xf32, #tpu.memory_space<vmem>>) offsets(%dma_start3A_12 : memref<128xi32, #tpu.memory_space<vmem>>) semaphore(%arg13 : memref<!tpu.dma_semaphore, #tpu.memory_space<semaphore_mem>>)
    %scan3A = arith.constant 0 : i32
    %scan3A_16 = arith.constant 19 : i32
    %scan3A_17 = arith.addi %scan3A, %scan3A_16 : i32
    %scan3A_18 = arith.constant 1 : i32
    scf.for %scan3A_70 = %scan3A to %scan3A_17 step %scan3A_18  : i32 {
      %mul3A_71 = arith.constant 2 : i32
      %mul3A_72 = arith.muli %scan3A_70, %mul3A_71 : i32
      %add3A_73 = arith.constant 0 : i32
      %add3A_74 = arith.addi %add3A_73, %mul3A_72 : i32
      %dma_wait3A_75 = arith.constant 0 : i32
      %dma_wait3A_76 = tpu.memref_slice %arg8[%add3A_74, %dma_wait3A_75] : memref<40x128xi32, #tpu.memory_space<vmem>> -> memref<1x128xi32, #tpu.memory_space<vmem>>
      %dma_wait3A_77 = tpu.memref_squeeze %dma_wait3A_76 : memref<1x128xi32, #tpu.memory_space<vmem>> -> memref<128xi32, #tpu.memory_space<vmem>>
      %dma_wait3A_78 = arith.constant 0 : i32
      %dma_wait3A_79 = arith.constant 0 : i32
      %dma_wait3A_80 = tpu.memref_slice %arg2[%dma_wait3A_78, %dma_wait3A_79] : memref<10008x128xf32, #tpu.memory_space<hbm>> -> memref<10008x128xf32, #tpu.memory_space<hbm>>
      tpu.wait_indirect_dma semaphore(%arg12 : memref<!tpu.dma_semaphore, #tpu.memory_space<semaphore_mem>>) src(%dma_wait3A_80 : memref<10008x128xf32, #tpu.memory_space<hbm>>) dst(%arg10 : memref<128x128xf32, #tpu.memory_space<vmem>>)
      "tpu.region"() ({
        %run_scoped3A_103 = tpu.sem_alloc : memref<!tpu.dma_semaphore, #tpu.memory_space<semaphore_mem>>
        %dma_start3A_104 = arith.constant 0 : i32
        %dma_start3A_105 = tpu.memref_slice %arg9[%add3A_74, %dma_start3A_104] : memref<40x128xi32, #tpu.memory_space<vmem>> -> memref<1x128xi32, #tpu.memory_space<vmem>>
        %dma_start3A_106 = tpu.memref_squeeze %dma_start3A_105 : memref<1x128xi32, #tpu.memory_space<vmem>> -> memref<128xi32, #tpu.memory_space<vmem>>
        %dma_start3A_107 = arith.constant 0 : i32
        %dma_start3A_108 = arith.constant 0 : i32
        %dma_start3A_109 = tpu.memref_slice %arg7[%dma_start3A_107, %dma_start3A_108] : memref<10112x128xf32, #tpu.memory_space<vmem_shared>> -> memref<10112x128xf32, #tpu.memory_space<vmem_shared>>
        tpu.enqueue_indirect_dma source(%arg10 : memref<128x128xf32, #tpu.memory_space<vmem>>) target(%dma_start3A_109 : memref<10112x128xf32, #tpu.memory_space<vmem_shared>>) offsets(%dma_start3A_106 : memref<128xi32, #tpu.memory_space<vmem>>) semaphore(%run_scoped3A_103 : memref<!tpu.dma_semaphore, #tpu.memory_space<semaphore_mem>>) {add = true}
        %dma_wait3A_110 = arith.constant 0 : i32
        %dma_wait3A_111 = tpu.memref_slice %arg9[%add3A_74, %dma_wait3A_110] : memref<40x128xi32, #tpu.memory_space<vmem>> -> memref<1x128xi32, #tpu.memory_space<vmem>>
        %dma_wait3A_112 = tpu.memref_squeeze %dma_wait3A_111 : memref<1x128xi32, #tpu.memory_space<vmem>> -> memref<128xi32, #tpu.memory_space<vmem>>
        %dma_wait3A_113 = arith.constant 0 : i32
        %dma_wait3A_114 = arith.constant 0 : i32
        %dma_wait3A_115 = tpu.memref_slice %arg7[%dma_wait3A_113, %dma_wait3A_114] : memref<10112x128xf32, #tpu.memory_space<vmem_shared>> -> memref<10112x128xf32, #tpu.memory_space<vmem_shared>>
        tpu.wait_indirect_dma semaphore(%run_scoped3A_103 : memref<!tpu.dma_semaphore, #tpu.memory_space<semaphore_mem>>) src(%arg10 : memref<128x128xf32, #tpu.memory_space<vmem>>) dst(%dma_wait3A_115 : memref<10112x128xf32, #tpu.memory_space<vmem_shared>>)
        tpu.yield
      }) : () -> ()
      %add3A_81 = arith.constant 2 : i32
      %add3A_82 = arith.addi %add3A_74, %add3A_81 : i32
      %dma_start3A_83 = arith.constant 0 : i32
      %dma_start3A_84 = tpu.memref_slice %arg8[%add3A_82, %dma_start3A_83] : memref<40x128xi32, #tpu.memory_space<vmem>> -> memref<1x128xi32, #tpu.memory_space<vmem>>
      %dma_start3A_85 = tpu.memref_squeeze %dma_start3A_84 : memref<1x128xi32, #tpu.memory_space<vmem>> -> memref<128xi32, #tpu.memory_space<vmem>>
      %dma_start3A_86 = arith.constant 0 : i32
      %dma_start3A_87 = arith.constant 0 : i32
      %dma_start3A_88 = tpu.memref_slice %arg2[%dma_start3A_86, %dma_start3A_87] : memref<10008x128xf32, #tpu.memory_space<hbm>> -> memref<10008x128xf32, #tpu.memory_space<hbm>>
      tpu.enqueue_indirect_dma source(%dma_start3A_88 : memref<10008x128xf32, #tpu.memory_space<hbm>>) target(%arg10 : memref<128x128xf32, #tpu.memory_space<vmem>>) offsets(%dma_start3A_85 : memref<128xi32, #tpu.memory_space<vmem>>) semaphore(%arg12 : memref<!tpu.dma_semaphore, #tpu.memory_space<semaphore_mem>>)
      %add3A_89 = arith.constant 1 : i32
      %add3A_90 = arith.addi %add3A_74, %add3A_89 : i32
      %dma_wait3A_91 = arith.constant 0 : i32
      %dma_wait3A_92 = tpu.memref_slice %arg8[%add3A_90, %dma_wait3A_91] : memref<40x128xi32, #tpu.memory_space<vmem>> -> memref<1x128xi32, #tpu.memory_space<vmem>>
      %dma_wait3A_93 = tpu.memref_squeeze %dma_wait3A_92 : memref<1x128xi32, #tpu.memory_space<vmem>> -> memref<128xi32, #tpu.memory_space<vmem>>
      %dma_wait3A_94 = arith.constant 0 : i32
      %dma_wait3A_95 = arith.constant 0 : i32
      %dma_wait3A_96 = tpu.memref_slice %arg2[%dma_wait3A_94, %dma_wait3A_95] : memref<10008x128xf32, #tpu.memory_space<hbm>> -> memref<10008x128xf32, #tpu.memory_space<hbm>>
      tpu.wait_indirect_dma semaphore(%arg13 : memref<!tpu.dma_semaphore, #tpu.memory_space<semaphore_mem>>) src(%dma_wait3A_96 : memref<10008x128xf32, #tpu.memory_space<hbm>>) dst(%arg11 : memref<128x128xf32, #tpu.memory_space<vmem>>)
      %add3A_97 = arith.constant 1 : i32
      %add3A_98 = arith.addi %add3A_74, %add3A_97 : i32
      "tpu.region"() ({
        %run_scoped3A_103 = tpu.sem_alloc : memref<!tpu.dma_semaphore, #tpu.memory_space<semaphore_mem>>
        %dma_start3A_104 = arith.constant 0 : i32
        %dma_start3A_105 = tpu.memref_slice %arg9[%add3A_98, %dma_start3A_104] : memref<40x128xi32, #tpu.memory_space<vmem>> -> memref<1x128xi32, #tpu.memory_space<vmem>>
        %dma_start3A_106 = tpu.memref_squeeze %dma_start3A_105 : memref<1x128xi32, #tpu.memory_space<vmem>> -> memref<128xi32, #tpu.memory_space<vmem>>
        %dma_start3A_107 = arith.constant 0 : i32
        %dma_start3A_108 = arith.constant 0 : i32
        %dma_start3A_109 = tpu.memref_slice %arg7[%dma_start3A_107, %dma_start3A_108] : memref<10112x128xf32, #tpu.memory_space<vmem_shared>> -> memref<10112x128xf32, #tpu.memory_space<vmem_shared>>
        tpu.enqueue_indirect_dma source(%arg11 : memref<128x128xf32, #tpu.memory_space<vmem>>) target(%dma_start3A_109 : memref<10112x128xf32, #tpu.memory_space<vmem_shared>>) offsets(%dma_start3A_106 : memref<128xi32, #tpu.memory_space<vmem>>) semaphore(%run_scoped3A_103 : memref<!tpu.dma_semaphore, #tpu.memory_space<semaphore_mem>>) {add = true}
        %dma_wait3A_110 = arith.constant 0 : i32
        %dma_wait3A_111 = tpu.memref_slice %arg9[%add3A_98, %dma_wait3A_110] : memref<40x128xi32, #tpu.memory_space<vmem>> -> memref<1x128xi32, #tpu.memory_space<vmem>>
        %dma_wait3A_112 = tpu.memref_squeeze %dma_wait3A_111 : memref<1x128xi32, #tpu.memory_space<vmem>> -> memref<128xi32, #tpu.memory_space<vmem>>
        %dma_wait3A_113 = arith.constant 0 : i32
        %dma_wait3A_114 = arith.constant 0 : i32
        %dma_wait3A_115 = tpu.memref_slice %arg7[%dma_wait3A_113, %dma_wait3A_114] : memref<10112x128xf32, #tpu.memory_space<vmem_shared>> -> memref<10112x128xf32, #tpu.memory_space<vmem_shared>>
        tpu.wait_indirect_dma semaphore(%run_scoped3A_103 : memref<!tpu.dma_semaphore, #tpu.memory_space<semaphore_mem>>) src(%arg11 : memref<128x128xf32, #tpu.memory_space<vmem>>) dst(%dma_wait3A_115 : memref<10112x128xf32, #tpu.memory_space<vmem_shared>>)
        tpu.yield
      }) : () -> ()
      %add3A_99 = arith.constant 3 : i32
      %add3A_100 = arith.addi %add3A_74, %add3A_99 : i32
      %lt3A = arith.constant 40 : i32
      %lt3A_101 = arith.cmpi slt, %add3A_100, %lt3A : i32
      %convert_element_type3A = arith.extui %lt3A_101 : i1 to i32
      %cond3A = arith.constant 0 : i32
      %cond3A_102 = arith.cmpi ne, %convert_element_type3A, %cond3A : i32
      scf.if %cond3A_102 {
        %add3A_103 = arith.constant 3 : i32
        %add3A_104 = arith.addi %add3A_74, %add3A_103 : i32
        %dma_start3A_105 = arith.constant 0 : i32
        %dma_start3A_106 = tpu.memref_slice %arg8[%add3A_104, %dma_start3A_105] : memref<40x128xi32, #tpu.memory_space<vmem>> -> memref<1x128xi32, #tpu.memory_space<vmem>>
        %dma_start3A_107 = tpu.memref_squeeze %dma_start3A_106 : memref<1x128xi32, #tpu.memory_space<vmem>> -> memref<128xi32, #tpu.memory_space<vmem>>
        %dma_start3A_108 = arith.constant 0 : i32
        %dma_start3A_109 = arith.constant 0 : i32
        %dma_start3A_110 = tpu.memref_slice %arg2[%dma_start3A_108, %dma_start3A_109] : memref<10008x128xf32, #tpu.memory_space<hbm>> -> memref<10008x128xf32, #tpu.memory_space<hbm>>
        tpu.enqueue_indirect_dma source(%dma_start3A_110 : memref<10008x128xf32, #tpu.memory_space<hbm>>) target(%arg11 : memref<128x128xf32, #tpu.memory_space<vmem>>) offsets(%dma_start3A_107 : memref<128xi32, #tpu.memory_space<vmem>>) semaphore(%arg13 : memref<!tpu.dma_semaphore, #tpu.memory_space<semaphore_mem>>)
      } else {
      }
    }
    %scan3A_19 = arith.constant 19 : i32
    %dma_wait3A = arith.constant 38 : i32
    %dma_wait3A_20 = arith.constant 0 : i32
    %dma_wait3A_21 = tpu.memref_slice %arg8[%dma_wait3A, %dma_wait3A_20] : memref<40x128xi32, #tpu.memory_space<vmem>> -> memref<1x128xi32, #tpu.memory_space<vmem>>
    %dma_wait3A_22 = tpu.memref_squeeze %dma_wait3A_21 : memref<1x128xi32, #tpu.memory_space<vmem>> -> memref<128xi32, #tpu.memory_space<vmem>>
    %dma_wait3A_23 = arith.constant 0 : i32
    %dma_wait3A_24 = arith.constant 0 : i32
    %dma_wait3A_25 = tpu.memref_slice %arg2[%dma_wait3A_23, %dma_wait3A_24] : memref<10008x128xf32, #tpu.memory_space<hbm>> -> memref<10008x128xf32, #tpu.memory_space<hbm>>
    tpu.wait_indirect_dma semaphore(%arg12 : memref<!tpu.dma_semaphore, #tpu.memory_space<semaphore_mem>>) src(%dma_wait3A_25 : memref<10008x128xf32, #tpu.memory_space<hbm>>) dst(%arg10 : memref<128x128xf32, #tpu.memory_space<vmem>>)
    %run_scoped3A = arith.constant 38 : i32
    "tpu.region"() ({
      %run_scoped3A_70 = tpu.sem_alloc : memref<!tpu.dma_semaphore, #tpu.memory_space<semaphore_mem>>
      %dma_start3A_71 = arith.constant 0 : i32
      %dma_start3A_72 = tpu.memref_slice %arg9[%run_scoped3A, %dma_start3A_71] : memref<40x128xi32, #tpu.memory_space<vmem>> -> memref<1x128xi32, #tpu.memory_space<vmem>>
      %dma_start3A_73 = tpu.memref_squeeze %dma_start3A_72 : memref<1x128xi32, #tpu.memory_space<vmem>> -> memref<128xi32, #tpu.memory_space<vmem>>
      %dma_start3A_74 = arith.constant 0 : i32
      %dma_start3A_75 = arith.constant 0 : i32
      %dma_start3A_76 = tpu.memref_slice %arg7[%dma_start3A_74, %dma_start3A_75] : memref<10112x128xf32, #tpu.memory_space<vmem_shared>> -> memref<10112x128xf32, #tpu.memory_space<vmem_shared>>
      tpu.enqueue_indirect_dma source(%arg10 : memref<128x128xf32, #tpu.memory_space<vmem>>) target(%dma_start3A_76 : memref<10112x128xf32, #tpu.memory_space<vmem_shared>>) offsets(%dma_start3A_73 : memref<128xi32, #tpu.memory_space<vmem>>) semaphore(%run_scoped3A_70 : memref<!tpu.dma_semaphore, #tpu.memory_space<semaphore_mem>>) {add = true}
      %dma_wait3A_77 = arith.constant 0 : i32
      %dma_wait3A_78 = tpu.memref_slice %arg9[%run_scoped3A, %dma_wait3A_77] : memref<40x128xi32, #tpu.memory_space<vmem>> -> memref<1x128xi32, #tpu.memory_space<vmem>>
      %dma_wait3A_79 = tpu.memref_squeeze %dma_wait3A_78 : memref<1x128xi32, #tpu.memory_space<vmem>> -> memref<128xi32, #tpu.memory_space<vmem>>
      %dma_wait3A_80 = arith.constant 0 : i32
      %dma_wait3A_81 = arith.constant 0 : i32
      %dma_wait3A_82 = tpu.memref_slice %arg7[%dma_wait3A_80, %dma_wait3A_81] : memref<10112x128xf32, #tpu.memory_space<vmem_shared>> -> memref<10112x128xf32, #tpu.memory_space<vmem_shared>>
      tpu.wait_indirect_dma semaphore(%run_scoped3A_70 : memref<!tpu.dma_semaphore, #tpu.memory_space<semaphore_mem>>) src(%arg10 : memref<128x128xf32, #tpu.memory_space<vmem>>) dst(%dma_wait3A_82 : memref<10112x128xf32, #tpu.memory_space<vmem_shared>>)
      tpu.yield
    }) : () -> ()
    %dma_wait3A_26 = arith.constant 39 : i32
    %dma_wait3A_27 = arith.constant 0 : i32
    %dma_wait3A_28 = tpu.memref_slice %arg8[%dma_wait3A_26, %dma_wait3A_27] : memref<40x128xi32, #tpu.memory_space<vmem>> -> memref<1x128xi32, #tpu.memory_space<vmem>>
    %dma_wait3A_29 = tpu.memref_squeeze %dma_wait3A_28 : memref<1x128xi32, #tpu.memory_space<vmem>> -> memref<128xi32, #tpu.memory_space<vmem>>
    %dma_wait3A_30 = arith.constant 0 : i32
    %dma_wait3A_31 = arith.constant 0 : i32
    %dma_wait3A_32 = tpu.memref_slice %arg2[%dma_wait3A_30, %dma_wait3A_31] : memref<10008x128xf32, #tpu.memory_space<hbm>> -> memref<10008x128xf32, #tpu.memory_space<hbm>>
    tpu.wait_indirect_dma semaphore(%arg13 : memref<!tpu.dma_semaphore, #tpu.memory_space<semaphore_mem>>) src(%dma_wait3A_32 : memref<10008x128xf32, #tpu.memory_space<hbm>>) dst(%arg11 : memref<128x128xf32, #tpu.memory_space<vmem>>)
    %run_scoped3A_33 = arith.constant 39 : i32
    "tpu.region"() ({
      %run_scoped3A_70 = tpu.sem_alloc : memref<!tpu.dma_semaphore, #tpu.memory_space<semaphore_mem>>
      %dma_start3A_71 = arith.constant 0 : i32
      %dma_start3A_72 = tpu.memref_slice %arg9[%run_scoped3A_33, %dma_start3A_71] : memref<40x128xi32, #tpu.memory_space<vmem>> -> memref<1x128xi32, #tpu.memory_space<vmem>>
      %dma_start3A_73 = tpu.memref_squeeze %dma_start3A_72 : memref<1x128xi32, #tpu.memory_space<vmem>> -> memref<128xi32, #tpu.memory_space<vmem>>
      %dma_start3A_74 = arith.constant 0 : i32
      %dma_start3A_75 = arith.constant 0 : i32
      %dma_start3A_76 = tpu.memref_slice %arg7[%dma_start3A_74, %dma_start3A_75] : memref<10112x128xf32, #tpu.memory_space<vmem_shared>> -> memref<10112x128xf32, #tpu.memory_space<vmem_shared>>
      tpu.enqueue_indirect_dma source(%arg11 : memref<128x128xf32, #tpu.memory_space<vmem>>) target(%dma_start3A_76 : memref<10112x128xf32, #tpu.memory_space<vmem_shared>>) offsets(%dma_start3A_73 : memref<128xi32, #tpu.memory_space<vmem>>) semaphore(%run_scoped3A_70 : memref<!tpu.dma_semaphore, #tpu.memory_space<semaphore_mem>>) {add = true}
      %dma_wait3A_77 = arith.constant 0 : i32
      %dma_wait3A_78 = tpu.memref_slice %arg9[%run_scoped3A_33, %dma_wait3A_77] : memref<40x128xi32, #tpu.memory_space<vmem>> -> memref<1x128xi32, #tpu.memory_space<vmem>>
      %dma_wait3A_79 = tpu.memref_squeeze %dma_wait3A_78 : memref<1x128xi32, #tpu.memory_space<vmem>> -> memref<128xi32, #tpu.memory_space<vmem>>
      %dma_wait3A_80 = arith.constant 0 : i32
      %dma_wait3A_81 = arith.constant 0 : i32
      %dma_wait3A_82 = tpu.memref_slice %arg7[%dma_wait3A_80, %dma_wait3A_81] : memref<10112x128xf32, #tpu.memory_space<vmem_shared>> -> memref<10112x128xf32, #tpu.memory_space<vmem_shared>>
      tpu.wait_indirect_dma semaphore(%run_scoped3A_70 : memref<!tpu.dma_semaphore, #tpu.memory_space<semaphore_mem>>) src(%arg11 : memref<128x128xf32, #tpu.memory_space<vmem>>) dst(%dma_wait3A_82 : memref<10112x128xf32, #tpu.memory_space<vmem_shared>>)
      tpu.yield
    }) : () -> ()
    "tpu.region"() ({
      %run_scoped3A_70 = tpu.sem_alloc : memref<!tpu.dma_semaphore, #tpu.memory_space<semaphore_mem>>
      %dma_start3A_71 = arith.constant 40 : i32
      %dma_start3A_72 = arith.constant 0 : i32
      %dma_start3A_73 = tpu.memref_slice %arg3[%add3A, %dma_start3A_71, %dma_start3A_72] : memref<32x80x128xi32, #tpu.memory_space<hbm>> -> memref<1x40x128xi32, #tpu.memory_space<hbm>>
      %dma_start3A_74 = tpu.memref_squeeze %dma_start3A_73 : memref<1x40x128xi32, #tpu.memory_space<hbm>> -> memref<40x128xi32, #tpu.memory_space<hbm>>
      %dma_start3A_75 = arith.constant 40 : i32
      %dma_start3A_76 = arith.constant 0 : i32
      %dma_start3A_77 = tpu.memref_slice %arg3[%add3A, %dma_start3A_75, %dma_start3A_76] : memref<32x80x128xi32, #tpu.memory_space<hbm>> -> memref<1x40x128xi32, #tpu.memory_space<hbm>>
      %dma_start3A_78 = tpu.memref_squeeze %dma_start3A_77 : memref<1x40x128xi32, #tpu.memory_space<hbm>> -> memref<40x128xi32, #tpu.memory_space<hbm>>
      tpu.enqueue_dma source(%dma_start3A_78 : memref<40x128xi32, #tpu.memory_space<hbm>>) target(%arg8 : memref<40x128xi32, #tpu.memory_space<vmem>>) target_semaphore(%run_scoped3A_70 : memref<!tpu.dma_semaphore, #tpu.memory_space<semaphore_mem>>)
      %dma_wait3A_79 = arith.constant 40 : i32
      %dma_wait3A_80 = arith.constant 0 : i32
      %dma_wait3A_81 = tpu.memref_slice %arg3[%add3A, %dma_wait3A_79, %dma_wait3A_80] : memref<32x80x128xi32, #tpu.memory_space<hbm>> -> memref<1x40x128xi32, #tpu.memory_space<hbm>>
      %dma_wait3A_82 = tpu.memref_squeeze %dma_wait3A_81 : memref<1x40x128xi32, #tpu.memory_space<hbm>> -> memref<40x128xi32, #tpu.memory_space<hbm>>
      %dma_wait3A_83 = arith.constant 40 : i32
      %dma_wait3A_84 = arith.constant 0 : i32
      %dma_wait3A_85 = tpu.memref_slice %arg3[%add3A, %dma_wait3A_83, %dma_wait3A_84] : memref<32x80x128xi32, #tpu.memory_space<hbm>> -> memref<1x40x128xi32, #tpu.memory_space<hbm>>
      %dma_wait3A_86 = tpu.memref_squeeze %dma_wait3A_85 : memref<1x40x128xi32, #tpu.memory_space<hbm>> -> memref<40x128xi32, #tpu.memory_space<hbm>>
      tpu.wait_dma2 semaphore(%run_scoped3A_70 : memref<!tpu.dma_semaphore, #tpu.memory_space<semaphore_mem>>) src(%dma_wait3A_86 : memref<40x128xi32, #tpu.memory_space<hbm>>) dst(%arg8 : memref<40x128xi32, #tpu.memory_space<vmem>>)
      tpu.yield
    }) : () -> ()
    "tpu.region"() ({
      %run_scoped3A_70 = tpu.sem_alloc : memref<!tpu.dma_semaphore, #tpu.memory_space<semaphore_mem>>
      %dma_start3A_71 = arith.constant 40 : i32
      %dma_start3A_72 = arith.constant 0 : i32
      %dma_start3A_73 = tpu.memref_slice %arg4[%add3A, %dma_start3A_71, %dma_start3A_72] : memref<32x80x128xi32, #tpu.memory_space<hbm>> -> memref<1x40x128xi32, #tpu.memory_space<hbm>>
      %dma_start3A_74 = tpu.memref_squeeze %dma_start3A_73 : memref<1x40x128xi32, #tpu.memory_space<hbm>> -> memref<40x128xi32, #tpu.memory_space<hbm>>
      %dma_start3A_75 = arith.constant 40 : i32
      %dma_start3A_76 = arith.constant 0 : i32
      %dma_start3A_77 = tpu.memref_slice %arg4[%add3A, %dma_start3A_75, %dma_start3A_76] : memref<32x80x128xi32, #tpu.memory_space<hbm>> -> memref<1x40x128xi32, #tpu.memory_space<hbm>>
      %dma_start3A_78 = tpu.memref_squeeze %dma_start3A_77 : memref<1x40x128xi32, #tpu.memory_space<hbm>> -> memref<40x128xi32, #tpu.memory_space<hbm>>
      tpu.enqueue_dma source(%dma_start3A_78 : memref<40x128xi32, #tpu.memory_space<hbm>>) target(%arg9 : memref<40x128xi32, #tpu.memory_space<vmem>>) target_semaphore(%run_scoped3A_70 : memref<!tpu.dma_semaphore, #tpu.memory_space<semaphore_mem>>)
      %dma_wait3A_79 = arith.constant 40 : i32
      %dma_wait3A_80 = arith.constant 0 : i32
      %dma_wait3A_81 = tpu.memref_slice %arg4[%add3A, %dma_wait3A_79, %dma_wait3A_80] : memref<32x80x128xi32, #tpu.memory_space<hbm>> -> memref<1x40x128xi32, #tpu.memory_space<hbm>>
      %dma_wait3A_82 = tpu.memref_squeeze %dma_wait3A_81 : memref<1x40x128xi32, #tpu.memory_space<hbm>> -> memref<40x128xi32, #tpu.memory_space<hbm>>
      %dma_wait3A_83 = arith.constant 40 : i32
      %dma_wait3A_84 = arith.constant 0 : i32
      %dma_wait3A_85 = tpu.memref_slice %arg4[%add3A, %dma_wait3A_83, %dma_wait3A_84] : memref<32x80x128xi32, #tpu.memory_space<hbm>> -> memref<1x40x128xi32, #tpu.memory_space<hbm>>
      %dma_wait3A_86 = tpu.memref_squeeze %dma_wait3A_85 : memref<1x40x128xi32, #tpu.memory_space<hbm>> -> memref<40x128xi32, #tpu.memory_space<hbm>>
      tpu.wait_dma2 semaphore(%run_scoped3A_70 : memref<!tpu.dma_semaphore, #tpu.memory_space<semaphore_mem>>) src(%dma_wait3A_86 : memref<40x128xi32, #tpu.memory_space<hbm>>) dst(%arg9 : memref<40x128xi32, #tpu.memory_space<vmem>>)
      tpu.yield
    }) : () -> ()
    %dma_start3A_34 = arith.constant 0 : i32
    %dma_start3A_35 = arith.constant 0 : i32
    %dma_start3A_36 = tpu.memref_slice %arg8[%dma_start3A_34, %dma_start3A_35] : memref<40x128xi32, #tpu.memory_space<vmem>> -> memref<1x128xi32, #tpu.memory_space<vmem>>
    %dma_start3A_37 = tpu.memref_squeeze %dma_start3A_36 : memref<1x128xi32, #tpu.memory_space<vmem>> -> memref<128xi32, #tpu.memory_space<vmem>>
    %dma_start3A_38 = arith.constant 0 : i32
    %dma_start3A_39 = arith.constant 0 : i32
    %dma_start3A_40 = tpu.memref_slice %arg2[%dma_start3A_38, %dma_start3A_39] : memref<10008x128xf32, #tpu.memory_space<hbm>> -> memref<10008x128xf32, #tpu.memory_space<hbm>>
    tpu.enqueue_indirect_dma source(%dma_start3A_40 : memref<10008x128xf32, #tpu.memory_space<hbm>>) target(%arg10 : memref<128x128xf32, #tpu.memory_space<vmem>>) offsets(%dma_start3A_37 : memref<128xi32, #tpu.memory_space<vmem>>) semaphore(%arg12 : memref<!tpu.dma_semaphore, #tpu.memory_space<semaphore_mem>>)
    %dma_start3A_41 = arith.constant 1 : i32
    %dma_start3A_42 = arith.constant 0 : i32
    %dma_start3A_43 = tpu.memref_slice %arg8[%dma_start3A_41, %dma_start3A_42] : memref<40x128xi32, #tpu.memory_space<vmem>> -> memref<1x128xi32, #tpu.memory_space<vmem>>
    %dma_start3A_44 = tpu.memref_squeeze %dma_start3A_43 : memref<1x128xi32, #tpu.memory_space<vmem>> -> memref<128xi32, #tpu.memory_space<vmem>>
    %dma_start3A_45 = arith.constant 0 : i32
    %dma_start3A_46 = arith.constant 0 : i32
    %dma_start3A_47 = tpu.memref_slice %arg2[%dma_start3A_45, %dma_start3A_46] : memref<10008x128xf32, #tpu.memory_space<hbm>> -> memref<10008x128xf32, #tpu.memory_space<hbm>>
    tpu.enqueue_indirect_dma source(%dma_start3A_47 : memref<10008x128xf32, #tpu.memory_space<hbm>>) target(%arg11 : memref<128x128xf32, #tpu.memory_space<vmem>>) offsets(%dma_start3A_44 : memref<128xi32, #tpu.memory_space<vmem>>) semaphore(%arg13 : memref<!tpu.dma_semaphore, #tpu.memory_space<semaphore_mem>>)
    %scan3A_48 = arith.constant 0 : i32
    %scan3A_49 = arith.constant 19 : i32
    %scan3A_50 = arith.addi %scan3A_48, %scan3A_49 : i32
    %scan3A_51 = arith.constant 1 : i32
    scf.for %scan3A_70 = %scan3A_48 to %scan3A_50 step %scan3A_51  : i32 {
      %mul3A_71 = arith.constant 2 : i32
      %mul3A_72 = arith.muli %scan3A_70, %mul3A_71 : i32
      %add3A_73 = arith.constant 0 : i32
      %add3A_74 = arith.addi %add3A_73, %mul3A_72 : i32
      %dma_wait3A_75 = arith.constant 0 : i32
      %dma_wait3A_76 = tpu.memref_slice %arg8[%add3A_74, %dma_wait3A_75] : memref<40x128xi32, #tpu.memory_space<vmem>> -> memref<1x128xi32, #tpu.memory_space<vmem>>
      %dma_wait3A_77 = tpu.memref_squeeze %dma_wait3A_76 : memref<1x128xi32, #tpu.memory_space<vmem>> -> memref<128xi32, #tpu.memory_space<vmem>>
      %dma_wait3A_78 = arith.constant 0 : i32
      %dma_wait3A_79 = arith.constant 0 : i32
      %dma_wait3A_80 = tpu.memref_slice %arg2[%dma_wait3A_78, %dma_wait3A_79] : memref<10008x128xf32, #tpu.memory_space<hbm>> -> memref<10008x128xf32, #tpu.memory_space<hbm>>
      tpu.wait_indirect_dma semaphore(%arg12 : memref<!tpu.dma_semaphore, #tpu.memory_space<semaphore_mem>>) src(%dma_wait3A_80 : memref<10008x128xf32, #tpu.memory_space<hbm>>) dst(%arg10 : memref<128x128xf32, #tpu.memory_space<vmem>>)
      "tpu.region"() ({
        %run_scoped3A_103 = tpu.sem_alloc : memref<!tpu.dma_semaphore, #tpu.memory_space<semaphore_mem>>
        %dma_start3A_104 = arith.constant 0 : i32
        %dma_start3A_105 = tpu.memref_slice %arg9[%add3A_74, %dma_start3A_104] : memref<40x128xi32, #tpu.memory_space<vmem>> -> memref<1x128xi32, #tpu.memory_space<vmem>>
        %dma_start3A_106 = tpu.memref_squeeze %dma_start3A_105 : memref<1x128xi32, #tpu.memory_space<vmem>> -> memref<128xi32, #tpu.memory_space<vmem>>
        %dma_start3A_107 = arith.constant 0 : i32
        %dma_start3A_108 = arith.constant 0 : i32
        %dma_start3A_109 = tpu.memref_slice %arg7[%dma_start3A_107, %dma_start3A_108] : memref<10112x128xf32, #tpu.memory_space<vmem_shared>> -> memref<10112x128xf32, #tpu.memory_space<vmem_shared>>
        tpu.enqueue_indirect_dma source(%arg10 : memref<128x128xf32, #tpu.memory_space<vmem>>) target(%dma_start3A_109 : memref<10112x128xf32, #tpu.memory_space<vmem_shared>>) offsets(%dma_start3A_106 : memref<128xi32, #tpu.memory_space<vmem>>) semaphore(%run_scoped3A_103 : memref<!tpu.dma_semaphore, #tpu.memory_space<semaphore_mem>>) {add = true}
        %dma_wait3A_110 = arith.constant 0 : i32
        %dma_wait3A_111 = tpu.memref_slice %arg9[%add3A_74, %dma_wait3A_110] : memref<40x128xi32, #tpu.memory_space<vmem>> -> memref<1x128xi32, #tpu.memory_space<vmem>>
        %dma_wait3A_112 = tpu.memref_squeeze %dma_wait3A_111 : memref<1x128xi32, #tpu.memory_space<vmem>> -> memref<128xi32, #tpu.memory_space<vmem>>
        %dma_wait3A_113 = arith.constant 0 : i32
        %dma_wait3A_114 = arith.constant 0 : i32
        %dma_wait3A_115 = tpu.memref_slice %arg7[%dma_wait3A_113, %dma_wait3A_114] : memref<10112x128xf32, #tpu.memory_space<vmem_shared>> -> memref<10112x128xf32, #tpu.memory_space<vmem_shared>>
        tpu.wait_indirect_dma semaphore(%run_scoped3A_103 : memref<!tpu.dma_semaphore, #tpu.memory_space<semaphore_mem>>) src(%arg10 : memref<128x128xf32, #tpu.memory_space<vmem>>) dst(%dma_wait3A_115 : memref<10112x128xf32, #tpu.memory_space<vmem_shared>>)
        tpu.yield
      }) : () -> ()
      %add3A_81 = arith.constant 2 : i32
      %add3A_82 = arith.addi %add3A_74, %add3A_81 : i32
      %dma_start3A_83 = arith.constant 0 : i32
      %dma_start3A_84 = tpu.memref_slice %arg8[%add3A_82, %dma_start3A_83] : memref<40x128xi32, #tpu.memory_space<vmem>> -> memref<1x128xi32, #tpu.memory_space<vmem>>
      %dma_start3A_85 = tpu.memref_squeeze %dma_start3A_84 : memref<1x128xi32, #tpu.memory_space<vmem>> -> memref<128xi32, #tpu.memory_space<vmem>>
      %dma_start3A_86 = arith.constant 0 : i32
      %dma_start3A_87 = arith.constant 0 : i32
      %dma_start3A_88 = tpu.memref_slice %arg2[%dma_start3A_86, %dma_start3A_87] : memref<10008x128xf32, #tpu.memory_space<hbm>> -> memref<10008x128xf32, #tpu.memory_space<hbm>>
      tpu.enqueue_indirect_dma source(%dma_start3A_88 : memref<10008x128xf32, #tpu.memory_space<hbm>>) target(%arg10 : memref<128x128xf32, #tpu.memory_space<vmem>>) offsets(%dma_start3A_85 : memref<128xi32, #tpu.memory_space<vmem>>) semaphore(%arg12 : memref<!tpu.dma_semaphore, #tpu.memory_space<semaphore_mem>>)
      %add3A_89 = arith.constant 1 : i32
      %add3A_90 = arith.addi %add3A_74, %add3A_89 : i32
      %dma_wait3A_91 = arith.constant 0 : i32
      %dma_wait3A_92 = tpu.memref_slice %arg8[%add3A_90, %dma_wait3A_91] : memref<40x128xi32, #tpu.memory_space<vmem>> -> memref<1x128xi32, #tpu.memory_space<vmem>>
      %dma_wait3A_93 = tpu.memref_squeeze %dma_wait3A_92 : memref<1x128xi32, #tpu.memory_space<vmem>> -> memref<128xi32, #tpu.memory_space<vmem>>
      %dma_wait3A_94 = arith.constant 0 : i32
      %dma_wait3A_95 = arith.constant 0 : i32
      %dma_wait3A_96 = tpu.memref_slice %arg2[%dma_wait3A_94, %dma_wait3A_95] : memref<10008x128xf32, #tpu.memory_space<hbm>> -> memref<10008x128xf32, #tpu.memory_space<hbm>>
      tpu.wait_indirect_dma semaphore(%arg13 : memref<!tpu.dma_semaphore, #tpu.memory_space<semaphore_mem>>) src(%dma_wait3A_96 : memref<10008x128xf32, #tpu.memory_space<hbm>>) dst(%arg11 : memref<128x128xf32, #tpu.memory_space<vmem>>)
      %add3A_97 = arith.constant 1 : i32
      %add3A_98 = arith.addi %add3A_74, %add3A_97 : i32
      "tpu.region"() ({
        %run_scoped3A_103 = tpu.sem_alloc : memref<!tpu.dma_semaphore, #tpu.memory_space<semaphore_mem>>
        %dma_start3A_104 = arith.constant 0 : i32
        %dma_start3A_105 = tpu.memref_slice %arg9[%add3A_98, %dma_start3A_104] : memref<40x128xi32, #tpu.memory_space<vmem>> -> memref<1x128xi32, #tpu.memory_space<vmem>>
        %dma_start3A_106 = tpu.memref_squeeze %dma_start3A_105 : memref<1x128xi32, #tpu.memory_space<vmem>> -> memref<128xi32, #tpu.memory_space<vmem>>
        %dma_start3A_107 = arith.constant 0 : i32
        %dma_start3A_108 = arith.constant 0 : i32
        %dma_start3A_109 = tpu.memref_slice %arg7[%dma_start3A_107, %dma_start3A_108] : memref<10112x128xf32, #tpu.memory_space<vmem_shared>> -> memref<10112x128xf32, #tpu.memory_space<vmem_shared>>
        tpu.enqueue_indirect_dma source(%arg11 : memref<128x128xf32, #tpu.memory_space<vmem>>) target(%dma_start3A_109 : memref<10112x128xf32, #tpu.memory_space<vmem_shared>>) offsets(%dma_start3A_106 : memref<128xi32, #tpu.memory_space<vmem>>) semaphore(%run_scoped3A_103 : memref<!tpu.dma_semaphore, #tpu.memory_space<semaphore_mem>>) {add = true}
        %dma_wait3A_110 = arith.constant 0 : i32
        %dma_wait3A_111 = tpu.memref_slice %arg9[%add3A_98, %dma_wait3A_110] : memref<40x128xi32, #tpu.memory_space<vmem>> -> memref<1x128xi32, #tpu.memory_space<vmem>>
        %dma_wait3A_112 = tpu.memref_squeeze %dma_wait3A_111 : memref<1x128xi32, #tpu.memory_space<vmem>> -> memref<128xi32, #tpu.memory_space<vmem>>
        %dma_wait3A_113 = arith.constant 0 : i32
        %dma_wait3A_114 = arith.constant 0 : i32
        %dma_wait3A_115 = tpu.memref_slice %arg7[%dma_wait3A_113, %dma_wait3A_114] : memref<10112x128xf32, #tpu.memory_space<vmem_shared>> -> memref<10112x128xf32, #tpu.memory_space<vmem_shared>>
        tpu.wait_indirect_dma semaphore(%run_scoped3A_103 : memref<!tpu.dma_semaphore, #tpu.memory_space<semaphore_mem>>) src(%arg11 : memref<128x128xf32, #tpu.memory_space<vmem>>) dst(%dma_wait3A_115 : memref<10112x128xf32, #tpu.memory_space<vmem_shared>>)
        tpu.yield
      }) : () -> ()
      %add3A_99 = arith.constant 3 : i32
      %add3A_100 = arith.addi %add3A_74, %add3A_99 : i32
      %lt3A = arith.constant 40 : i32
      %lt3A_101 = arith.cmpi slt, %add3A_100, %lt3A : i32
      %convert_element_type3A = arith.extui %lt3A_101 : i1 to i32
      %cond3A = arith.constant 0 : i32
      %cond3A_102 = arith.cmpi ne, %convert_element_type3A, %cond3A : i32
      scf.if %cond3A_102 {
        %add3A_103 = arith.constant 3 : i32
        %add3A_104 = arith.addi %add3A_74, %add3A_103 : i32
        %dma_start3A_105 = arith.constant 0 : i32
        %dma_start3A_106 = tpu.memref_slice %arg8[%add3A_104, %dma_start3A_105] : memref<40x128xi32, #tpu.memory_space<vmem>> -> memref<1x128xi32, #tpu.memory_space<vmem>>
        %dma_start3A_107 = tpu.memref_squeeze %dma_start3A_106 : memref<1x128xi32, #tpu.memory_space<vmem>> -> memref<128xi32, #tpu.memory_space<vmem>>
        %dma_start3A_108 = arith.constant 0 : i32
        %dma_start3A_109 = arith.constant 0 : i32
        %dma_start3A_110 = tpu.memref_slice %arg2[%dma_start3A_108, %dma_start3A_109] : memref<10008x128xf32, #tpu.memory_space<hbm>> -> memref<10008x128xf32, #tpu.memory_space<hbm>>
        tpu.enqueue_indirect_dma source(%dma_start3A_110 : memref<10008x128xf32, #tpu.memory_space<hbm>>) target(%arg11 : memref<128x128xf32, #tpu.memory_space<vmem>>) offsets(%dma_start3A_107 : memref<128xi32, #tpu.memory_space<vmem>>) semaphore(%arg13 : memref<!tpu.dma_semaphore, #tpu.memory_space<semaphore_mem>>)
      } else {
      }
    }
    %scan3A_52 = arith.constant 19 : i32
    %dma_wait3A_53 = arith.constant 38 : i32
    %dma_wait3A_54 = arith.constant 0 : i32
    %dma_wait3A_55 = tpu.memref_slice %arg8[%dma_wait3A_53, %dma_wait3A_54] : memref<40x128xi32, #tpu.memory_space<vmem>> -> memref<1x128xi32, #tpu.memory_space<vmem>>
    %dma_wait3A_56 = tpu.memref_squeeze %dma_wait3A_55 : memref<1x128xi32, #tpu.memory_space<vmem>> -> memref<128xi32, #tpu.memory_space<vmem>>
    %dma_wait3A_57 = arith.constant 0 : i32
    %dma_wait3A_58 = arith.constant 0 : i32
    %dma_wait3A_59 = tpu.memref_slice %arg2[%dma_wait3A_57, %dma_wait3A_58] : memref<10008x128xf32, #tpu.memory_space<hbm>> -> memref<10008x128xf32, #tpu.memory_space<hbm>>
    tpu.wait_indirect_dma semaphore(%arg12 : memref<!tpu.dma_semaphore, #tpu.memory_space<semaphore_mem>>) src(%dma_wait3A_59 : memref<10008x128xf32, #tpu.memory_space<hbm>>) dst(%arg10 : memref<128x128xf32, #tpu.memory_space<vmem>>)
    %run_scoped3A_60 = arith.constant 38 : i32
    "tpu.region"() ({
      %run_scoped3A_70 = tpu.sem_alloc : memref<!tpu.dma_semaphore, #tpu.memory_space<semaphore_mem>>
      %dma_start3A_71 = arith.constant 0 : i32
      %dma_start3A_72 = tpu.memref_slice %arg9[%run_scoped3A_60, %dma_start3A_71] : memref<40x128xi32, #tpu.memory_space<vmem>> -> memref<1x128xi32, #tpu.memory_space<vmem>>
      %dma_start3A_73 = tpu.memref_squeeze %dma_start3A_72 : memref<1x128xi32, #tpu.memory_space<vmem>> -> memref<128xi32, #tpu.memory_space<vmem>>
      %dma_start3A_74 = arith.constant 0 : i32
      %dma_start3A_75 = arith.constant 0 : i32
      %dma_start3A_76 = tpu.memref_slice %arg7[%dma_start3A_74, %dma_start3A_75] : memref<10112x128xf32, #tpu.memory_space<vmem_shared>> -> memref<10112x128xf32, #tpu.memory_space<vmem_shared>>
      tpu.enqueue_indirect_dma source(%arg10 : memref<128x128xf32, #tpu.memory_space<vmem>>) target(%dma_start3A_76 : memref<10112x128xf32, #tpu.memory_space<vmem_shared>>) offsets(%dma_start3A_73 : memref<128xi32, #tpu.memory_space<vmem>>) semaphore(%run_scoped3A_70 : memref<!tpu.dma_semaphore, #tpu.memory_space<semaphore_mem>>) {add = true}
      %dma_wait3A_77 = arith.constant 0 : i32
      %dma_wait3A_78 = tpu.memref_slice %arg9[%run_scoped3A_60, %dma_wait3A_77] : memref<40x128xi32, #tpu.memory_space<vmem>> -> memref<1x128xi32, #tpu.memory_space<vmem>>
      %dma_wait3A_79 = tpu.memref_squeeze %dma_wait3A_78 : memref<1x128xi32, #tpu.memory_space<vmem>> -> memref<128xi32, #tpu.memory_space<vmem>>
      %dma_wait3A_80 = arith.constant 0 : i32
      %dma_wait3A_81 = arith.constant 0 : i32
      %dma_wait3A_82 = tpu.memref_slice %arg7[%dma_wait3A_80, %dma_wait3A_81] : memref<10112x128xf32, #tpu.memory_space<vmem_shared>> -> memref<10112x128xf32, #tpu.memory_space<vmem_shared>>
      tpu.wait_indirect_dma semaphore(%run_scoped3A_70 : memref<!tpu.dma_semaphore, #tpu.memory_space<semaphore_mem>>) src(%arg10 : memref<128x128xf32, #tpu.memory_space<vmem>>) dst(%dma_wait3A_82 : memref<10112x128xf32, #tpu.memory_space<vmem_shared>>)
      tpu.yield
    }) : () -> ()
    %dma_wait3A_61 = arith.constant 39 : i32
    %dma_wait3A_62 = arith.constant 0 : i32
    %dma_wait3A_63 = tpu.memref_slice %arg8[%dma_wait3A_61, %dma_wait3A_62] : memref<40x128xi32, #tpu.memory_space<vmem>> -> memref<1x128xi32, #tpu.memory_space<vmem>>
    %dma_wait3A_64 = tpu.memref_squeeze %dma_wait3A_63 : memref<1x128xi32, #tpu.memory_space<vmem>> -> memref<128xi32, #tpu.memory_space<vmem>>
    %dma_wait3A_65 = arith.constant 0 : i32
    %dma_wait3A_66 = arith.constant 0 : i32
    %dma_wait3A_67 = tpu.memref_slice %arg2[%dma_wait3A_65, %dma_wait3A_66] : memref<10008x128xf32, #tpu.memory_space<hbm>> -> memref<10008x128xf32, #tpu.memory_space<hbm>>
    tpu.wait_indirect_dma semaphore(%arg13 : memref<!tpu.dma_semaphore, #tpu.memory_space<semaphore_mem>>) src(%dma_wait3A_67 : memref<10008x128xf32, #tpu.memory_space<hbm>>) dst(%arg11 : memref<128x128xf32, #tpu.memory_space<vmem>>)
    %run_scoped3A_68 = arith.constant 39 : i32
    "tpu.region"() ({
      %run_scoped3A_70 = tpu.sem_alloc : memref<!tpu.dma_semaphore, #tpu.memory_space<semaphore_mem>>
      %dma_start3A_71 = arith.constant 0 : i32
      %dma_start3A_72 = tpu.memref_slice %arg9[%run_scoped3A_68, %dma_start3A_71] : memref<40x128xi32, #tpu.memory_space<vmem>> -> memref<1x128xi32, #tpu.memory_space<vmem>>
      %dma_start3A_73 = tpu.memref_squeeze %dma_start3A_72 : memref<1x128xi32, #tpu.memory_space<vmem>> -> memref<128xi32, #tpu.memory_space<vmem>>
      %dma_start3A_74 = arith.constant 0 : i32
      %dma_start3A_75 = arith.constant 0 : i32
      %dma_start3A_76 = tpu.memref_slice %arg7[%dma_start3A_74, %dma_start3A_75] : memref<10112x128xf32, #tpu.memory_space<vmem_shared>> -> memref<10112x128xf32, #tpu.memory_space<vmem_shared>>
      tpu.enqueue_indirect_dma source(%arg11 : memref<128x128xf32, #tpu.memory_space<vmem>>) target(%dma_start3A_76 : memref<10112x128xf32, #tpu.memory_space<vmem_shared>>) offsets(%dma_start3A_73 : memref<128xi32, #tpu.memory_space<vmem>>) semaphore(%run_scoped3A_70 : memref<!tpu.dma_semaphore, #tpu.memory_space<semaphore_mem>>) {add = true}
      %dma_wait3A_77 = arith.constant 0 : i32
      %dma_wait3A_78 = tpu.memref_slice %arg9[%run_scoped3A_68, %dma_wait3A_77] : memref<40x128xi32, #tpu.memory_space<vmem>> -> memref<1x128xi32, #tpu.memory_space<vmem>>
      %dma_wait3A_79 = tpu.memref_squeeze %dma_wait3A_78 : memref<1x128xi32, #tpu.memory_space<vmem>> -> memref<128xi32, #tpu.memory_space<vmem>>
      %dma_wait3A_80 = arith.constant 0 : i32
      %dma_wait3A_81 = arith.constant 0 : i32
      %dma_wait3A_82 = tpu.memref_slice %arg7[%dma_wait3A_80, %dma_wait3A_81] : memref<10112x128xf32, #tpu.memory_space<vmem_shared>> -> memref<10112x128xf32, #tpu.memory_space<vmem_shared>>
      tpu.wait_indirect_dma semaphore(%run_scoped3A_70 : memref<!tpu.dma_semaphore, #tpu.memory_space<semaphore_mem>>) src(%arg11 : memref<128x128xf32, #tpu.memory_space<vmem>>) dst(%dma_wait3A_82 : memref<10112x128xf32, #tpu.memory_space<vmem_shared>>)
      tpu.yield
    }) : () -> ()
    %barrier3A_69 = arith.constant 0 : index
    tpu.barrier barrier_id(%barrier3A_69)
    "tpu.region"() ({
      %run_scoped3A_70 = tpu.sem_alloc : memref<!tpu.dma_semaphore, #tpu.memory_space<semaphore_mem>>
      %dma_start3A_71 = arith.constant 0 : i32
      %dma_start3A_72 = tpu.memref_slice %arg6[%arg0, %mul3A_2, %dma_start3A_71] : memref<2x10112x128xf32, #tpu.memory_space<hbm>> -> memref<1x632x128xf32, #tpu.memory_space<hbm>>
      %dma_start3A_73 = tpu.memref_squeeze %dma_start3A_72 : memref<1x632x128xf32, #tpu.memory_space<hbm>> -> memref<632x128xf32, #tpu.memory_space<hbm>>
      %dma_start3A_74 = arith.constant 0 : i32
      %dma_start3A_75 = tpu.memref_slice %arg7[%mul3A_2, %dma_start3A_74] : memref<10112x128xf32, #tpu.memory_space<vmem_shared>> -> memref<632x128xf32, #tpu.memory_space<vmem_shared>>
      tpu.enqueue_dma source(%dma_start3A_75 : memref<632x128xf32, #tpu.memory_space<vmem_shared>>) target(%dma_start3A_73 : memref<632x128xf32, #tpu.memory_space<hbm>>) target_semaphore(%run_scoped3A_70 : memref<!tpu.dma_semaphore, #tpu.memory_space<semaphore_mem>>)
      %dma_wait3A_76 = arith.constant 0 : i32
      %dma_wait3A_77 = tpu.memref_slice %arg6[%arg0, %mul3A_2, %dma_wait3A_76] : memref<2x10112x128xf32, #tpu.memory_space<hbm>> -> memref<1x632x128xf32, #tpu.memory_space<hbm>>
      %dma_wait3A_78 = tpu.memref_squeeze %dma_wait3A_77 : memref<1x632x128xf32, #tpu.memory_space<hbm>> -> memref<632x128xf32, #tpu.memory_space<hbm>>
      %dma_wait3A_79 = arith.constant 0 : i32
      %dma_wait3A_80 = tpu.memref_slice %arg7[%mul3A_2, %dma_wait3A_79] : memref<10112x128xf32, #tpu.memory_space<vmem_shared>> -> memref<632x128xf32, #tpu.memory_space<vmem_shared>>
      tpu.wait_dma2 semaphore(%run_scoped3A_70 : memref<!tpu.dma_semaphore, #tpu.memory_space<semaphore_mem>>) src(%dma_wait3A_80 : memref<632x128xf32, #tpu.memory_space<vmem_shared>>) dst(%dma_wait3A_78 : memref<632x128xf32, #tpu.memory_space<hbm>>)
      tpu.yield
    }) : () -> ()
    return
  }
}

#map = affine_map<(d0, d1) -> (0, 0)>
#map1 = affine_map<(d0, d1) -> (0, 0, 0)>
module attributes {stable_mosaic.version = 14 : i64} {
  func.func @sc_agg(%arg0: i32, %arg1: i32, %arg2: memref<10008x128xf32, #tpu.memory_space<hbm>>, %arg3: memref<32x80x128xi32, #tpu.memory_space<hbm>>, %arg4: memref<32x80x128xi32, #tpu.memory_space<hbm>>, %arg5: memref<10112x128xf32, #tpu.memory_space<hbm>>, %arg6: memref<2x10112x128xf32, #tpu.memory_space<hbm>>, %arg7: memref<10112x128xf32, #tpu.memory_space<vmem_shared>>, %arg8: memref<40x128xi32, #tpu.memory_space<vmem>>, %arg9: memref<40x128xi32, #tpu.memory_space<vmem>>, %arg10: memref<128x128xf32, #tpu.memory_space<vmem>>, %arg11: memref<128x128xf32, #tpu.memory_space<vmem>>, %arg12: memref<!tpu.dma_semaphore, #tpu.memory_space<semaphore_mem>>, %arg13: memref<!tpu.dma_semaphore, #tpu.memory_space<semaphore_mem>>) attributes {dimension_semantics = [#tpu.dimension_semantics<core_parallel>, #tpu.dimension_semantics<subcore_parallel>], iteration_bounds = array<i64: 2, 16>, scalar_prefetch = 0 : i64, scratch_operands = 7 : i64, tpu.core_type = #tpu.core_type<sc_vector_subcore>, window_params = [{transform_indices = #map}, {transform_indices = #map1}, {transform_indices = #map1}, {transform_indices = #map}, {transform_indices = #map1}]} {
    %mul3A = arith.constant 16 : i32
    %mul3A_0 = arith.muli %arg0, %mul3A : i32
    %add3A = arith.addi %mul3A_0, %arg1 : i32
    %mul3A_1 = arith.constant 632 : i32
    %mul3A_2 = arith.muli %arg1, %mul3A_1 : i32
    "tpu.region"() ({
      %run_scoped3A_70 = tpu.sem_alloc : memref<!tpu.dma_semaphore, #tpu.memory_space<semaphore_mem>>
      %dma_start3A_71 = arith.constant 0 : i32
      %dma_start3A_72 = tpu.memref_slice %arg7[%mul3A_2, %dma_start3A_71] : memref<10112x128xf32, #tpu.memory_space<vmem_shared>> -> memref<632x128xf32, #tpu.memory_space<vmem_shared>>
      %dma_start3A_73 = arith.constant 0 : i32
      %dma_start3A_74 = tpu.memref_slice %arg5[%mul3A_2, %dma_start3A_73] : memref<10112x128xf32, #tpu.memory_space<hbm>> -> memref<632x128xf32, #tpu.memory_space<hbm>>
      tpu.enqueue_dma source(%dma_start3A_74 : memref<632x128xf32, #tpu.memory_space<hbm>>) target(%dma_start3A_72 : memref<632x128xf32, #tpu.memory_space<vmem_shared>>) target_semaphore(%run_scoped3A_70 : memref<!tpu.dma_semaphore, #tpu.memory_space<semaphore_mem>>)
      %dma_wait3A_75 = arith.constant 0 : i32
      %dma_wait3A_76 = tpu.memref_slice %arg7[%mul3A_2, %dma_wait3A_75] : memref<10112x128xf32, #tpu.memory_space<vmem_shared>> -> memref<632x128xf32, #tpu.memory_space<vmem_shared>>
      %dma_wait3A_77 = arith.constant 0 : i32
      %dma_wait3A_78 = tpu.memref_slice %arg5[%mul3A_2, %dma_wait3A_77] : memref<10112x128xf32, #tpu.memory_space<hbm>> -> memref<632x128xf32, #tpu.memory_space<hbm>>
      tpu.wait_dma2 semaphore(%run_scoped3A_70 : memref<!tpu.dma_semaphore, #tpu.memory_space<semaphore_mem>>) src(%dma_wait3A_78 : memref<632x128xf32, #tpu.memory_space<hbm>>) dst(%dma_wait3A_76 : memref<632x128xf32, #tpu.memory_space<vmem_shared>>)
      tpu.yield
    }) : () -> ()
    %barrier3A = arith.constant 0 : index
    tpu.barrier barrier_id(%barrier3A)
    "tpu.region"() ({
      %run_scoped3A_70 = tpu.sem_alloc : memref<!tpu.dma_semaphore, #tpu.memory_space<semaphore_mem>>
      %dma_start3A_71 = arith.constant 0 : i32
      %dma_start3A_72 = arith.constant 0 : i32
      %dma_start3A_73 = tpu.memref_slice %arg3[%add3A, %dma_start3A_71, %dma_start3A_72] : memref<32x80x128xi32, #tpu.memory_space<hbm>> -> memref<1x40x128xi32, #tpu.memory_space<hbm>>
      %dma_start3A_74 = tpu.memref_squeeze %dma_start3A_73 : memref<1x40x128xi32, #tpu.memory_space<hbm>> -> memref<40x128xi32, #tpu.memory_space<hbm>>
      %dma_start3A_75 = arith.constant 0 : i32
      %dma_start3A_76 = arith.constant 0 : i32
      %dma_start3A_77 = tpu.memref_slice %arg3[%add3A, %dma_start3A_75, %dma_start3A_76] : memref<32x80x128xi32, #tpu.memory_space<hbm>> -> memref<1x40x128xi32, #tpu.memory_space<hbm>>
      %dma_start3A_78 = tpu.memref_squeeze %dma_start3A_77 : memref<1x40x128xi32, #tpu.memory_space<hbm>> -> memref<40x128xi32, #tpu.memory_space<hbm>>
      tpu.enqueue_dma source(%dma_start3A_78 : memref<40x128xi32, #tpu.memory_space<hbm>>) target(%arg8 : memref<40x128xi32, #tpu.memory_space<vmem>>) target_semaphore(%run_scoped3A_70 : memref<!tpu.dma_semaphore, #tpu.memory_space<semaphore_mem>>)
      %dma_wait3A_79 = arith.constant 0 : i32
      %dma_wait3A_80 = arith.constant 0 : i32
      %dma_wait3A_81 = tpu.memref_slice %arg3[%add3A, %dma_wait3A_79, %dma_wait3A_80] : memref<32x80x128xi32, #tpu.memory_space<hbm>> -> memref<1x40x128xi32, #tpu.memory_space<hbm>>
      %dma_wait3A_82 = tpu.memref_squeeze %dma_wait3A_81 : memref<1x40x128xi32, #tpu.memory_space<hbm>> -> memref<40x128xi32, #tpu.memory_space<hbm>>
      %dma_wait3A_83 = arith.constant 0 : i32
      %dma_wait3A_84 = arith.constant 0 : i32
      %dma_wait3A_85 = tpu.memref_slice %arg3[%add3A, %dma_wait3A_83, %dma_wait3A_84] : memref<32x80x128xi32, #tpu.memory_space<hbm>> -> memref<1x40x128xi32, #tpu.memory_space<hbm>>
      %dma_wait3A_86 = tpu.memref_squeeze %dma_wait3A_85 : memref<1x40x128xi32, #tpu.memory_space<hbm>> -> memref<40x128xi32, #tpu.memory_space<hbm>>
      tpu.wait_dma2 semaphore(%run_scoped3A_70 : memref<!tpu.dma_semaphore, #tpu.memory_space<semaphore_mem>>) src(%dma_wait3A_86 : memref<40x128xi32, #tpu.memory_space<hbm>>) dst(%arg8 : memref<40x128xi32, #tpu.memory_space<vmem>>)
      tpu.yield
    }) : () -> ()
    "tpu.region"() ({
      %run_scoped3A_70 = tpu.sem_alloc : memref<!tpu.dma_semaphore, #tpu.memory_space<semaphore_mem>>
      %dma_start3A_71 = arith.constant 0 : i32
      %dma_start3A_72 = arith.constant 0 : i32
      %dma_start3A_73 = tpu.memref_slice %arg4[%add3A, %dma_start3A_71, %dma_start3A_72] : memref<32x80x128xi32, #tpu.memory_space<hbm>> -> memref<1x40x128xi32, #tpu.memory_space<hbm>>
      %dma_start3A_74 = tpu.memref_squeeze %dma_start3A_73 : memref<1x40x128xi32, #tpu.memory_space<hbm>> -> memref<40x128xi32, #tpu.memory_space<hbm>>
      %dma_start3A_75 = arith.constant 0 : i32
      %dma_start3A_76 = arith.constant 0 : i32
      %dma_start3A_77 = tpu.memref_slice %arg4[%add3A, %dma_start3A_75, %dma_start3A_76] : memref<32x80x128xi32, #tpu.memory_space<hbm>> -> memref<1x40x128xi32, #tpu.memory_space<hbm>>
      %dma_start3A_78 = tpu.memref_squeeze %dma_start3A_77 : memref<1x40x128xi32, #tpu.memory_space<hbm>> -> memref<40x128xi32, #tpu.memory_space<hbm>>
      tpu.enqueue_dma source(%dma_start3A_78 : memref<40x128xi32, #tpu.memory_space<hbm>>) target(%arg9 : memref<40x128xi32, #tpu.memory_space<vmem>>) target_semaphore(%run_scoped3A_70 : memref<!tpu.dma_semaphore, #tpu.memory_space<semaphore_mem>>)
      %dma_wait3A_79 = arith.constant 0 : i32
      %dma_wait3A_80 = arith.constant 0 : i32
      %dma_wait3A_81 = tpu.memref_slice %arg4[%add3A, %dma_wait3A_79, %dma_wait3A_80] : memref<32x80x128xi32, #tpu.memory_space<hbm>> -> memref<1x40x128xi32, #tpu.memory_space<hbm>>
      %dma_wait3A_82 = tpu.memref_squeeze %dma_wait3A_81 : memref<1x40x128xi32, #tpu.memory_space<hbm>> -> memref<40x128xi32, #tpu.memory_space<hbm>>
      %dma_wait3A_83 = arith.constant 0 : i32
      %dma_wait3A_84 = arith.constant 0 : i32
      %dma_wait3A_85 = tpu.memref_slice %arg4[%add3A, %dma_wait3A_83, %dma_wait3A_84] : memref<32x80x128xi32, #tpu.memory_space<hbm>> -> memref<1x40x128xi32, #tpu.memory_space<hbm>>
      %dma_wait3A_86 = tpu.memref_squeeze %dma_wait3A_85 : memref<1x40x128xi32, #tpu.memory_space<hbm>> -> memref<40x128xi32, #tpu.memory_space<hbm>>
      tpu.wait_dma2 semaphore(%run_scoped3A_70 : memref<!tpu.dma_semaphore, #tpu.memory_space<semaphore_mem>>) src(%dma_wait3A_86 : memref<40x128xi32, #tpu.memory_space<hbm>>) dst(%arg9 : memref<40x128xi32, #tpu.memory_space<vmem>>)
      tpu.yield
    }) : () -> ()
    %dma_start3A = arith.constant 0 : i32
    %dma_start3A_3 = arith.constant 0 : i32
    %dma_start3A_4 = tpu.memref_slice %arg8[%dma_start3A, %dma_start3A_3] : memref<40x128xi32, #tpu.memory_space<vmem>> -> memref<1x128xi32, #tpu.memory_space<vmem>>
    %dma_start3A_5 = tpu.memref_squeeze %dma_start3A_4 : memref<1x128xi32, #tpu.memory_space<vmem>> -> memref<128xi32, #tpu.memory_space<vmem>>
    %dma_start3A_6 = arith.constant 0 : i32
    %dma_start3A_7 = arith.constant 0 : i32
    %dma_start3A_8 = tpu.memref_slice %arg2[%dma_start3A_6, %dma_start3A_7] : memref<10008x128xf32, #tpu.memory_space<hbm>> -> memref<10008x128xf32, #tpu.memory_space<hbm>>
    tpu.enqueue_indirect_dma source(%dma_start3A_8 : memref<10008x128xf32, #tpu.memory_space<hbm>>) target(%arg10 : memref<128x128xf32, #tpu.memory_space<vmem>>) offsets(%dma_start3A_5 : memref<128xi32, #tpu.memory_space<vmem>>) semaphore(%arg12 : memref<!tpu.dma_semaphore, #tpu.memory_space<semaphore_mem>>)
    %dma_start3A_9 = arith.constant 1 : i32
    %dma_start3A_10 = arith.constant 0 : i32
    %dma_start3A_11 = tpu.memref_slice %arg8[%dma_start3A_9, %dma_start3A_10] : memref<40x128xi32, #tpu.memory_space<vmem>> -> memref<1x128xi32, #tpu.memory_space<vmem>>
    %dma_start3A_12 = tpu.memref_squeeze %dma_start3A_11 : memref<1x128xi32, #tpu.memory_space<vmem>> -> memref<128xi32, #tpu.memory_space<vmem>>
    %dma_start3A_13 = arith.constant 0 : i32
    %dma_start3A_14 = arith.constant 0 : i32
    %dma_start3A_15 = tpu.memref_slice %arg2[%dma_start3A_13, %dma_start3A_14] : memref<10008x128xf32, #tpu.memory_space<hbm>> -> memref<10008x128xf32, #tpu.memory_space<hbm>>
    tpu.enqueue_indirect_dma source(%dma_start3A_15 : memref<10008x128xf32, #tpu.memory_space<hbm>>) target(%arg11 : memref<128x128xf32, #tpu.memory_space<vmem>>) offsets(%dma_start3A_12 : memref<128xi32, #tpu.memory_space<vmem>>) semaphore(%arg13 : memref<!tpu.dma_semaphore, #tpu.memory_space<semaphore_mem>>)
    %scan3A = arith.constant 0 : i32
    %scan3A_16 = arith.constant 19 : i32
    %scan3A_17 = arith.addi %scan3A, %scan3A_16 : i32
    %scan3A_18 = arith.constant 1 : i32
    scf.for %scan3A_70 = %scan3A to %scan3A_17 step %scan3A_18  : i32 {
      %mul3A_71 = arith.constant 2 : i32
      %mul3A_72 = arith.muli %scan3A_70, %mul3A_71 : i32
      %add3A_73 = arith.constant 0 : i32
      %add3A_74 = arith.addi %add3A_73, %mul3A_72 : i32
      %dma_wait3A_75 = arith.constant 0 : i32
      %dma_wait3A_76 = tpu.memref_slice %arg8[%add3A_74, %dma_wait3A_75] : memref<40x128xi32, #tpu.memory_space<vmem>> -> memref<1x128xi32, #tpu.memory_space<vmem>>
      %dma_wait3A_77 = tpu.memref_squeeze %dma_wait3A_76 : memref<1x128xi32, #tpu.memory_space<vmem>> -> memref<128xi32, #tpu.memory_space<vmem>>
      %dma_wait3A_78 = arith.constant 0 : i32
      %dma_wait3A_79 = arith.constant 0 : i32
      %dma_wait3A_80 = tpu.memref_slice %arg2[%dma_wait3A_78, %dma_wait3A_79] : memref<10008x128xf32, #tpu.memory_space<hbm>> -> memref<10008x128xf32, #tpu.memory_space<hbm>>
      tpu.wait_indirect_dma semaphore(%arg12 : memref<!tpu.dma_semaphore, #tpu.memory_space<semaphore_mem>>) src(%dma_wait3A_80 : memref<10008x128xf32, #tpu.memory_space<hbm>>) dst(%arg10 : memref<128x128xf32, #tpu.memory_space<vmem>>)
      "tpu.region"() ({
        %run_scoped3A_103 = tpu.sem_alloc : memref<!tpu.dma_semaphore, #tpu.memory_space<semaphore_mem>>
        %dma_start3A_104 = arith.constant 0 : i32
        %dma_start3A_105 = tpu.memref_slice %arg9[%add3A_74, %dma_start3A_104] : memref<40x128xi32, #tpu.memory_space<vmem>> -> memref<1x128xi32, #tpu.memory_space<vmem>>
        %dma_start3A_106 = tpu.memref_squeeze %dma_start3A_105 : memref<1x128xi32, #tpu.memory_space<vmem>> -> memref<128xi32, #tpu.memory_space<vmem>>
        %dma_start3A_107 = arith.constant 0 : i32
        %dma_start3A_108 = arith.constant 0 : i32
        %dma_start3A_109 = tpu.memref_slice %arg7[%dma_start3A_107, %dma_start3A_108] : memref<10112x128xf32, #tpu.memory_space<vmem_shared>> -> memref<10112x128xf32, #tpu.memory_space<vmem_shared>>
        tpu.enqueue_indirect_dma source(%arg10 : memref<128x128xf32, #tpu.memory_space<vmem>>) target(%dma_start3A_109 : memref<10112x128xf32, #tpu.memory_space<vmem_shared>>) offsets(%dma_start3A_106 : memref<128xi32, #tpu.memory_space<vmem>>) semaphore(%run_scoped3A_103 : memref<!tpu.dma_semaphore, #tpu.memory_space<semaphore_mem>>) {add = true}
        %dma_wait3A_110 = arith.constant 0 : i32
        %dma_wait3A_111 = tpu.memref_slice %arg9[%add3A_74, %dma_wait3A_110] : memref<40x128xi32, #tpu.memory_space<vmem>> -> memref<1x128xi32, #tpu.memory_space<vmem>>
        %dma_wait3A_112 = tpu.memref_squeeze %dma_wait3A_111 : memref<1x128xi32, #tpu.memory_space<vmem>> -> memref<128xi32, #tpu.memory_space<vmem>>
        %dma_wait3A_113 = arith.constant 0 : i32
        %dma_wait3A_114 = arith.constant 0 : i32
        %dma_wait3A_115 = tpu.memref_slice %arg7[%dma_wait3A_113, %dma_wait3A_114] : memref<10112x128xf32, #tpu.memory_space<vmem_shared>> -> memref<10112x128xf32, #tpu.memory_space<vmem_shared>>
        tpu.wait_indirect_dma semaphore(%run_scoped3A_103 : memref<!tpu.dma_semaphore, #tpu.memory_space<semaphore_mem>>) src(%arg10 : memref<128x128xf32, #tpu.memory_space<vmem>>) dst(%dma_wait3A_115 : memref<10112x128xf32, #tpu.memory_space<vmem_shared>>)
        tpu.yield
      }) : () -> ()
      %add3A_81 = arith.constant 2 : i32
      %add3A_82 = arith.addi %add3A_74, %add3A_81 : i32
      %dma_start3A_83 = arith.constant 0 : i32
      %dma_start3A_84 = tpu.memref_slice %arg8[%add3A_82, %dma_start3A_83] : memref<40x128xi32, #tpu.memory_space<vmem>> -> memref<1x128xi32, #tpu.memory_space<vmem>>
      %dma_start3A_85 = tpu.memref_squeeze %dma_start3A_84 : memref<1x128xi32, #tpu.memory_space<vmem>> -> memref<128xi32, #tpu.memory_space<vmem>>
      %dma_start3A_86 = arith.constant 0 : i32
      %dma_start3A_87 = arith.constant 0 : i32
      %dma_start3A_88 = tpu.memref_slice %arg2[%dma_start3A_86, %dma_start3A_87] : memref<10008x128xf32, #tpu.memory_space<hbm>> -> memref<10008x128xf32, #tpu.memory_space<hbm>>
      tpu.enqueue_indirect_dma source(%dma_start3A_88 : memref<10008x128xf32, #tpu.memory_space<hbm>>) target(%arg10 : memref<128x128xf32, #tpu.memory_space<vmem>>) offsets(%dma_start3A_85 : memref<128xi32, #tpu.memory_space<vmem>>) semaphore(%arg12 : memref<!tpu.dma_semaphore, #tpu.memory_space<semaphore_mem>>)
      %add3A_89 = arith.constant 1 : i32
      %add3A_90 = arith.addi %add3A_74, %add3A_89 : i32
      %dma_wait3A_91 = arith.constant 0 : i32
      %dma_wait3A_92 = tpu.memref_slice %arg8[%add3A_90, %dma_wait3A_91] : memref<40x128xi32, #tpu.memory_space<vmem>> -> memref<1x128xi32, #tpu.memory_space<vmem>>
      %dma_wait3A_93 = tpu.memref_squeeze %dma_wait3A_92 : memref<1x128xi32, #tpu.memory_space<vmem>> -> memref<128xi32, #tpu.memory_space<vmem>>
      %dma_wait3A_94 = arith.constant 0 : i32
      %dma_wait3A_95 = arith.constant 0 : i32
      %dma_wait3A_96 = tpu.memref_slice %arg2[%dma_wait3A_94, %dma_wait3A_95] : memref<10008x128xf32, #tpu.memory_space<hbm>> -> memref<10008x128xf32, #tpu.memory_space<hbm>>
      tpu.wait_indirect_dma semaphore(%arg13 : memref<!tpu.dma_semaphore, #tpu.memory_space<semaphore_mem>>) src(%dma_wait3A_96 : memref<10008x128xf32, #tpu.memory_space<hbm>>) dst(%arg11 : memref<128x128xf32, #tpu.memory_space<vmem>>)
      %add3A_97 = arith.constant 1 : i32
      %add3A_98 = arith.addi %add3A_74, %add3A_97 : i32
      "tpu.region"() ({
        %run_scoped3A_103 = tpu.sem_alloc : memref<!tpu.dma_semaphore, #tpu.memory_space<semaphore_mem>>
        %dma_start3A_104 = arith.constant 0 : i32
        %dma_start3A_105 = tpu.memref_slice %arg9[%add3A_98, %dma_start3A_104] : memref<40x128xi32, #tpu.memory_space<vmem>> -> memref<1x128xi32, #tpu.memory_space<vmem>>
        %dma_start3A_106 = tpu.memref_squeeze %dma_start3A_105 : memref<1x128xi32, #tpu.memory_space<vmem>> -> memref<128xi32, #tpu.memory_space<vmem>>
        %dma_start3A_107 = arith.constant 0 : i32
        %dma_start3A_108 = arith.constant 0 : i32
        %dma_start3A_109 = tpu.memref_slice %arg7[%dma_start3A_107, %dma_start3A_108] : memref<10112x128xf32, #tpu.memory_space<vmem_shared>> -> memref<10112x128xf32, #tpu.memory_space<vmem_shared>>
        tpu.enqueue_indirect_dma source(%arg11 : memref<128x128xf32, #tpu.memory_space<vmem>>) target(%dma_start3A_109 : memref<10112x128xf32, #tpu.memory_space<vmem_shared>>) offsets(%dma_start3A_106 : memref<128xi32, #tpu.memory_space<vmem>>) semaphore(%run_scoped3A_103 : memref<!tpu.dma_semaphore, #tpu.memory_space<semaphore_mem>>) {add = true}
        %dma_wait3A_110 = arith.constant 0 : i32
        %dma_wait3A_111 = tpu.memref_slice %arg9[%add3A_98, %dma_wait3A_110] : memref<40x128xi32, #tpu.memory_space<vmem>> -> memref<1x128xi32, #tpu.memory_space<vmem>>
        %dma_wait3A_112 = tpu.memref_squeeze %dma_wait3A_111 : memref<1x128xi32, #tpu.memory_space<vmem>> -> memref<128xi32, #tpu.memory_space<vmem>>
        %dma_wait3A_113 = arith.constant 0 : i32
        %dma_wait3A_114 = arith.constant 0 : i32
        %dma_wait3A_115 = tpu.memref_slice %arg7[%dma_wait3A_113, %dma_wait3A_114] : memref<10112x128xf32, #tpu.memory_space<vmem_shared>> -> memref<10112x128xf32, #tpu.memory_space<vmem_shared>>
        tpu.wait_indirect_dma semaphore(%run_scoped3A_103 : memref<!tpu.dma_semaphore, #tpu.memory_space<semaphore_mem>>) src(%arg11 : memref<128x128xf32, #tpu.memory_space<vmem>>) dst(%dma_wait3A_115 : memref<10112x128xf32, #tpu.memory_space<vmem_shared>>)
        tpu.yield
      }) : () -> ()
      %add3A_99 = arith.constant 3 : i32
      %add3A_100 = arith.addi %add3A_74, %add3A_99 : i32
      %lt3A = arith.constant 40 : i32
      %lt3A_101 = arith.cmpi slt, %add3A_100, %lt3A : i32
      %convert_element_type3A = arith.extui %lt3A_101 : i1 to i32
      %cond3A = arith.constant 0 : i32
      %cond3A_102 = arith.cmpi ne, %convert_element_type3A, %cond3A : i32
      scf.if %cond3A_102 {
        %add3A_103 = arith.constant 3 : i32
        %add3A_104 = arith.addi %add3A_74, %add3A_103 : i32
        %dma_start3A_105 = arith.constant 0 : i32
        %dma_start3A_106 = tpu.memref_slice %arg8[%add3A_104, %dma_start3A_105] : memref<40x128xi32, #tpu.memory_space<vmem>> -> memref<1x128xi32, #tpu.memory_space<vmem>>
        %dma_start3A_107 = tpu.memref_squeeze %dma_start3A_106 : memref<1x128xi32, #tpu.memory_space<vmem>> -> memref<128xi32, #tpu.memory_space<vmem>>
        %dma_start3A_108 = arith.constant 0 : i32
        %dma_start3A_109 = arith.constant 0 : i32
        %dma_start3A_110 = tpu.memref_slice %arg2[%dma_start3A_108, %dma_start3A_109] : memref<10008x128xf32, #tpu.memory_space<hbm>> -> memref<10008x128xf32, #tpu.memory_space<hbm>>
        tpu.enqueue_indirect_dma source(%dma_start3A_110 : memref<10008x128xf32, #tpu.memory_space<hbm>>) target(%arg11 : memref<128x128xf32, #tpu.memory_space<vmem>>) offsets(%dma_start3A_107 : memref<128xi32, #tpu.memory_space<vmem>>) semaphore(%arg13 : memref<!tpu.dma_semaphore, #tpu.memory_space<semaphore_mem>>)
      } else {
      }
    }
    %scan3A_19 = arith.constant 19 : i32
    %dma_wait3A = arith.constant 38 : i32
    %dma_wait3A_20 = arith.constant 0 : i32
    %dma_wait3A_21 = tpu.memref_slice %arg8[%dma_wait3A, %dma_wait3A_20] : memref<40x128xi32, #tpu.memory_space<vmem>> -> memref<1x128xi32, #tpu.memory_space<vmem>>
    %dma_wait3A_22 = tpu.memref_squeeze %dma_wait3A_21 : memref<1x128xi32, #tpu.memory_space<vmem>> -> memref<128xi32, #tpu.memory_space<vmem>>
    %dma_wait3A_23 = arith.constant 0 : i32
    %dma_wait3A_24 = arith.constant 0 : i32
    %dma_wait3A_25 = tpu.memref_slice %arg2[%dma_wait3A_23, %dma_wait3A_24] : memref<10008x128xf32, #tpu.memory_space<hbm>> -> memref<10008x128xf32, #tpu.memory_space<hbm>>
    tpu.wait_indirect_dma semaphore(%arg12 : memref<!tpu.dma_semaphore, #tpu.memory_space<semaphore_mem>>) src(%dma_wait3A_25 : memref<10008x128xf32, #tpu.memory_space<hbm>>) dst(%arg10 : memref<128x128xf32, #tpu.memory_space<vmem>>)
    %run_scoped3A = arith.constant 38 : i32
    "tpu.region"() ({
      %run_scoped3A_70 = tpu.sem_alloc : memref<!tpu.dma_semaphore, #tpu.memory_space<semaphore_mem>>
      %dma_start3A_71 = arith.constant 0 : i32
      %dma_start3A_72 = tpu.memref_slice %arg9[%run_scoped3A, %dma_start3A_71] : memref<40x128xi32, #tpu.memory_space<vmem>> -> memref<1x128xi32, #tpu.memory_space<vmem>>
      %dma_start3A_73 = tpu.memref_squeeze %dma_start3A_72 : memref<1x128xi32, #tpu.memory_space<vmem>> -> memref<128xi32, #tpu.memory_space<vmem>>
      %dma_start3A_74 = arith.constant 0 : i32
      %dma_start3A_75 = arith.constant 0 : i32
      %dma_start3A_76 = tpu.memref_slice %arg7[%dma_start3A_74, %dma_start3A_75] : memref<10112x128xf32, #tpu.memory_space<vmem_shared>> -> memref<10112x128xf32, #tpu.memory_space<vmem_shared>>
      tpu.enqueue_indirect_dma source(%arg10 : memref<128x128xf32, #tpu.memory_space<vmem>>) target(%dma_start3A_76 : memref<10112x128xf32, #tpu.memory_space<vmem_shared>>) offsets(%dma_start3A_73 : memref<128xi32, #tpu.memory_space<vmem>>) semaphore(%run_scoped3A_70 : memref<!tpu.dma_semaphore, #tpu.memory_space<semaphore_mem>>) {add = true}
      %dma_wait3A_77 = arith.constant 0 : i32
      %dma_wait3A_78 = tpu.memref_slice %arg9[%run_scoped3A, %dma_wait3A_77] : memref<40x128xi32, #tpu.memory_space<vmem>> -> memref<1x128xi32, #tpu.memory_space<vmem>>
      %dma_wait3A_79 = tpu.memref_squeeze %dma_wait3A_78 : memref<1x128xi32, #tpu.memory_space<vmem>> -> memref<128xi32, #tpu.memory_space<vmem>>
      %dma_wait3A_80 = arith.constant 0 : i32
      %dma_wait3A_81 = arith.constant 0 : i32
      %dma_wait3A_82 = tpu.memref_slice %arg7[%dma_wait3A_80, %dma_wait3A_81] : memref<10112x128xf32, #tpu.memory_space<vmem_shared>> -> memref<10112x128xf32, #tpu.memory_space<vmem_shared>>
      tpu.wait_indirect_dma semaphore(%run_scoped3A_70 : memref<!tpu.dma_semaphore, #tpu.memory_space<semaphore_mem>>) src(%arg10 : memref<128x128xf32, #tpu.memory_space<vmem>>) dst(%dma_wait3A_82 : memref<10112x128xf32, #tpu.memory_space<vmem_shared>>)
      tpu.yield
    }) : () -> ()
    %dma_wait3A_26 = arith.constant 39 : i32
    %dma_wait3A_27 = arith.constant 0 : i32
    %dma_wait3A_28 = tpu.memref_slice %arg8[%dma_wait3A_26, %dma_wait3A_27] : memref<40x128xi32, #tpu.memory_space<vmem>> -> memref<1x128xi32, #tpu.memory_space<vmem>>
    %dma_wait3A_29 = tpu.memref_squeeze %dma_wait3A_28 : memref<1x128xi32, #tpu.memory_space<vmem>> -> memref<128xi32, #tpu.memory_space<vmem>>
    %dma_wait3A_30 = arith.constant 0 : i32
    %dma_wait3A_31 = arith.constant 0 : i32
    %dma_wait3A_32 = tpu.memref_slice %arg2[%dma_wait3A_30, %dma_wait3A_31] : memref<10008x128xf32, #tpu.memory_space<hbm>> -> memref<10008x128xf32, #tpu.memory_space<hbm>>
    tpu.wait_indirect_dma semaphore(%arg13 : memref<!tpu.dma_semaphore, #tpu.memory_space<semaphore_mem>>) src(%dma_wait3A_32 : memref<10008x128xf32, #tpu.memory_space<hbm>>) dst(%arg11 : memref<128x128xf32, #tpu.memory_space<vmem>>)
    %run_scoped3A_33 = arith.constant 39 : i32
    "tpu.region"() ({
      %run_scoped3A_70 = tpu.sem_alloc : memref<!tpu.dma_semaphore, #tpu.memory_space<semaphore_mem>>
      %dma_start3A_71 = arith.constant 0 : i32
      %dma_start3A_72 = tpu.memref_slice %arg9[%run_scoped3A_33, %dma_start3A_71] : memref<40x128xi32, #tpu.memory_space<vmem>> -> memref<1x128xi32, #tpu.memory_space<vmem>>
      %dma_start3A_73 = tpu.memref_squeeze %dma_start3A_72 : memref<1x128xi32, #tpu.memory_space<vmem>> -> memref<128xi32, #tpu.memory_space<vmem>>
      %dma_start3A_74 = arith.constant 0 : i32
      %dma_start3A_75 = arith.constant 0 : i32
      %dma_start3A_76 = tpu.memref_slice %arg7[%dma_start3A_74, %dma_start3A_75] : memref<10112x128xf32, #tpu.memory_space<vmem_shared>> -> memref<10112x128xf32, #tpu.memory_space<vmem_shared>>
      tpu.enqueue_indirect_dma source(%arg11 : memref<128x128xf32, #tpu.memory_space<vmem>>) target(%dma_start3A_76 : memref<10112x128xf32, #tpu.memory_space<vmem_shared>>) offsets(%dma_start3A_73 : memref<128xi32, #tpu.memory_space<vmem>>) semaphore(%run_scoped3A_70 : memref<!tpu.dma_semaphore, #tpu.memory_space<semaphore_mem>>) {add = true}
      %dma_wait3A_77 = arith.constant 0 : i32
      %dma_wait3A_78 = tpu.memref_slice %arg9[%run_scoped3A_33, %dma_wait3A_77] : memref<40x128xi32, #tpu.memory_space<vmem>> -> memref<1x128xi32, #tpu.memory_space<vmem>>
      %dma_wait3A_79 = tpu.memref_squeeze %dma_wait3A_78 : memref<1x128xi32, #tpu.memory_space<vmem>> -> memref<128xi32, #tpu.memory_space<vmem>>
      %dma_wait3A_80 = arith.constant 0 : i32
      %dma_wait3A_81 = arith.constant 0 : i32
      %dma_wait3A_82 = tpu.memref_slice %arg7[%dma_wait3A_80, %dma_wait3A_81] : memref<10112x128xf32, #tpu.memory_space<vmem_shared>> -> memref<10112x128xf32, #tpu.memory_space<vmem_shared>>
      tpu.wait_indirect_dma semaphore(%run_scoped3A_70 : memref<!tpu.dma_semaphore, #tpu.memory_space<semaphore_mem>>) src(%arg11 : memref<128x128xf32, #tpu.memory_space<vmem>>) dst(%dma_wait3A_82 : memref<10112x128xf32, #tpu.memory_space<vmem_shared>>)
      tpu.yield
    }) : () -> ()
    "tpu.region"() ({
      %run_scoped3A_70 = tpu.sem_alloc : memref<!tpu.dma_semaphore, #tpu.memory_space<semaphore_mem>>
      %dma_start3A_71 = arith.constant 40 : i32
      %dma_start3A_72 = arith.constant 0 : i32
      %dma_start3A_73 = tpu.memref_slice %arg3[%add3A, %dma_start3A_71, %dma_start3A_72] : memref<32x80x128xi32, #tpu.memory_space<hbm>> -> memref<1x40x128xi32, #tpu.memory_space<hbm>>
      %dma_start3A_74 = tpu.memref_squeeze %dma_start3A_73 : memref<1x40x128xi32, #tpu.memory_space<hbm>> -> memref<40x128xi32, #tpu.memory_space<hbm>>
      %dma_start3A_75 = arith.constant 40 : i32
      %dma_start3A_76 = arith.constant 0 : i32
      %dma_start3A_77 = tpu.memref_slice %arg3[%add3A, %dma_start3A_75, %dma_start3A_76] : memref<32x80x128xi32, #tpu.memory_space<hbm>> -> memref<1x40x128xi32, #tpu.memory_space<hbm>>
      %dma_start3A_78 = tpu.memref_squeeze %dma_start3A_77 : memref<1x40x128xi32, #tpu.memory_space<hbm>> -> memref<40x128xi32, #tpu.memory_space<hbm>>
      tpu.enqueue_dma source(%dma_start3A_78 : memref<40x128xi32, #tpu.memory_space<hbm>>) target(%arg8 : memref<40x128xi32, #tpu.memory_space<vmem>>) target_semaphore(%run_scoped3A_70 : memref<!tpu.dma_semaphore, #tpu.memory_space<semaphore_mem>>)
      %dma_wait3A_79 = arith.constant 40 : i32
      %dma_wait3A_80 = arith.constant 0 : i32
      %dma_wait3A_81 = tpu.memref_slice %arg3[%add3A, %dma_wait3A_79, %dma_wait3A_80] : memref<32x80x128xi32, #tpu.memory_space<hbm>> -> memref<1x40x128xi32, #tpu.memory_space<hbm>>
      %dma_wait3A_82 = tpu.memref_squeeze %dma_wait3A_81 : memref<1x40x128xi32, #tpu.memory_space<hbm>> -> memref<40x128xi32, #tpu.memory_space<hbm>>
      %dma_wait3A_83 = arith.constant 40 : i32
      %dma_wait3A_84 = arith.constant 0 : i32
      %dma_wait3A_85 = tpu.memref_slice %arg3[%add3A, %dma_wait3A_83, %dma_wait3A_84] : memref<32x80x128xi32, #tpu.memory_space<hbm>> -> memref<1x40x128xi32, #tpu.memory_space<hbm>>
      %dma_wait3A_86 = tpu.memref_squeeze %dma_wait3A_85 : memref<1x40x128xi32, #tpu.memory_space<hbm>> -> memref<40x128xi32, #tpu.memory_space<hbm>>
      tpu.wait_dma2 semaphore(%run_scoped3A_70 : memref<!tpu.dma_semaphore, #tpu.memory_space<semaphore_mem>>) src(%dma_wait3A_86 : memref<40x128xi32, #tpu.memory_space<hbm>>) dst(%arg8 : memref<40x128xi32, #tpu.memory_space<vmem>>)
      tpu.yield
    }) : () -> ()
    "tpu.region"() ({
      %run_scoped3A_70 = tpu.sem_alloc : memref<!tpu.dma_semaphore, #tpu.memory_space<semaphore_mem>>
      %dma_start3A_71 = arith.constant 40 : i32
      %dma_start3A_72 = arith.constant 0 : i32
      %dma_start3A_73 = tpu.memref_slice %arg4[%add3A, %dma_start3A_71, %dma_start3A_72] : memref<32x80x128xi32, #tpu.memory_space<hbm>> -> memref<1x40x128xi32, #tpu.memory_space<hbm>>
      %dma_start3A_74 = tpu.memref_squeeze %dma_start3A_73 : memref<1x40x128xi32, #tpu.memory_space<hbm>> -> memref<40x128xi32, #tpu.memory_space<hbm>>
      %dma_start3A_75 = arith.constant 40 : i32
      %dma_start3A_76 = arith.constant 0 : i32
      %dma_start3A_77 = tpu.memref_slice %arg4[%add3A, %dma_start3A_75, %dma_start3A_76] : memref<32x80x128xi32, #tpu.memory_space<hbm>> -> memref<1x40x128xi32, #tpu.memory_space<hbm>>
      %dma_start3A_78 = tpu.memref_squeeze %dma_start3A_77 : memref<1x40x128xi32, #tpu.memory_space<hbm>> -> memref<40x128xi32, #tpu.memory_space<hbm>>
      tpu.enqueue_dma source(%dma_start3A_78 : memref<40x128xi32, #tpu.memory_space<hbm>>) target(%arg9 : memref<40x128xi32, #tpu.memory_space<vmem>>) target_semaphore(%run_scoped3A_70 : memref<!tpu.dma_semaphore, #tpu.memory_space<semaphore_mem>>)
      %dma_wait3A_79 = arith.constant 40 : i32
      %dma_wait3A_80 = arith.constant 0 : i32
      %dma_wait3A_81 = tpu.memref_slice %arg4[%add3A, %dma_wait3A_79, %dma_wait3A_80] : memref<32x80x128xi32, #tpu.memory_space<hbm>> -> memref<1x40x128xi32, #tpu.memory_space<hbm>>
      %dma_wait3A_82 = tpu.memref_squeeze %dma_wait3A_81 : memref<1x40x128xi32, #tpu.memory_space<hbm>> -> memref<40x128xi32, #tpu.memory_space<hbm>>
      %dma_wait3A_83 = arith.constant 40 : i32
      %dma_wait3A_84 = arith.constant 0 : i32
      %dma_wait3A_85 = tpu.memref_slice %arg4[%add3A, %dma_wait3A_83, %dma_wait3A_84] : memref<32x80x128xi32, #tpu.memory_space<hbm>> -> memref<1x40x128xi32, #tpu.memory_space<hbm>>
      %dma_wait3A_86 = tpu.memref_squeeze %dma_wait3A_85 : memref<1x40x128xi32, #tpu.memory_space<hbm>> -> memref<40x128xi32, #tpu.memory_space<hbm>>
      tpu.wait_dma2 semaphore(%run_scoped3A_70 : memref<!tpu.dma_semaphore, #tpu.memory_space<semaphore_mem>>) src(%dma_wait3A_86 : memref<40x128xi32, #tpu.memory_space<hbm>>) dst(%arg9 : memref<40x128xi32, #tpu.memory_space<vmem>>)
      tpu.yield
    }) : () -> ()
    %dma_start3A_34 = arith.constant 0 : i32
    %dma_start3A_35 = arith.constant 0 : i32
    %dma_start3A_36 = tpu.memref_slice %arg8[%dma_start3A_34, %dma_start3A_35] : memref<40x128xi32, #tpu.memory_space<vmem>> -> memref<1x128xi32, #tpu.memory_space<vmem>>
    %dma_start3A_37 = tpu.memref_squeeze %dma_start3A_36 : memref<1x128xi32, #tpu.memory_space<vmem>> -> memref<128xi32, #tpu.memory_space<vmem>>
    %dma_start3A_38 = arith.constant 0 : i32
    %dma_start3A_39 = arith.constant 0 : i32
    %dma_start3A_40 = tpu.memref_slice %arg2[%dma_start3A_38, %dma_start3A_39] : memref<10008x128xf32, #tpu.memory_space<hbm>> -> memref<10008x128xf32, #tpu.memory_space<hbm>>
    tpu.enqueue_indirect_dma source(%dma_start3A_40 : memref<10008x128xf32, #tpu.memory_space<hbm>>) target(%arg10 : memref<128x128xf32, #tpu.memory_space<vmem>>) offsets(%dma_start3A_37 : memref<128xi32, #tpu.memory_space<vmem>>) semaphore(%arg12 : memref<!tpu.dma_semaphore, #tpu.memory_space<semaphore_mem>>)
    %dma_start3A_41 = arith.constant 1 : i32
    %dma_start3A_42 = arith.constant 0 : i32
    %dma_start3A_43 = tpu.memref_slice %arg8[%dma_start3A_41, %dma_start3A_42] : memref<40x128xi32, #tpu.memory_space<vmem>> -> memref<1x128xi32, #tpu.memory_space<vmem>>
    %dma_start3A_44 = tpu.memref_squeeze %dma_start3A_43 : memref<1x128xi32, #tpu.memory_space<vmem>> -> memref<128xi32, #tpu.memory_space<vmem>>
    %dma_start3A_45 = arith.constant 0 : i32
    %dma_start3A_46 = arith.constant 0 : i32
    %dma_start3A_47 = tpu.memref_slice %arg2[%dma_start3A_45, %dma_start3A_46] : memref<10008x128xf32, #tpu.memory_space<hbm>> -> memref<10008x128xf32, #tpu.memory_space<hbm>>
    tpu.enqueue_indirect_dma source(%dma_start3A_47 : memref<10008x128xf32, #tpu.memory_space<hbm>>) target(%arg11 : memref<128x128xf32, #tpu.memory_space<vmem>>) offsets(%dma_start3A_44 : memref<128xi32, #tpu.memory_space<vmem>>) semaphore(%arg13 : memref<!tpu.dma_semaphore, #tpu.memory_space<semaphore_mem>>)
    %scan3A_48 = arith.constant 0 : i32
    %scan3A_49 = arith.constant 19 : i32
    %scan3A_50 = arith.addi %scan3A_48, %scan3A_49 : i32
    %scan3A_51 = arith.constant 1 : i32
    scf.for %scan3A_70 = %scan3A_48 to %scan3A_50 step %scan3A_51  : i32 {
      %mul3A_71 = arith.constant 2 : i32
      %mul3A_72 = arith.muli %scan3A_70, %mul3A_71 : i32
      %add3A_73 = arith.constant 0 : i32
      %add3A_74 = arith.addi %add3A_73, %mul3A_72 : i32
      %dma_wait3A_75 = arith.constant 0 : i32
      %dma_wait3A_76 = tpu.memref_slice %arg8[%add3A_74, %dma_wait3A_75] : memref<40x128xi32, #tpu.memory_space<vmem>> -> memref<1x128xi32, #tpu.memory_space<vmem>>
      %dma_wait3A_77 = tpu.memref_squeeze %dma_wait3A_76 : memref<1x128xi32, #tpu.memory_space<vmem>> -> memref<128xi32, #tpu.memory_space<vmem>>
      %dma_wait3A_78 = arith.constant 0 : i32
      %dma_wait3A_79 = arith.constant 0 : i32
      %dma_wait3A_80 = tpu.memref_slice %arg2[%dma_wait3A_78, %dma_wait3A_79] : memref<10008x128xf32, #tpu.memory_space<hbm>> -> memref<10008x128xf32, #tpu.memory_space<hbm>>
      tpu.wait_indirect_dma semaphore(%arg12 : memref<!tpu.dma_semaphore, #tpu.memory_space<semaphore_mem>>) src(%dma_wait3A_80 : memref<10008x128xf32, #tpu.memory_space<hbm>>) dst(%arg10 : memref<128x128xf32, #tpu.memory_space<vmem>>)
      "tpu.region"() ({
        %run_scoped3A_103 = tpu.sem_alloc : memref<!tpu.dma_semaphore, #tpu.memory_space<semaphore_mem>>
        %dma_start3A_104 = arith.constant 0 : i32
        %dma_start3A_105 = tpu.memref_slice %arg9[%add3A_74, %dma_start3A_104] : memref<40x128xi32, #tpu.memory_space<vmem>> -> memref<1x128xi32, #tpu.memory_space<vmem>>
        %dma_start3A_106 = tpu.memref_squeeze %dma_start3A_105 : memref<1x128xi32, #tpu.memory_space<vmem>> -> memref<128xi32, #tpu.memory_space<vmem>>
        %dma_start3A_107 = arith.constant 0 : i32
        %dma_start3A_108 = arith.constant 0 : i32
        %dma_start3A_109 = tpu.memref_slice %arg7[%dma_start3A_107, %dma_start3A_108] : memref<10112x128xf32, #tpu.memory_space<vmem_shared>> -> memref<10112x128xf32, #tpu.memory_space<vmem_shared>>
        tpu.enqueue_indirect_dma source(%arg10 : memref<128x128xf32, #tpu.memory_space<vmem>>) target(%dma_start3A_109 : memref<10112x128xf32, #tpu.memory_space<vmem_shared>>) offsets(%dma_start3A_106 : memref<128xi32, #tpu.memory_space<vmem>>) semaphore(%run_scoped3A_103 : memref<!tpu.dma_semaphore, #tpu.memory_space<semaphore_mem>>) {add = true}
        %dma_wait3A_110 = arith.constant 0 : i32
        %dma_wait3A_111 = tpu.memref_slice %arg9[%add3A_74, %dma_wait3A_110] : memref<40x128xi32, #tpu.memory_space<vmem>> -> memref<1x128xi32, #tpu.memory_space<vmem>>
        %dma_wait3A_112 = tpu.memref_squeeze %dma_wait3A_111 : memref<1x128xi32, #tpu.memory_space<vmem>> -> memref<128xi32, #tpu.memory_space<vmem>>
        %dma_wait3A_113 = arith.constant 0 : i32
        %dma_wait3A_114 = arith.constant 0 : i32
        %dma_wait3A_115 = tpu.memref_slice %arg7[%dma_wait3A_113, %dma_wait3A_114] : memref<10112x128xf32, #tpu.memory_space<vmem_shared>> -> memref<10112x128xf32, #tpu.memory_space<vmem_shared>>
        tpu.wait_indirect_dma semaphore(%run_scoped3A_103 : memref<!tpu.dma_semaphore, #tpu.memory_space<semaphore_mem>>) src(%arg10 : memref<128x128xf32, #tpu.memory_space<vmem>>) dst(%dma_wait3A_115 : memref<10112x128xf32, #tpu.memory_space<vmem_shared>>)
        tpu.yield
      }) : () -> ()
      %add3A_81 = arith.constant 2 : i32
      %add3A_82 = arith.addi %add3A_74, %add3A_81 : i32
      %dma_start3A_83 = arith.constant 0 : i32
      %dma_start3A_84 = tpu.memref_slice %arg8[%add3A_82, %dma_start3A_83] : memref<40x128xi32, #tpu.memory_space<vmem>> -> memref<1x128xi32, #tpu.memory_space<vmem>>
      %dma_start3A_85 = tpu.memref_squeeze %dma_start3A_84 : memref<1x128xi32, #tpu.memory_space<vmem>> -> memref<128xi32, #tpu.memory_space<vmem>>
      %dma_start3A_86 = arith.constant 0 : i32
      %dma_start3A_87 = arith.constant 0 : i32
      %dma_start3A_88 = tpu.memref_slice %arg2[%dma_start3A_86, %dma_start3A_87] : memref<10008x128xf32, #tpu.memory_space<hbm>> -> memref<10008x128xf32, #tpu.memory_space<hbm>>
      tpu.enqueue_indirect_dma source(%dma_start3A_88 : memref<10008x128xf32, #tpu.memory_space<hbm>>) target(%arg10 : memref<128x128xf32, #tpu.memory_space<vmem>>) offsets(%dma_start3A_85 : memref<128xi32, #tpu.memory_space<vmem>>) semaphore(%arg12 : memref<!tpu.dma_semaphore, #tpu.memory_space<semaphore_mem>>)
      %add3A_89 = arith.constant 1 : i32
      %add3A_90 = arith.addi %add3A_74, %add3A_89 : i32
      %dma_wait3A_91 = arith.constant 0 : i32
      %dma_wait3A_92 = tpu.memref_slice %arg8[%add3A_90, %dma_wait3A_91] : memref<40x128xi32, #tpu.memory_space<vmem>> -> memref<1x128xi32, #tpu.memory_space<vmem>>
      %dma_wait3A_93 = tpu.memref_squeeze %dma_wait3A_92 : memref<1x128xi32, #tpu.memory_space<vmem>> -> memref<128xi32, #tpu.memory_space<vmem>>
      %dma_wait3A_94 = arith.constant 0 : i32
      %dma_wait3A_95 = arith.constant 0 : i32
      %dma_wait3A_96 = tpu.memref_slice %arg2[%dma_wait3A_94, %dma_wait3A_95] : memref<10008x128xf32, #tpu.memory_space<hbm>> -> memref<10008x128xf32, #tpu.memory_space<hbm>>
      tpu.wait_indirect_dma semaphore(%arg13 : memref<!tpu.dma_semaphore, #tpu.memory_space<semaphore_mem>>) src(%dma_wait3A_96 : memref<10008x128xf32, #tpu.memory_space<hbm>>) dst(%arg11 : memref<128x128xf32, #tpu.memory_space<vmem>>)
      %add3A_97 = arith.constant 1 : i32
      %add3A_98 = arith.addi %add3A_74, %add3A_97 : i32
      "tpu.region"() ({
        %run_scoped3A_103 = tpu.sem_alloc : memref<!tpu.dma_semaphore, #tpu.memory_space<semaphore_mem>>
        %dma_start3A_104 = arith.constant 0 : i32
        %dma_start3A_105 = tpu.memref_slice %arg9[%add3A_98, %dma_start3A_104] : memref<40x128xi32, #tpu.memory_space<vmem>> -> memref<1x128xi32, #tpu.memory_space<vmem>>
        %dma_start3A_106 = tpu.memref_squeeze %dma_start3A_105 : memref<1x128xi32, #tpu.memory_space<vmem>> -> memref<128xi32, #tpu.memory_space<vmem>>
        %dma_start3A_107 = arith.constant 0 : i32
        %dma_start3A_108 = arith.constant 0 : i32
        %dma_start3A_109 = tpu.memref_slice %arg7[%dma_start3A_107, %dma_start3A_108] : memref<10112x128xf32, #tpu.memory_space<vmem_shared>> -> memref<10112x128xf32, #tpu.memory_space<vmem_shared>>
        tpu.enqueue_indirect_dma source(%arg11 : memref<128x128xf32, #tpu.memory_space<vmem>>) target(%dma_start3A_109 : memref<10112x128xf32, #tpu.memory_space<vmem_shared>>) offsets(%dma_start3A_106 : memref<128xi32, #tpu.memory_space<vmem>>) semaphore(%run_scoped3A_103 : memref<!tpu.dma_semaphore, #tpu.memory_space<semaphore_mem>>) {add = true}
        %dma_wait3A_110 = arith.constant 0 : i32
        %dma_wait3A_111 = tpu.memref_slice %arg9[%add3A_98, %dma_wait3A_110] : memref<40x128xi32, #tpu.memory_space<vmem>> -> memref<1x128xi32, #tpu.memory_space<vmem>>
        %dma_wait3A_112 = tpu.memref_squeeze %dma_wait3A_111 : memref<1x128xi32, #tpu.memory_space<vmem>> -> memref<128xi32, #tpu.memory_space<vmem>>
        %dma_wait3A_113 = arith.constant 0 : i32
        %dma_wait3A_114 = arith.constant 0 : i32
        %dma_wait3A_115 = tpu.memref_slice %arg7[%dma_wait3A_113, %dma_wait3A_114] : memref<10112x128xf32, #tpu.memory_space<vmem_shared>> -> memref<10112x128xf32, #tpu.memory_space<vmem_shared>>
        tpu.wait_indirect_dma semaphore(%run_scoped3A_103 : memref<!tpu.dma_semaphore, #tpu.memory_space<semaphore_mem>>) src(%arg11 : memref<128x128xf32, #tpu.memory_space<vmem>>) dst(%dma_wait3A_115 : memref<10112x128xf32, #tpu.memory_space<vmem_shared>>)
        tpu.yield
      }) : () -> ()
      %add3A_99 = arith.constant 3 : i32
      %add3A_100 = arith.addi %add3A_74, %add3A_99 : i32
      %lt3A = arith.constant 40 : i32
      %lt3A_101 = arith.cmpi slt, %add3A_100, %lt3A : i32
      %convert_element_type3A = arith.extui %lt3A_101 : i1 to i32
      %cond3A = arith.constant 0 : i32
      %cond3A_102 = arith.cmpi ne, %convert_element_type3A, %cond3A : i32
      scf.if %cond3A_102 {
        %add3A_103 = arith.constant 3 : i32
        %add3A_104 = arith.addi %add3A_74, %add3A_103 : i32
        %dma_start3A_105 = arith.constant 0 : i32
        %dma_start3A_106 = tpu.memref_slice %arg8[%add3A_104, %dma_start3A_105] : memref<40x128xi32, #tpu.memory_space<vmem>> -> memref<1x128xi32, #tpu.memory_space<vmem>>
        %dma_start3A_107 = tpu.memref_squeeze %dma_start3A_106 : memref<1x128xi32, #tpu.memory_space<vmem>> -> memref<128xi32, #tpu.memory_space<vmem>>
        %dma_start3A_108 = arith.constant 0 : i32
        %dma_start3A_109 = arith.constant 0 : i32
        %dma_start3A_110 = tpu.memref_slice %arg2[%dma_start3A_108, %dma_start3A_109] : memref<10008x128xf32, #tpu.memory_space<hbm>> -> memref<10008x128xf32, #tpu.memory_space<hbm>>
        tpu.enqueue_indirect_dma source(%dma_start3A_110 : memref<10008x128xf32, #tpu.memory_space<hbm>>) target(%arg11 : memref<128x128xf32, #tpu.memory_space<vmem>>) offsets(%dma_start3A_107 : memref<128xi32, #tpu.memory_space<vmem>>) semaphore(%arg13 : memref<!tpu.dma_semaphore, #tpu.memory_space<semaphore_mem>>)
      } else {
      }
    }
    %scan3A_52 = arith.constant 19 : i32
    %dma_wait3A_53 = arith.constant 38 : i32
    %dma_wait3A_54 = arith.constant 0 : i32
    %dma_wait3A_55 = tpu.memref_slice %arg8[%dma_wait3A_53, %dma_wait3A_54] : memref<40x128xi32, #tpu.memory_space<vmem>> -> memref<1x128xi32, #tpu.memory_space<vmem>>
    %dma_wait3A_56 = tpu.memref_squeeze %dma_wait3A_55 : memref<1x128xi32, #tpu.memory_space<vmem>> -> memref<128xi32, #tpu.memory_space<vmem>>
    %dma_wait3A_57 = arith.constant 0 : i32
    %dma_wait3A_58 = arith.constant 0 : i32
    %dma_wait3A_59 = tpu.memref_slice %arg2[%dma_wait3A_57, %dma_wait3A_58] : memref<10008x128xf32, #tpu.memory_space<hbm>> -> memref<10008x128xf32, #tpu.memory_space<hbm>>
    tpu.wait_indirect_dma semaphore(%arg12 : memref<!tpu.dma_semaphore, #tpu.memory_space<semaphore_mem>>) src(%dma_wait3A_59 : memref<10008x128xf32, #tpu.memory_space<hbm>>) dst(%arg10 : memref<128x128xf32, #tpu.memory_space<vmem>>)
    %run_scoped3A_60 = arith.constant 38 : i32
    "tpu.region"() ({
      %run_scoped3A_70 = tpu.sem_alloc : memref<!tpu.dma_semaphore, #tpu.memory_space<semaphore_mem>>
      %dma_start3A_71 = arith.constant 0 : i32
      %dma_start3A_72 = tpu.memref_slice %arg9[%run_scoped3A_60, %dma_start3A_71] : memref<40x128xi32, #tpu.memory_space<vmem>> -> memref<1x128xi32, #tpu.memory_space<vmem>>
      %dma_start3A_73 = tpu.memref_squeeze %dma_start3A_72 : memref<1x128xi32, #tpu.memory_space<vmem>> -> memref<128xi32, #tpu.memory_space<vmem>>
      %dma_start3A_74 = arith.constant 0 : i32
      %dma_start3A_75 = arith.constant 0 : i32
      %dma_start3A_76 = tpu.memref_slice %arg7[%dma_start3A_74, %dma_start3A_75] : memref<10112x128xf32, #tpu.memory_space<vmem_shared>> -> memref<10112x128xf32, #tpu.memory_space<vmem_shared>>
      tpu.enqueue_indirect_dma source(%arg10 : memref<128x128xf32, #tpu.memory_space<vmem>>) target(%dma_start3A_76 : memref<10112x128xf32, #tpu.memory_space<vmem_shared>>) offsets(%dma_start3A_73 : memref<128xi32, #tpu.memory_space<vmem>>) semaphore(%run_scoped3A_70 : memref<!tpu.dma_semaphore, #tpu.memory_space<semaphore_mem>>) {add = true}
      %dma_wait3A_77 = arith.constant 0 : i32
      %dma_wait3A_78 = tpu.memref_slice %arg9[%run_scoped3A_60, %dma_wait3A_77] : memref<40x128xi32, #tpu.memory_space<vmem>> -> memref<1x128xi32, #tpu.memory_space<vmem>>
      %dma_wait3A_79 = tpu.memref_squeeze %dma_wait3A_78 : memref<1x128xi32, #tpu.memory_space<vmem>> -> memref<128xi32, #tpu.memory_space<vmem>>
      %dma_wait3A_80 = arith.constant 0 : i32
      %dma_wait3A_81 = arith.constant 0 : i32
      %dma_wait3A_82 = tpu.memref_slice %arg7[%dma_wait3A_80, %dma_wait3A_81] : memref<10112x128xf32, #tpu.memory_space<vmem_shared>> -> memref<10112x128xf32, #tpu.memory_space<vmem_shared>>
      tpu.wait_indirect_dma semaphore(%run_scoped3A_70 : memref<!tpu.dma_semaphore, #tpu.memory_space<semaphore_mem>>) src(%arg10 : memref<128x128xf32, #tpu.memory_space<vmem>>) dst(%dma_wait3A_82 : memref<10112x128xf32, #tpu.memory_space<vmem_shared>>)
      tpu.yield
    }) : () -> ()
    %dma_wait3A_61 = arith.constant 39 : i32
    %dma_wait3A_62 = arith.constant 0 : i32
    %dma_wait3A_63 = tpu.memref_slice %arg8[%dma_wait3A_61, %dma_wait3A_62] : memref<40x128xi32, #tpu.memory_space<vmem>> -> memref<1x128xi32, #tpu.memory_space<vmem>>
    %dma_wait3A_64 = tpu.memref_squeeze %dma_wait3A_63 : memref<1x128xi32, #tpu.memory_space<vmem>> -> memref<128xi32, #tpu.memory_space<vmem>>
    %dma_wait3A_65 = arith.constant 0 : i32
    %dma_wait3A_66 = arith.constant 0 : i32
    %dma_wait3A_67 = tpu.memref_slice %arg2[%dma_wait3A_65, %dma_wait3A_66] : memref<10008x128xf32, #tpu.memory_space<hbm>> -> memref<10008x128xf32, #tpu.memory_space<hbm>>
    tpu.wait_indirect_dma semaphore(%arg13 : memref<!tpu.dma_semaphore, #tpu.memory_space<semaphore_mem>>) src(%dma_wait3A_67 : memref<10008x128xf32, #tpu.memory_space<hbm>>) dst(%arg11 : memref<128x128xf32, #tpu.memory_space<vmem>>)
    %run_scoped3A_68 = arith.constant 39 : i32
    "tpu.region"() ({
      %run_scoped3A_70 = tpu.sem_alloc : memref<!tpu.dma_semaphore, #tpu.memory_space<semaphore_mem>>
      %dma_start3A_71 = arith.constant 0 : i32
      %dma_start3A_72 = tpu.memref_slice %arg9[%run_scoped3A_68, %dma_start3A_71] : memref<40x128xi32, #tpu.memory_space<vmem>> -> memref<1x128xi32, #tpu.memory_space<vmem>>
      %dma_start3A_73 = tpu.memref_squeeze %dma_start3A_72 : memref<1x128xi32, #tpu.memory_space<vmem>> -> memref<128xi32, #tpu.memory_space<vmem>>
      %dma_start3A_74 = arith.constant 0 : i32
      %dma_start3A_75 = arith.constant 0 : i32
      %dma_start3A_76 = tpu.memref_slice %arg7[%dma_start3A_74, %dma_start3A_75] : memref<10112x128xf32, #tpu.memory_space<vmem_shared>> -> memref<10112x128xf32, #tpu.memory_space<vmem_shared>>
      tpu.enqueue_indirect_dma source(%arg11 : memref<128x128xf32, #tpu.memory_space<vmem>>) target(%dma_start3A_76 : memref<10112x128xf32, #tpu.memory_space<vmem_shared>>) offsets(%dma_start3A_73 : memref<128xi32, #tpu.memory_space<vmem>>) semaphore(%run_scoped3A_70 : memref<!tpu.dma_semaphore, #tpu.memory_space<semaphore_mem>>) {add = true}
      %dma_wait3A_77 = arith.constant 0 : i32
      %dma_wait3A_78 = tpu.memref_slice %arg9[%run_scoped3A_68, %dma_wait3A_77] : memref<40x128xi32, #tpu.memory_space<vmem>> -> memref<1x128xi32, #tpu.memory_space<vmem>>
      %dma_wait3A_79 = tpu.memref_squeeze %dma_wait3A_78 : memref<1x128xi32, #tpu.memory_space<vmem>> -> memref<128xi32, #tpu.memory_space<vmem>>
      %dma_wait3A_80 = arith.constant 0 : i32
      %dma_wait3A_81 = arith.constant 0 : i32
      %dma_wait3A_82 = tpu.memref_slice %arg7[%dma_wait3A_80, %dma_wait3A_81] : memref<10112x128xf32, #tpu.memory_space<vmem_shared>> -> memref<10112x128xf32, #tpu.memory_space<vmem_shared>>
      tpu.wait_indirect_dma semaphore(%run_scoped3A_70 : memref<!tpu.dma_semaphore, #tpu.memory_space<semaphore_mem>>) src(%arg11 : memref<128x128xf32, #tpu.memory_space<vmem>>) dst(%dma_wait3A_82 : memref<10112x128xf32, #tpu.memory_space<vmem_shared>>)
      tpu.yield
    }) : () -> ()
    %barrier3A_69 = arith.constant 0 : index
    tpu.barrier barrier_id(%barrier3A_69)
    "tpu.region"() ({
      %run_scoped3A_70 = tpu.sem_alloc : memref<!tpu.dma_semaphore, #tpu.memory_space<semaphore_mem>>
      %dma_start3A_71 = arith.constant 0 : i32
      %dma_start3A_72 = tpu.memref_slice %arg6[%arg0, %mul3A_2, %dma_start3A_71] : memref<2x10112x128xf32, #tpu.memory_space<hbm>> -> memref<1x632x128xf32, #tpu.memory_space<hbm>>
      %dma_start3A_73 = tpu.memref_squeeze %dma_start3A_72 : memref<1x632x128xf32, #tpu.memory_space<hbm>> -> memref<632x128xf32, #tpu.memory_space<hbm>>
      %dma_start3A_74 = arith.constant 0 : i32
      %dma_start3A_75 = tpu.memref_slice %arg7[%mul3A_2, %dma_start3A_74] : memref<10112x128xf32, #tpu.memory_space<vmem_shared>> -> memref<632x128xf32, #tpu.memory_space<vmem_shared>>
      tpu.enqueue_dma source(%dma_start3A_75 : memref<632x128xf32, #tpu.memory_space<vmem_shared>>) target(%dma_start3A_73 : memref<632x128xf32, #tpu.memory_space<hbm>>) target_semaphore(%run_scoped3A_70 : memref<!tpu.dma_semaphore, #tpu.memory_space<semaphore_mem>>)
      %dma_wait3A_76 = arith.constant 0 : i32
      %dma_wait3A_77 = tpu.memref_slice %arg6[%arg0, %mul3A_2, %dma_wait3A_76] : memref<2x10112x128xf32, #tpu.memory_space<hbm>> -> memref<1x632x128xf32, #tpu.memory_space<hbm>>
      %dma_wait3A_78 = tpu.memref_squeeze %dma_wait3A_77 : memref<1x632x128xf32, #tpu.memory_space<hbm>> -> memref<632x128xf32, #tpu.memory_space<hbm>>
      %dma_wait3A_79 = arith.constant 0 : i32
      %dma_wait3A_80 = tpu.memref_slice %arg7[%mul3A_2, %dma_wait3A_79] : memref<10112x128xf32, #tpu.memory_space<vmem_shared>> -> memref<632x128xf32, #tpu.memory_space<vmem_shared>>
      tpu.wait_dma2 semaphore(%run_scoped3A_70 : memref<!tpu.dma_semaphore, #tpu.memory_space<semaphore_mem>>) src(%dma_wait3A_80 : memref<632x128xf32, #tpu.memory_space<vmem_shared>>) dst(%dma_wait3A_78 : memref<632x128xf32, #tpu.memory_space<hbm>>)
      tpu.yield
    }) : () -> ()
    return
  }
}

module attributes {stable_mosaic.version = 14 : i64} {
  func.func @_dense_body(%arg0: i32, %arg1: memref<2x2000x128xf32, #tpu.memory_space<vmem>>, %arg2: memref<2x2000x128xf32, #tpu.memory_space<vmem>>, %arg3: memref<2000x128xf32, #tpu.memory_space<vmem>>, %arg4: memref<128x128xf32, #tpu.memory_space<vmem>>, %arg5: memref<128x128xf32, #tpu.memory_space<vmem>>, %arg6: memref<1x128xf32, #tpu.memory_space<vmem>>, %arg7: memref<2000x128xf32, #tpu.memory_space<vmem>>) attributes {dimension_semantics = [#tpu.dimension_semantics<arbitrary>], iteration_bounds = array<i64: 5>, scalar_prefetch = 0 : i64, scratch_operands = 0 : i64, tpu.core_type = #tpu.core_type<tc>, window_params = [{transform_indices = @transform_0, window_bounds = array<i64: 2, 2000, 128>}, {transform_indices = @transform_1, window_bounds = array<i64: 2, 2000, 128>}, {transform_indices = @transform_2, window_bounds = array<i64: 2000, 128>}, {pipeline_mode = #tpu.pipeline_mode<synchronous>, transform_indices = @transform_3, window_bounds = array<i64: 128, 128>}, {pipeline_mode = #tpu.pipeline_mode<synchronous>, transform_indices = @transform_4, window_bounds = array<i64: 128, 128>}, {pipeline_mode = #tpu.pipeline_mode<synchronous>, transform_indices = @transform_5, window_bounds = array<i64: 1, 128>}, {transform_indices = @transform_6, window_bounds = array<i64: 2000, 128>}]} {
    %get3A = arith.constant 0 : index
    %get3A_0 = arith.constant 0 : index
    %get3A_1 = arith.constant 0 : index
    %get3A_2 = vector.load %arg1[%get3A, %get3A_0, %get3A_1] : memref<2x2000x128xf32, #tpu.memory_space<vmem>>, vector<1x2000x128xf32>
    %get3A_3 = vector.shape_cast %get3A_2 : vector<1x2000x128xf32> to vector<2000x128xf32>
    %get3A_4 = arith.constant 1 : index
    %get3A_5 = arith.constant 0 : index
    %get3A_6 = arith.constant 0 : index
    %get3A_7 = vector.load %arg1[%get3A_4, %get3A_5, %get3A_6] : memref<2x2000x128xf32, #tpu.memory_space<vmem>>, vector<1x2000x128xf32>
    %get3A_8 = vector.shape_cast %get3A_7 : vector<1x2000x128xf32> to vector<2000x128xf32>
    %add3A = arith.addf %get3A_3, %get3A_8 : vector<2000x128xf32>
    %get3A_9 = arith.constant 0 : index
    %get3A_10 = arith.constant 0 : index
    %get3A_11 = arith.constant 0 : index
    %get3A_12 = vector.load %arg2[%get3A_9, %get3A_10, %get3A_11] : memref<2x2000x128xf32, #tpu.memory_space<vmem>>, vector<1x2000x128xf32>
    %get3A_13 = vector.shape_cast %get3A_12 : vector<1x2000x128xf32> to vector<2000x128xf32>
    %get3A_14 = arith.constant 1 : index
    %get3A_15 = arith.constant 0 : index
    %get3A_16 = arith.constant 0 : index
    %get3A_17 = vector.load %arg2[%get3A_14, %get3A_15, %get3A_16] : memref<2x2000x128xf32, #tpu.memory_space<vmem>>, vector<1x2000x128xf32>
    %get3A_18 = vector.shape_cast %get3A_17 : vector<1x2000x128xf32> to vector<2000x128xf32>
    %add3A_19 = arith.addf %get3A_13, %get3A_18 : vector<2000x128xf32>
    %slice3A = vector.extract_strided_slice %add3A_19 {offsets = [0, 0], sizes = [2000, 1], strides = [1, 1]} : vector<2000x128xf32> to vector<2000x1xf32>
    %max3A = arith.constant 1.000000e+00 : f32
    %max3A_20 = vector.broadcast %max3A : f32 to vector<2000x1xf32>
    %max3A_21 = arith.maximumf %slice3A, %max3A_20 : vector<2000x1xf32>
    %div3A = vector.broadcast %max3A_21 : vector<2000x1xf32> to vector<2000x128xf32>
    %div3A_22 = arith.divf %add3A, %div3A : vector<2000x128xf32>
    %get3A_23 = arith.constant 0 : index
    %get3A_24 = arith.constant 0 : index
    %get3A_25 = vector.load %arg4[%get3A_23, %get3A_24] : memref<128x128xf32, #tpu.memory_space<vmem>>, vector<128x128xf32>
    %dot_general3A = arith.constant dense<0.000000e+00> : vector<2000x128xf32>
    %dot_general3A_26 = tpu.matmul %div3A_22, %get3A_25, %dot_general3A {dimension_numbers = #tpu.dot_dimension_numbers<[1], [0], [0], [1], [0, 0, 1, 1], [], []>, precision = #tpu.contract_precision<fp32>, transpose_lhs_hint = false} : vector<2000x128xf32>, vector<128x128xf32>, vector<2000x128xf32> -> vector<2000x128xf32>
    %get3A_27 = arith.constant 0 : index
    %get3A_28 = arith.constant 0 : index
    %get3A_29 = vector.load %arg3[%get3A_27, %get3A_28] : memref<2000x128xf32, #tpu.memory_space<vmem>>, vector<2000x128xf32>
    %get3A_30 = arith.constant 0 : index
    %get3A_31 = arith.constant 0 : index
    %get3A_32 = vector.load %arg5[%get3A_30, %get3A_31] : memref<128x128xf32, #tpu.memory_space<vmem>>, vector<128x128xf32>
    %dot_general3A_33 = arith.constant dense<0.000000e+00> : vector<2000x128xf32>
    %dot_general3A_34 = tpu.matmul %get3A_29, %get3A_32, %dot_general3A_33 {dimension_numbers = #tpu.dot_dimension_numbers<[1], [0], [0], [1], [0, 0, 1, 1], [], []>, precision = #tpu.contract_precision<fp32>, transpose_lhs_hint = false} : vector<2000x128xf32>, vector<128x128xf32>, vector<2000x128xf32> -> vector<2000x128xf32>
    %add3A_35 = arith.addf %dot_general3A_26, %dot_general3A_34 : vector<2000x128xf32>
    %get3A_36 = arith.constant 0 : index
    %get3A_37 = arith.constant 0 : index
    %get3A_38 = vector.load %arg6[%get3A_36, %get3A_37] : memref<1x128xf32, #tpu.memory_space<vmem>>, vector<1x128xf32>
    %add3A_39 = vector.broadcast %get3A_38 : vector<1x128xf32> to vector<2000x128xf32>
    %add3A_40 = arith.addf %add3A_35, %add3A_39 : vector<2000x128xf32>
    %max3A_41 = arith.constant 0.000000e+00 : f32
    %max3A_42 = vector.broadcast %max3A_41 : f32 to vector<2000x128xf32>
    %max3A_43 = arith.maximumf %add3A_40, %max3A_42 : vector<2000x128xf32>
    %swap3A = arith.constant 0 : index
    %swap3A_44 = arith.constant 0 : index
    %swap3A_45 = vector.load %arg7[%swap3A, %swap3A_44] : memref<2000x128xf32, #tpu.memory_space<vmem>>, vector<2000x128xf32>
    tpu.vector_store %arg7[%swap3A, %swap3A_44], %max3A_43 {strides = array<i32>} : memref<2000x128xf32, #tpu.memory_space<vmem>>, vector<2000x128xf32>,
    return
  }
  func.func @transform_0(%arg0: i32) -> (i32, i32, i32) {
    %c0_i32 = arith.constant 0 : i32
    %c0_i32_0 = arith.constant 0 : i32
    %c0_i32_1 = arith.constant 0 : i32
    return %c0_i32, %arg0, %c0_i32_0 : i32, i32, i32
  }
  func.func @transform_1(%arg0: i32) -> (i32, i32, i32) {
    %c0_i32 = arith.constant 0 : i32
    %c0_i32_0 = arith.constant 0 : i32
    %c0_i32_1 = arith.constant 0 : i32
    return %c0_i32, %arg0, %c0_i32_0 : i32, i32, i32
  }
  func.func @transform_2(%arg0: i32) -> (i32, i32) {
    %c0_i32 = arith.constant 0 : i32
    %c0_i32_0 = arith.constant 0 : i32
    return %arg0, %c0_i32 : i32, i32
  }
  func.func @transform_3(%arg0: i32) -> (i32, i32) {
    %c0_i32 = arith.constant 0 : i32
    %c0_i32_0 = arith.constant 0 : i32
    %c0_i32_1 = arith.constant 0 : i32
    return %c0_i32, %c0_i32_0 : i32, i32
  }
  func.func @transform_4(%arg0: i32) -> (i32, i32) {
    %c0_i32 = arith.constant 0 : i32
    %c0_i32_0 = arith.constant 0 : i32
    %c0_i32_1 = arith.constant 0 : i32
    return %c0_i32, %c0_i32_0 : i32, i32
  }
  func.func @transform_5(%arg0: i32) -> (i32, i32) {
    %c0_i32 = arith.constant 0 : i32
    %c0_i32_0 = arith.constant 0 : i32
    %c0_i32_1 = arith.constant 0 : i32
    return %c0_i32, %c0_i32_0 : i32, i32
  }
  func.func @transform_6(%arg0: i32) -> (i32, i32) {
    %c0_i32 = arith.constant 0 : i32
    %c0_i32_0 = arith.constant 0 : i32
    return %arg0, %c0_i32 : i32, i32
  }
}

module attributes {stable_mosaic.version = 14 : i64} {
  func.func @_dense_body(%arg0: i32, %arg1: memref<2x2000x128xf32, #tpu.memory_space<vmem>>, %arg2: memref<2x2000x128xf32, #tpu.memory_space<vmem>>, %arg3: memref<2000x128xf32, #tpu.memory_space<vmem>>, %arg4: memref<128x128xf32, #tpu.memory_space<vmem>>, %arg5: memref<128x128xf32, #tpu.memory_space<vmem>>, %arg6: memref<1x128xf32, #tpu.memory_space<vmem>>, %arg7: memref<2000x128xf32, #tpu.memory_space<vmem>>) attributes {dimension_semantics = [#tpu.dimension_semantics<arbitrary>], iteration_bounds = array<i64: 5>, scalar_prefetch = 0 : i64, scratch_operands = 0 : i64, tpu.core_type = #tpu.core_type<tc>, window_params = [{transform_indices = @transform_0, window_bounds = array<i64: 2, 2000, 128>}, {transform_indices = @transform_1, window_bounds = array<i64: 2, 2000, 128>}, {transform_indices = @transform_2, window_bounds = array<i64: 2000, 128>}, {pipeline_mode = #tpu.pipeline_mode<synchronous>, transform_indices = @transform_3, window_bounds = array<i64: 128, 128>}, {pipeline_mode = #tpu.pipeline_mode<synchronous>, transform_indices = @transform_4, window_bounds = array<i64: 128, 128>}, {pipeline_mode = #tpu.pipeline_mode<synchronous>, transform_indices = @transform_5, window_bounds = array<i64: 1, 128>}, {transform_indices = @transform_6, window_bounds = array<i64: 2000, 128>}]} {
    %get3A = arith.constant 0 : index
    %get3A_0 = arith.constant 0 : index
    %get3A_1 = arith.constant 0 : index
    %get3A_2 = vector.load %arg1[%get3A, %get3A_0, %get3A_1] : memref<2x2000x128xf32, #tpu.memory_space<vmem>>, vector<1x2000x128xf32>
    %get3A_3 = vector.shape_cast %get3A_2 : vector<1x2000x128xf32> to vector<2000x128xf32>
    %get3A_4 = arith.constant 1 : index
    %get3A_5 = arith.constant 0 : index
    %get3A_6 = arith.constant 0 : index
    %get3A_7 = vector.load %arg1[%get3A_4, %get3A_5, %get3A_6] : memref<2x2000x128xf32, #tpu.memory_space<vmem>>, vector<1x2000x128xf32>
    %get3A_8 = vector.shape_cast %get3A_7 : vector<1x2000x128xf32> to vector<2000x128xf32>
    %add3A = arith.addf %get3A_3, %get3A_8 : vector<2000x128xf32>
    %get3A_9 = arith.constant 0 : index
    %get3A_10 = arith.constant 0 : index
    %get3A_11 = arith.constant 0 : index
    %get3A_12 = vector.load %arg2[%get3A_9, %get3A_10, %get3A_11] : memref<2x2000x128xf32, #tpu.memory_space<vmem>>, vector<1x2000x128xf32>
    %get3A_13 = vector.shape_cast %get3A_12 : vector<1x2000x128xf32> to vector<2000x128xf32>
    %get3A_14 = arith.constant 1 : index
    %get3A_15 = arith.constant 0 : index
    %get3A_16 = arith.constant 0 : index
    %get3A_17 = vector.load %arg2[%get3A_14, %get3A_15, %get3A_16] : memref<2x2000x128xf32, #tpu.memory_space<vmem>>, vector<1x2000x128xf32>
    %get3A_18 = vector.shape_cast %get3A_17 : vector<1x2000x128xf32> to vector<2000x128xf32>
    %add3A_19 = arith.addf %get3A_13, %get3A_18 : vector<2000x128xf32>
    %slice3A = vector.extract_strided_slice %add3A_19 {offsets = [0, 0], sizes = [2000, 1], strides = [1, 1]} : vector<2000x128xf32> to vector<2000x1xf32>
    %max3A = arith.constant 1.000000e+00 : f32
    %max3A_20 = vector.broadcast %max3A : f32 to vector<2000x1xf32>
    %max3A_21 = arith.maximumf %slice3A, %max3A_20 : vector<2000x1xf32>
    %div3A = vector.broadcast %max3A_21 : vector<2000x1xf32> to vector<2000x128xf32>
    %div3A_22 = arith.divf %add3A, %div3A : vector<2000x128xf32>
    %get3A_23 = arith.constant 0 : index
    %get3A_24 = arith.constant 0 : index
    %get3A_25 = vector.load %arg4[%get3A_23, %get3A_24] : memref<128x128xf32, #tpu.memory_space<vmem>>, vector<128x128xf32>
    %dot_general3A = arith.constant dense<0.000000e+00> : vector<2000x128xf32>
    %dot_general3A_26 = tpu.matmul %div3A_22, %get3A_25, %dot_general3A {dimension_numbers = #tpu.dot_dimension_numbers<[1], [0], [0], [1], [0, 0, 1, 1], [], []>, precision = #tpu.contract_precision<fp32>, transpose_lhs_hint = false} : vector<2000x128xf32>, vector<128x128xf32>, vector<2000x128xf32> -> vector<2000x128xf32>
    %get3A_27 = arith.constant 0 : index
    %get3A_28 = arith.constant 0 : index
    %get3A_29 = vector.load %arg3[%get3A_27, %get3A_28] : memref<2000x128xf32, #tpu.memory_space<vmem>>, vector<2000x128xf32>
    %get3A_30 = arith.constant 0 : index
    %get3A_31 = arith.constant 0 : index
    %get3A_32 = vector.load %arg5[%get3A_30, %get3A_31] : memref<128x128xf32, #tpu.memory_space<vmem>>, vector<128x128xf32>
    %dot_general3A_33 = arith.constant dense<0.000000e+00> : vector<2000x128xf32>
    %dot_general3A_34 = tpu.matmul %get3A_29, %get3A_32, %dot_general3A_33 {dimension_numbers = #tpu.dot_dimension_numbers<[1], [0], [0], [1], [0, 0, 1, 1], [], []>, precision = #tpu.contract_precision<fp32>, transpose_lhs_hint = false} : vector<2000x128xf32>, vector<128x128xf32>, vector<2000x128xf32> -> vector<2000x128xf32>
    %add3A_35 = arith.addf %dot_general3A_26, %dot_general3A_34 : vector<2000x128xf32>
    %get3A_36 = arith.constant 0 : index
    %get3A_37 = arith.constant 0 : index
    %get3A_38 = vector.load %arg6[%get3A_36, %get3A_37] : memref<1x128xf32, #tpu.memory_space<vmem>>, vector<1x128xf32>
    %add3A_39 = vector.broadcast %get3A_38 : vector<1x128xf32> to vector<2000x128xf32>
    %add3A_40 = arith.addf %add3A_35, %add3A_39 : vector<2000x128xf32>
    %max3A_41 = arith.constant 0.000000e+00 : f32
    %max3A_42 = vector.broadcast %max3A_41 : f32 to vector<2000x128xf32>
    %max3A_43 = arith.maximumf %add3A_40, %max3A_42 : vector<2000x128xf32>
    %swap3A = arith.constant 0 : index
    %swap3A_44 = arith.constant 0 : index
    %swap3A_45 = vector.load %arg7[%swap3A, %swap3A_44] : memref<2000x128xf32, #tpu.memory_space<vmem>>, vector<2000x128xf32>
    tpu.vector_store %arg7[%swap3A, %swap3A_44], %max3A_43 {strides = array<i32>} : memref<2000x128xf32, #tpu.memory_space<vmem>>, vector<2000x128xf32>,
    return
  }
  func.func @transform_0(%arg0: i32) -> (i32, i32, i32) {
    %c0_i32 = arith.constant 0 : i32
    %c0_i32_0 = arith.constant 0 : i32
    %c0_i32_1 = arith.constant 0 : i32
    return %c0_i32, %arg0, %c0_i32_0 : i32, i32, i32
  }
  func.func @transform_1(%arg0: i32) -> (i32, i32, i32) {
    %c0_i32 = arith.constant 0 : i32
    %c0_i32_0 = arith.constant 0 : i32
    %c0_i32_1 = arith.constant 0 : i32
    return %c0_i32, %arg0, %c0_i32_0 : i32, i32, i32
  }
  func.func @transform_2(%arg0: i32) -> (i32, i32) {
    %c0_i32 = arith.constant 0 : i32
    %c0_i32_0 = arith.constant 0 : i32
    return %arg0, %c0_i32 : i32, i32
  }
  func.func @transform_3(%arg0: i32) -> (i32, i32) {
    %c0_i32 = arith.constant 0 : i32
    %c0_i32_0 = arith.constant 0 : i32
    %c0_i32_1 = arith.constant 0 : i32
    return %c0_i32, %c0_i32_0 : i32, i32
  }
  func.func @transform_4(%arg0: i32) -> (i32, i32) {
    %c0_i32 = arith.constant 0 : i32
    %c0_i32_0 = arith.constant 0 : i32
    %c0_i32_1 = arith.constant 0 : i32
    return %c0_i32, %c0_i32_0 : i32, i32
  }
  func.func @transform_5(%arg0: i32) -> (i32, i32) {
    %c0_i32 = arith.constant 0 : i32
    %c0_i32_0 = arith.constant 0 : i32
    %c0_i32_1 = arith.constant 0 : i32
    return %c0_i32, %c0_i32_0 : i32, i32
  }
  func.func @transform_6(%arg0: i32) -> (i32, i32) {
    %c0_i32 = arith.constant 0 : i32
    %c0_i32_0 = arith.constant 0 : i32
    return %arg0, %c0_i32 : i32, i32
  }
}

</mosaic_0001>

<sc_bundles>
// kernel: kernel.10.cloned.1.call-start
scs
__scs_entry_jumppad:
0x0: {  	(pc) =	sbr.rel $0x88, $3  }
0x1: {  	(tag) =	ssettag $0x0;
	lr =	simm.s32 $0x1  }
0x2: {  	[smem:$0x3F99] =	sst lr;
	_ =	strace $0xD0000000  }
0x3: {  	_ = 	snop  }
0x4: {  	_ = 	snop  }
0x5: {  	_ = 	snop  }
0x6: {  	_ = 	snop  }
0x7: {  	_ = 	snop  }
__scs_overlays_trampoline_lowered:
0x8: {  	[smem:$0x3FA8] =	sst s0  }
0x9: {  	[smem:$0x3FA9] =	sst s1  }
0xa: {  	[smem:$0x3FAA] =	sst s2  }
0xb: {  	[smem:$0x3FAB] =	sst s3  }
0xc: {  	[smem:$0x3FAC] =	sst s4  }
0xd: {  	[smem:$0x3FAD] =	sst s5  }
0xe: {  	[smem:$0x3FAE] =	sst s6  }
0xf: {  	[smem:$0x3FAF] =	sst s7  }
0x10: {  	[smem:$0x3FB0] =	sst s8  }
0x11: {  	[smem:$0x3FB1] =	sst s9;
	s0 =	simm.s32 @!p0 $0x0  }
0x12: {  	s1 =	sld [smem:$0x3F97];
	s0 =	simm.s32 @p0 $0x1  }
0x13: {  	[smem:$0x3FB2] =	sst s0;
	s0 =	simm.s32 @!p1 $0x0  }
0x14: {  	s2 =	sld [smem:$0x3F96];
	s0 =	simm.s32 @p1 $0x1  }
0x15: {  	[smem:$0x3FB3] =	sst s0;
	s0 =	simm.s32 @!p2 $0x0  }
0x16: {  	s3 =	sld [smem:$0x3FDB];
	s0 =	simm.s32 @p2 $0x1  }
0x17: {  	s4 =	simm.s32 $0x1BF5;
	[smem:$0x3FB5] =	sst s0  }
0x18: {  	s0 =	sld [smem:$0x3F98];
	_ =	swait.ge [sflag:s4], $0x0  }
0x19: {  	s7 =	sld [smem:$0x3F99]  }
0x1a: {  	s8 =	sadd.s32 $0xFFFFE003, lr  }
0x1b: {  	s9 =	sadd.s32 $0xFFFFFEF7, lr;
	s5 =	simm.s32 $0xFFFFFFFF;
	p2 =	slt.u32 s8, $0xFFFFF086  }
0x1c: {  	p1 =	slt.u32 s9, $0xF7A;
	s5 =	simm.s32 @!p2 $0x0  }
0x1d: {  	s5 =	simm.s32 @p1 $0x1;
	p0 =	seq.s32 s7, s2  }
0x1e: {  	s7 =	smul.u32 @!p0 $0xF7A, s2;
	p2 =	seq.s32 @!p0 s5, $0x0  }
0x1f: {  	s9 =	smul.u32 $0xF7A, s1;
	s8 =	simm.s32 @!p0 $0x1BF5;
	p2 =	por !p2, p0  }
0x20: {  	[sflag:s8] =	ssyncset.s32 @!p0 $0xFFFFF086;
	s6 =	sadd.s32 @!p0 s3, s7;
	s7 =	simm.s32 @!p0 $0x108  }
0x21: {  	s3 =	sadd.s32 s3, s9;
	s6 =	sadd.s32 @!p0 $0x88, s6;
	s7 =	simm.s32 @p2 $0x1082  }
0x22: {  	[simem:s7], [sflag:s8] =	dma.local @!p0 [hbm:s6], $0xF7A  }
0x23: {  	s9 =	sor.u32 $0xD0000000, s2;
	s6 =	simm.s32 $0x108;
	_ =	swait.ge @!p0 [sflag:s8], $0x0  }
0x24: {  	s3 =	sadd.s32 $0x88, s3;
	s6 =	simm.s32 @!p1 $0x1082;
	[sflag:s4] =	ssyncset.s32 $0xFFFFF086  }
0x25: {  	[simem:s6], [sflag:s4] =	dma.local [hbm:s3], $0xF7A  }
0x26: {  	[smem:$0x3F99] =	sst s1;
	(tag) =	ssettag s2;
	_ =	strace s9  }
0x27: {  	s1 =	sld [smem:$0x3FA9]  }
0x28: {  	s2 =	sld [smem:$0x3FAA]  }
0x29: {  	s4 =	sld [smem:$0x3FAC]  }
0x2a: {  	p0 =	seq.s32 s5, $0x0;
	s5 =	sld [smem:$0x3FAD]  }
0x2b: {  	s6 =	sld [smem:$0x3FAE]  }
0x2c: {  	s7 =	sld [smem:$0x3FAF]  }
0x2d: {  	s3 =	simm.s32 $0x108;
	s8 =	sld [smem:$0x3FB0]  }
0x2e: {  	s3 =	simm.s32 @!p0 $0x1082;
	s9 =	sld [smem:$0x3FB1]  }
0x2f: {  	lr =	sadd.s32 s0, s3;
	s0 =	sld [smem:$0x3FA8]  }
0x30: {  	s3 =	sld [smem:$0x3FAB]  }
0x31: {  	[smem:$0x3FB4] =	sst s10  }
0x32: {  	s10 =	sld [smem:$0x3FB2];
	_ =	sdelay $0x3  }
0x33: {  	p0 =	seq.s32 s10, $0x1;
	s10 =	sld [smem:$0x3FB4];
	_ =	sdelay $0x3  }
0x34: {  	[smem:$0x3FB4] =	sst s10  }
0x35: {  	s10 =	sld [smem:$0x3FB3];
	_ =	sdelay $0x3  }
0x36: {  	p1 =	seq.s32 s10, $0x1;
	s10 =	sld [smem:$0x3FB4];
	_ =	sdelay $0x3  }
0x37: {  	[smem:$0x3FB4] =	sst s10  }
0x38: {  	s10 =	sld [smem:$0x3FB5]  }
0x39: {  	_ = 	snop;
	(pc) =	sbr.ind lr, $3  }
0x3a: {  	_ = 	snop  }
0x3b: {  	_ = 	snop  }
0x3c: {  	p2 =	seq.s32 s10, $0x1;
	s10 =	sld [smem:$0x3FB4]  }
0x3d: {  	_ =	shalt  }
0x3e: {  	_ =	shalt  }
0x3f: {  	_ =	shalt  }
0x40: {  	_ =	shalt  }
0x41: {  	_ =	shalt  }
0x42: {  	_ =	shalt  }
0x43: {  	_ =	shalt  }
0x44: {  	_ =	shalt  }
0x45: {  	_ =	shalt  }
0x46: {  	_ =	shalt  }
0x47: {  	_ =	shalt  }
0x48: {  	_ =	shalt  }
0x49: {  	_ =	shalt  }
0x4a: {  	_ =	shalt  }
0x4b: {  	_ =	shalt  }
0x4c: {  	_ =	shalt  }
0x4d: {  	_ =	shalt  }
0x4e: {  	_ =	shalt  }
0x4f: {  	_ =	shalt  }
0x50: {  	_ =	shalt  }
0x51: {  	_ =	shalt  }
0x52: {  	_ =	shalt  }
0x53: {  	_ =	shalt  }
0x54: {  	_ =	shalt  }
0x55: {  	_ =	shalt  }
0x56: {  	_ =	shalt  }
0x57: {  	_ =	shalt  }
0x58: {  	_ =	shalt  }
0x59: {  	_ =	shalt  }
0x5a: {  	_ =	shalt  }
0x5b: {  	_ =	shalt  }
0x5c: {  	_ =	shalt  }
0x5d: {  	_ =	shalt  }
0x5e: {  	_ =	shalt  }
0x5f: {  	_ =	shalt  }
0x60: {  	_ =	shalt  }
0x61: {  	_ =	shalt  }
0x62: {  	_ =	shalt  }
0x63: {  	_ =	shalt  }
0x64: {  	_ =	shalt  }
0x65: {  	_ =	shalt  }
0x66: {  	_ =	shalt  }
0x67: {  	_ =	shalt  }
0x68: {  	_ =	shalt  }
0x69: {  	_ =	shalt  }
0x6a: {  	_ =	shalt  }
0x6b: {  	_ =	shalt  }
0x6c: {  	_ =	shalt  }
0x6d: {  	_ =	shalt  }
0x6e: {  	_ =	shalt  }
0x6f: {  	_ =	shalt  }
0x70: {  	_ =	shalt  }
0x71: {  	_ =	shalt  }
0x72: {  	_ =	shalt  }
0x73: {  	_ =	shalt  }
0x74: {  	_ =	shalt  }
0x75: {  	_ =	shalt  }
0x76: {  	_ =	shalt  }
0x77: {  	_ =	shalt  }
0x78: {  	_ =	shalt  }
0x79: {  	_ =	shalt  }
0x7a: {  	_ =	shalt  }
0x7b: {  	_ =	shalt  }
0x7c: {  	_ =	shalt  }
0x7d: {  	_ =	shalt  }
0x7e: {  	_ =	shalt  }
0x7f: {  	_ =	shalt  }
0x80: {  	_ =	shalt  }
0x81: {  	_ =	shalt  }
0x82: {  	_ =	shalt  }
0x83: {  	_ =	shalt  }
0x84: {  	_ =	shalt  }
0x85: {  	_ =	shalt  }
0x86: {  	_ =	shalt  }
0x87: {  	_ =	shalt  }
.Lfunc_end0:
.L_simem_size_0:
called_computation.1_lowered:
.L_overlay_start_0:
0x88: {  	s2 =	sld [smem:$0x3FD9]  }
0x89: {  	s3 =	sld [smem:$0x3FFE];
	_ =	sdelay $0x1  }
0x8a: {  	s1 =	srdreg.scid  }
0x8b: {  	s0 =	sand.u32 $0x1, s1  }
0x8c: {  	s17 =	sshll.u32 s0, $0xA;
	s2 =	sadd.s32 s3, s2  }
0x8d: {  	s2 =	sadd.s32 s2, s17  }
0x8e: {  	[smem:$0x3FC0] =	sst s2  }
0x8f: {  	_ = 	snop  }
0x90: {  	s18 =	sld [smem:$0x3FD0];
	(tm) =	ssettm $0x1  }
0x91: {  	s19 =	sld [smem:$0x3FFB];
	_ =	sdelay $0x3  }
0x92: {  	_ =	strace s19  }
0x93: {  	s2 =	sld [smem:$0x3FFC];
	_ =	sdelay $0x3  }
0x94: {  	_ =	strace s2  }
0x95: {  	s2 =	sld [smem:$0x3FFD];
	_ =	sdelay $0x3  }
0x96: {  	_ =	strace s2  }
0x97: {  	_ =	strace $0x8FFFFFFF  }
0x98: {  	s20 =	sld [smem:$0x3FDB];
	_ =	sdelay $0x1  }
0x99: {  	s4 =	simm.s32 $_scs_section_size  }
0x9a: {  	s5 =	simm.s32 $_size__tile_overlayer_lowered;
	s6 =	simm.s32 $_tile_overlayer_lowered  }
0x9b: {  	s7 =	simm.s32 $0x1BFF;
	s21 =	sshll.u32 s6, $0x1;
	s4 =	sadd.s32 s4, s20  }
0x9c: {  	s22 =	simm.s32 $0x0;
	s5 =	sshll.u32 s5, $0x1;
	s6 =	sadd.s32 s21, s4  }
0x9d: {  	[timem:s22], [sflag:s7] =	dma.local [hbm:s6], s5  }
0x9e: {  	_ =	swait.ge [sflag:s7], s5  }
0x9f: {  	s5 =	ssub.s32 $0x0, s5;
	[sflag:s7] =	ssyncset.done $0x0  }
0xa0: {  	[sflag:s7] =	ssyncadd.s32 s5;
	_ =	sdelay $0x1  }
0xa1: {  	s23 =	simm.s32 $0x1B8B  }
0xa2: {  	_ =	swait.ge [sflag:s23], $0x1  }
0xa3: {  	[sflag:s23] =	ssyncset.done $0x0  }
0xa4: {  	[sflag:s23] =	ssyncadd.s32 $0xFFFFFFFF  }
0xa5: {  	s5 =	sld [smem:$0x0]  }
0xa6: {  	s6 =	sand.u32 $0xFFFFFFFE, s1  }
0xa7: {  	p0 =	sne.s32 s1, s6  }
0xa8: {  	s6 =	sshll.u32 @p0 s6, $0xE  }
0xa9: {  	s6 =	sadd.s32 @p0 $0x11B8D, s6;
	s7 =	sshll.u32 @p0 s5, $0x11  }
0xaa: {  	s6 =	sor.u32 @p0 s7, s6  }
0xab: {  	[sflag:s6] =	ssyncadd.remote.s32 @p0 $0x1;
	_ =	sdelay $0x1  }
0xac: {  	s6 =	simm.s32 @p0 $0x1B8D  }
0xad: {  	_ =	swait.eq @p0 [sflag:s6], $0x1  }
0xae: {  	[sflag:s6] =	ssyncadd.s32 @p0 $0xFFFFFFFF  }
0xaf: {  	s7 =	sshll.u32 @!p0 s1, $0xE  }
0xb0: {  	s7 =	sor.u32 @!p0 $0x4000, s7;
	s6 =	simm.s32 @!p0 $0x1B8D  }
0xb1: {  	s5 =	sshll.u32 @!p0 s5, $0x11;
	s7 =	sadd.s32 @!p0 $0x11B8D, s7;
	_ =	swait.eq @!p0 [sflag:s6], $0x1  }
0xb2: {  	s5 =	sor.u32 @!p0 s5, s7;
	[sflag:s6] =	ssyncadd.s32 @!p0 $0xFFFFFFFF  }
0xb3: {  	s25 =	simm.s32 $0x1B8E;
	s24 =	sld [smem:$0x3FFE];
	[sflag:s5] =	ssyncadd.remote.s32 @!p0 $0x1  }
0xb4: {  	s26 =	simm.s32 $execute0_lowered;
	[smem:$0x3FD2] =	sst s25  }
0xb5: {  	s6 =	sshll.u32 s26, $0x1;
	_ =	strace $0x80000049;
	[dreg:$0x1] =	wrdreg $0xFFFFFFFF  }
0xb6: {  	s28 =	simm.s32 $_size_execute0_lowered;
	s4 =	sadd.s32 s4, s6;
	[dreg:$0x0] =	wrdreg $0x0  }
0xb7: {  	s6 =	sshll.u32 s28, $0x1;
	[dreg:$0x2] =	wrdreg s4  }
0xb8: {  	[dreg:$0x3] =	wrdreg s6  }
0xb9: {  	[dreg:$0x4] =	wrdreg $0xC0  }
0xba: {  	_ =	task [dreg:s22], $0x5FFFF  }
0xbb: {  	[dreg:$0x1] =	wrdreg $0xFFFFFFFF  }
0xbc: {  	[dreg:$0x0] =	wrdreg $0x60  }
0xbd: {  	[dreg:$0x2] =	wrdreg s24  }
0xbe: {  	[dreg:$0x3] =	wrdreg s18  }
0xbf: {  	[dreg:$0x4] =	wrdreg $0x0  }
0xc0: {  	[dreg:$0x5] =	wrdreg $0xA  }
0xc1: {  	_ =	task.clear_ibuf [dreg:s22], $0x6FFFF;
	_ =	strace $0x90000049  }
0xc2: {  	s29 =	simm.s32 $0xA;
	_ =	strace $0x8000004B  }
0xc3: {  	_ =	swait.ge [sflag:s29], $0x1  }
0xc4: {  	[sflag:s29] =	ssyncadd.s32 $0xFFFFFFFF  }
0xc5: {  	_ =	strace $0x9000004B  }
0xc6: {  	_ =	sfence  }
0xc7: {  	s30 =	sld [smem:$0x0];
	_ =	sdelay $0x2  }
0xc8: {  	s31 =	sshll.u32 s1, $0xD;
	s1 =	sshrl.u32 s1, $0x2  }
0xc9: {  	s4 =	sand.u32 $0x4000, s31;
	s1 =	sadd.s32 s1, s30  }
0xca: {  	s0 =	sor.u32 s4, s0;
	s1 =	sshll.u32 s1, $0x11  }
0xcb: {  	s0 =	sor.u32 s1, s0  }
0xcc: {  	s0 =	sadd.s32 $0x8F2B, s0  }
0xcd: {  	[sflag:s0] =	ssyncadd.remote.s32 $0x1  }
0xce: {  	_ =	sfence.sel $0xFFFF  }
0xcf: {  	[dreg:$0x0] =	wrdreg $0xFFFFFFFF;
	(pc) =	sbr.abs _section_cstart, $3  }
0xd0: {  	[dreg:$0x1] =	wrdreg $0xFFFFFFFF  }
0xd1: {  	_ =	task.clear_ibuf [dreg:s22], $0x2FFFF;
	_ =	strace $0x9FFFFFFF  }
0xd2: {  	(tm) =	ssettm $0x7FFFFFFF  }
0xd3: {  	_ =	shalt  }
tec
execute0_lowered:
.L_overlay_start_1:
0x0: {  	(tag) =	ssettag $0x1  }
0x1: {  	s5 =	rddreg [dreg:$0x0]  }
0x2: {  	s9 =	rddreg [dreg:$0x1]  }
0x3: {  	s2 =	rddreg [dreg:$0x2]  }
0x4: {  	s0 =	rddreg [dreg:$0x3]  }
0x5: {  	s1 =	stileid.u32;
	s3 =	simm.s32 $0x0;
	s4 =	srdreg.scid  }
0x6: {  	s16 =	simm.s32 $0x15000;
	s17 =	simm.s32 $0x80;
	s18 =	simm.s32 $0x16400  }
0x7: {  	s19 =	simm.s32 $0x13C80;
	s20 =	simm.s32 $0x1A400;
	s21 =	simm.s32 $0x1  }
0x8: {  	s22 =	simm.s32 $0x2;
	s23 =	simm.s32 $0x16300;
	s24 =	simm.s32 $0x16380  }
0x9: {  	s25 =	simm.s32 $0x0;
	s6 =	smul.u32 $0x13C00, s1;
	[smem:$0x7FF] =	sst s3  }
0xa: {  	s7 =	sand.u32 $0x1, s4;
	s4 =	sadd.s32 $0x82C00, s5;
	s11 =	sadd.s32 $0x1C00, s5  }
0xb: {  	s28 =	smul.u32 $0x4F000, s1;
	s29 =	sshll.u32 s1, $0x6;
	_ =	strace $0x8000004A  }
0xc: {  	s10 =	smul.u32 $0x13C000, s7;
	s12 =	sshll.u32 s7, $0x4;
	s7 =	ssub.s32 $0x2, s7  }
0xd: {  	s8 =	sshrl.u32 s6, $0x3;
	s12 =	sor.u32 s1, s12;
	s13 =	sshrl.u32 s7, $0x1  }
0xe: {  	s8 =	sadd.s32 s8, s5;
	s6 =	sadd.s32 s6, s10;
	s10 =	sshrl.u32 s28, $0x2  }
0xf: {  	s12 =	smul.u32 $0x2800, s12;
	s13 =	ssub.s32 s7, s13;
	s6 =	sshrl.u32 s6, $0x3  }
0x10: {  	s15 =	sadd.s32 s10, s2;
	s14 =	sadd.s32 s6, s5;
	s5 =	sadd.s32 $0xC400, s8  }
0x11: {  	s30 =	sshrl.u32 s12, $0x3;
	s6 =	sor.u32 $0x1C03, s29;
	s12 =	smax.u32 s13, $0x1  }
0x12: {  	s13 =	sshrl.u32 s15, $0x3;
	s15 =	simm.s32 $0x13C00;
	s31 =	sadd.s32 $0x280, s30  }
0x13: {  	s7 =	sadd.s32 s9, s30;
	s8 =	sadd.s32 s11, s30;
	s9 =	sadd.s32 s9, s31  }
0x14: {  	s10 =	sadd.s32 s11, s31;
	s11 =	sadd.s32 $0xA9E00, s14;
	s14 =	simm.s32 $0x3  }
.LBB2_1:
0x15: {  	[spmem:s13], [sflag:s6] =	dma.local [hbm:s5], $0x2780  }
0x16: {  	_ =	swait.ge [sflag:s14], $0x2780  }
0x17: {  	[sflag:s14] =	ssyncset.done $0x0  }
0x18: {  	[sflag:s14] =	ssyncadd.s32 $0xFFFFD880  }
0x19: {  	[bflag:$0x0] =	sbarrier.arrive $0xFFFF  }
0x1a: {  	[tilespmem:s15], [sflag:$0x3] =	stream.linear.gather [hbm4b:s7+s3], $0x1400, $0x38;
	[tilespmem:$0x1E400] =	vst v63  }
0x1b: {  	_ =	swait.ge [sflag:s14], $0x1400  }
0x1c: {  	[sflag:s14] =	ssyncset.done $0x0  }
0x1d: {  	[sflag:s14] =	ssyncadd.s32 $0xFFFFEC00  }
0x1e: {  	[tilespmem:s16], [sflag:$0x3] =	stream.linear.gather [hbm4b:s8+s3], $0x1400, $0x38;
	[tilespmem:$0x1E400] =	vst v63  }
0x1f: {  	_ =	swait.ge [sflag:s14], $0x1400  }
0x20: {  	[sflag:s14] =	ssyncset.done $0x0  }
0x21: {  	[sflag:s14] =	ssyncadd.s32 $0xFFFFEC00  }
0x22: {  	[tilespmem:s18], [sflag:$0x1] =	stream.indirect.gather [hbm4b:s4+s17], $0x80, s15, s17, $0xb8;
	[tilespmem:$0x1E400] =	vst v63  }
0x23: {  	_ = 	snop  }
0x24: {  	[tilespmem:s20], [sflag:$0x2] =	stream.indirect.gather [hbm4b:s4+s17], $0x80, s19, s17, $0xb8;
	[tilespmem:$0x1E400] =	vst v63  }
0x25: {  	_ =	swait.ge [sflag:s21], $0x4000  }
0x26: {  	[sflag:s21] =	ssyncset.done $0x0  }
0x27: {  	s26 =	simm.s32 $0x15000;
	[sflag:s21] =	ssyncadd.s32 $0xFFFFC000  }
0x28: {  	[spmem:s2] =	stream.indirect.scatter.add.f32 [tilespmem:s18], [sflag:$0x3], $0x80, s26, s17, $0xb8;
	[tilespmem:$0x1E400] =	vst v63  }
0x29: {  	_ =	swait.ge [sflag:s14], $0x4000  }
0x2a: {  	[sflag:s14] =	ssyncset.done $0x0  }
0x2b: {  	s30 =	simm.s32 $0x13D00;
	[sflag:s14] =	ssyncadd.s32 $0xFFFFC000  }
0x2c: {  	[tilespmem:s18], [sflag:$0x1] =	stream.indirect.gather [hbm4b:s4+s17], $0x80, s30, s17, $0xb8;
	[tilespmem:$0x1E400] =	vst v63  }
0x2d: {  	_ =	swait.ge [sflag:s22], $0x4000  }
0x2e: {  	[sflag:s22] =	ssyncset.done $0x0  }
0x2f: {  	s31 =	simm.s32 $0x15080;
	[sflag:s22] =	ssyncadd.s32 $0xFFFFC000  }
0x30: {  	[spmem:s2] =	stream.indirect.scatter.add.f32 [tilespmem:s20], [sflag:$0x3], $0x80, s31, s17, $0xb8;
	[tilespmem:$0x1E400] =	vst v63  }
0x31: {  	_ =	swait.ge [sflag:s14], $0x4000  }
0x32: {  	[sflag:s14] =	ssyncset.done $0x0  }
0x33: {  	s28 =	simm.s32 $0x13D80;
	s26 =	simm.s32 $0x400;
	[sflag:s14] =	ssyncadd.s32 $0xFFFFC000  }
.LBB2_2:
0x34: {  	[tilespmem:s20], [sflag:$0x2] =	stream.indirect.gather [hbm4b:s4+s17], $0x80, s28, s17, $0xb8;
	[tilespmem:$0x1E400] =	vst v63  }
0x35: {  	s28 =	smov.u32 s26  }
0x36: {  	p0 =	sne.s32 s26, $0x4800;
	s26 =	sadd.s32 $0x400, s26;
	_ =	swait.ge [sflag:s21], $0x4000  }
0x37: {  	s28 =	sshra.s32 s28, $0x2;
	[sflag:s21] =	ssyncset.done $0x0  }
0x38: {  	s29 =	sadd.s32 $0x15000, s28;
	[sflag:s21] =	ssyncadd.s32 $0xFFFFC000  }
0x39: {  	[spmem:s2] =	stream.indirect.scatter.add.f32 [tilespmem:s18], [sflag:$0x3], $0x80, s29, s17, $0xb8;
	[tilespmem:$0x1E400] =	vst v63  }
0x3a: {  	_ =	swait.ge [sflag:s14], $0x4000  }
0x3b: {  	[sflag:s14] =	ssyncset.done $0x0  }
0x3c: {  	s29 =	sadd.s32 $0x13D00, s28;
	[sflag:s14] =	ssyncadd.s32 $0xFFFFC000  }
0x3d: {  	[tilespmem:s18], [sflag:$0x1] =	stream.indirect.gather [hbm4b:s4+s17], $0x80, s29, s17, $0xb8;
	[tilespmem:$0x1E400] =	vst v63  }
0x3e: {  	_ =	swait.ge [sflag:s22], $0x4000  }
0x3f: {  	[sflag:s22] =	ssyncset.done $0x0  }
.Ltmp0:
0x40: {  	s29 =	sadd.s32 $0x15080, s28;
	[sflag:s22] =	ssyncadd.s32 $0xFFFFC000;
	(pc) =	sbr.rel @p0 .LBB2_2-.Ltmp0, $4  }
0x41: {  	[spmem:s2] =	stream.indirect.scatter.add.f32 [tilespmem:s20], [sflag:$0x3], $0x80, s29, s17, $0xb8;
	[tilespmem:$0x1E400] =	vst v63  }
0x42: {  	_ =	swait.ge [sflag:s14], $0x4000  }
0x43: {  	[sflag:s14] =	ssyncset.done $0x0  }
0x44: {  	s28 =	sadd.s32 $0x13D80, s28;
	[sflag:s14] =	ssyncadd.s32 $0xFFFFC000  }
0x45: {  	[tilespmem:s20], [sflag:$0x2] =	stream.indirect.gather [hbm4b:s4+s17], $0x80, s28, s17, $0xb8;
	[tilespmem:$0x1E400] =	vst v63  }
0x46: {  	_ =	swait.ge [sflag:s21], $0x4000  }
0x47: {  	[sflag:s21] =	ssyncset.done $0x0  }
0x48: {  	[sflag:s21] =	ssyncadd.s32 $0xFFFFC000  }
0x49: {  	[spmem:s2] =	stream.indirect.scatter.add.f32 [tilespmem:s18], [sflag:$0x3], $0x80, s23, s17, $0xb8;
	[tilespmem:$0x1E400] =	vst v63  }
0x4a: {  	_ =	swait.ge [sflag:s14], $0x4000  }
0x4b: {  	[sflag:s14] =	ssyncset.done $0x0  }
0x4c: {  	[sflag:s14] =	ssyncadd.s32 $0xFFFFC000  }
0x4d: {  	_ =	swait.ge [sflag:s22], $0x4000  }
0x4e: {  	[sflag:s22] =	ssyncset.done $0x0  }
0x4f: {  	[sflag:s22] =	ssyncadd.s32 $0xFFFFC000  }
0x50: {  	[spmem:s2] =	stream.indirect.scatter.add.f32 [tilespmem:s20], [sflag:$0x3], $0x80, s24, s17, $0xb8;
	[tilespmem:$0x1E400] =	vst v63  }
0x51: {  	_ =	swait.ge [sflag:s14], $0x4000  }
0x52: {  	[sflag:s14] =	ssyncset.done $0x0  }
0x53: {  	s26 =	simm.s32 $0x0;
	[sflag:s14] =	ssyncadd.s32 $0xFFFFC000  }
0x54: {  	[tilespmem:s15], [sflag:$0x3] =	stream.linear.gather [hbm4b:s9+s26], $0x1400, $0x38;
	[tilespmem:$0x1E400] =	vst v63  }
0x55: {  	_ =	swait.ge [sflag:s14], $0x1400  }
0x56: {  	[sflag:s14] =	ssyncset.done $0x0  }
0x57: {  	[sflag:s14] =	ssyncadd.s32 $0xFFFFEC00  }
0x58: {  	[tilespmem:s16], [sflag:$0x3] =	stream.linear.gather [hbm4b:s10+s26], $0x1400, $0x38;
	[tilespmem:$0x1E400] =	vst v63  }
0x59: {  	_ =	swait.ge [sflag:s14], $0x1400  }
0x5a: {  	[sflag:s14] =	ssyncset.done $0x0  }
0x5b: {  	[sflag:s14] =	ssyncadd.s32 $0xFFFFEC00  }
0x5c: {  	[tilespmem:s18], [sflag:$0x1] =	stream.indirect.gather [hbm4b:s4+s17], $0x80, s15, s17, $0xb8;
	[tilespmem:$0x1E400] =	vst v63  }
0x5d: {  	_ = 	snop  }
0x5e: {  	[tilespmem:s20], [sflag:$0x2] =	stream.indirect.gather [hbm4b:s4+s17], $0x80, s19, s17, $0xb8;
	[tilespmem:$0x1E400] =	vst v63  }
0x5f: {  	_ =	swait.ge [sflag:s21], $0x4000  }
0x60: {  	[sflag:s21] =	ssyncset.done $0x0  }
0x61: {  	s29 =	simm.s32 $0x15000;
	[sflag:s21] =	ssyncadd.s32 $0xFFFFC000  }
0x62: {  	[spmem:s2] =	stream.indirect.scatter.add.f32 [tilespmem:s18], [sflag:$0x3], $0x80, s29, s17, $0xb8;
	[tilespmem:$0x1E400] =	vst v63  }
0x63: {  	_ =	swait.ge [sflag:s14], $0x4000  }
0x64: {  	[sflag:s14] =	ssyncset.done $0x0  }
0x65: {  	s30 =	simm.s32 $0x13D00;
	[sflag:s14] =	ssyncadd.s32 $0xFFFFC000  }
0x66: {  	[tilespmem:s18], [sflag:$0x1] =	stream.indirect.gather [hbm4b:s4+s17], $0x80, s30, s17, $0xb8;
	[tilespmem:$0x1E400] =	vst v63  }
0x67: {  	_ =	swait.ge [sflag:s22], $0x4000  }
0x68: {  	[sflag:s22] =	ssyncset.done $0x0  }
0x69: {  	s31 =	simm.s32 $0x15080;
	[sflag:s22] =	ssyncadd.s32 $0xFFFFC000  }
0x6a: {  	[spmem:s2] =	stream.indirect.scatter.add.f32 [tilespmem:s20], [sflag:$0x3], $0x80, s31, s17, $0xb8;
	[tilespmem:$0x1E400] =	vst v63  }
0x6b: {  	_ =	swait.ge [sflag:s14], $0x4000  }
0x6c: {  	[sflag:s14] =	ssyncset.done $0x0  }
0x6d: {  	s28 =	simm.s32 $0x13D80;
	s26 =	simm.s32 $0x400;
	[sflag:s14] =	ssyncadd.s32 $0xFFFFC000  }
.LBB2_4:
0x6e: {  	[tilespmem:s20], [sflag:$0x2] =	stream.indirect.gather [hbm4b:s4+s17], $0x80, s28, s17, $0xb8;
	[tilespmem:$0x1E400] =	vst v63  }
0x6f: {  	s28 =	smov.u32 s26  }
0x70: {  	p0 =	sne.s32 s26, $0x4800;
	s26 =	sadd.s32 $0x400, s26;
	_ =	swait.ge [sflag:s21], $0x4000  }
0x71: {  	s28 =	sshra.s32 s28, $0x2;
	[sflag:s21] =	ssyncset.done $0x0  }
0x72: {  	s29 =	sadd.s32 $0x15000, s28;
	[sflag:s21] =	ssyncadd.s32 $0xFFFFC000  }
0x73: {  	[spmem:s2] =	stream.indirect.scatter.add.f32 [tilespmem:s18], [sflag:$0x3], $0x80, s29, s17, $0xb8;
	[tilespmem:$0x1E400] =	vst v63  }
0x74: {  	_ =	swait.ge [sflag:s14], $0x4000  }
0x75: {  	[sflag:s14] =	ssyncset.done $0x0  }
0x76: {  	s29 =	sadd.s32 $0x13D00, s28;
	[sflag:s14] =	ssyncadd.s32 $0xFFFFC000  }
0x77: {  	[tilespmem:s18], [sflag:$0x1] =	stream.indirect.gather [hbm4b:s4+s17], $0x80, s29, s17, $0xb8;
	[tilespmem:$0x1E400] =	vst v63  }
0x78: {  	_ =	swait.ge [sflag:s22], $0x4000  }
0x79: {  	[sflag:s22] =	ssyncset.done $0x0  }
.Ltmp1:
0x7a: {  	s29 =	sadd.s32 $0x15080, s28;
	[sflag:s22] =	ssyncadd.s32 $0xFFFFC000;
	(pc) =	sbr.rel @p0 .LBB2_4-.Ltmp1, $4  }
0x7b: {  	[spmem:s2] =	stream.indirect.scatter.add.f32 [tilespmem:s20], [sflag:$0x3], $0x80, s29, s17, $0xb8;
	[tilespmem:$0x1E400] =	vst v63  }
0x7c: {  	_ =	swait.ge [sflag:s14], $0x4000  }
0x7d: {  	[sflag:s14] =	ssyncset.done $0x0  }
0x7e: {  	s28 =	sadd.s32 $0x13D80, s28;
	[sflag:s14] =	ssyncadd.s32 $0xFFFFC000  }
0x7f: {  	[tilespmem:s20], [sflag:$0x2] =	stream.indirect.gather [hbm4b:s4+s17], $0x80, s28, s17, $0xb8;
	[tilespmem:$0x1E400] =	vst v63  }
0x80: {  	_ =	swait.ge [sflag:s21], $0x4000  }
0x81: {  	[sflag:s21] =	ssyncset.done $0x0  }
0x82: {  	[sflag:s21] =	ssyncadd.s32 $0xFFFFC000  }
0x83: {  	[spmem:s2] =	stream.indirect.scatter.add.f32 [tilespmem:s18], [sflag:$0x3], $0x80, s23, s17, $0xb8;
	[tilespmem:$0x1E400] =	vst v63  }
0x84: {  	_ =	swait.ge [sflag:s14], $0x4000  }
0x85: {  	[sflag:s14] =	ssyncset.done $0x0  }
0x86: {  	[sflag:s14] =	ssyncadd.s32 $0xFFFFC000  }
0x87: {  	_ =	swait.ge [sflag:s22], $0x4000  }
0x88: {  	[sflag:s22] =	ssyncset.done $0x0  }
0x89: {  	[sflag:s22] =	ssyncadd.s32 $0xFFFFC000  }
0x8a: {  	[spmem:s2] =	stream.indirect.scatter.add.f32 [tilespmem:s20], [sflag:$0x3], $0x80, s24, s17, $0xb8;
	[tilespmem:$0x1E400] =	vst v63  }
0x8b: {  	_ =	swait.ge [sflag:s14], $0x4000  }
0x8c: {  	s25 =	sadd.s32 $0x1, s25;
	[sflag:s14] =	ssyncset.done $0x0  }
0x8d: {  	p0 =	sne.s32 s25, s12;
	[sflag:s14] =	ssyncadd.s32 $0xFFFFC000  }
.Ltmp2:
0x8e: {  	[bflag:$0x0] =	sbarrier.arrive $0xFFFF;
	(pc) =	sbr.rel @p0 .LBB2_1-.Ltmp2, $4  }
0x8f: {  	[hbm:s11], [sflag:s6] =	dma.local [spmem:s13], $0x2780  }
0x90: {  	_ =	swait.ge [sflag:s14], $0x2780  }
0x91: {  	[sflag:s14] =	ssyncset.done $0x0  }
0x92: {  	[sflag:s14] =	ssyncadd.s32 $0xFFFFD880  }
0x93: {  	_ =	sfence.sel $0x180000  }
0x94: {  	[bflag:$0x0] =	sbarrier.arrive $0xFFFF  }
0x95: {  	p0 =	sne.s32 s1, $0x0;
	_ =	strace $0x9000004A  }
0x96: {  	s0 =	sadd.s32 @!p0 $0x100000, s0;
	[bflag:$0x2] =	sbarrier.arrive $0xFFFF  }
0x97: {  	[sflag:s0] =	ssyncadd.tile.s32 @!p0 $0x1;
	_ =	shalt  }
.Lfunc_end2:
_tile_overlayer_lowered:
.L_overlay_start_2:
0x98: {  	(tag) =	ssettag $0x2  }
0x99: {  	s0 =	rddreg [dreg:$0x0];
	s2 =	stileid.u32  }
0x9a: {  	s1 =	rddreg [dreg:$0x1];
	p0 =	sne.s32 s2, $0x0  }
0x9b: {  	s3 =	rddreg [dreg:$0x2];
	[bflag:$0x3] =	sbarrier.arrive $0xFFFF;
	s2 =	simm.s32 @!p0 $0x1C03  }
0x9c: {  	[timem:s3], [sflag:s2] =	dma.local @!p0 [hbm:s0], s1  }
0x9d: {  	s0 =	simm.s32 @!p0 $0x3  }
0x9e: {  	_ =	swait.ge @!p0 [sflag:s0], s1  }
0x9f: {  	s1 =	ssub.s32 @!p0 $0x0, s1;
	[sflag:s0] =	ssyncset.done @!p0 $0x0  }
0xa0: {  	[sflag:s0] =	ssyncadd.s32 @!p0 s1  }
0xa1: {  	[bflag:$0x3] =	sbarrier.arrive $0xFFFF  }
0xa2: {  	_ =	shalt  }

// kernel: kernel.13.cloned.1.call-start
scs
__scs_entry_jumppad:
0x0: {  	(pc) =	sbr.rel $0x88, $3  }
0x1: {  	(tag) =	ssettag $0x0;
	lr =	simm.s32 $0x1  }
0x2: {  	[smem:$0x3F99] =	sst lr;
	_ =	strace $0xD0000000  }
0x3: {  	_ = 	snop  }
0x4: {  	_ = 	snop  }
0x5: {  	_ = 	snop  }
0x6: {  	_ = 	snop  }
0x7: {  	_ = 	snop  }
__scs_overlays_trampoline_lowered:
0x8: {  	[smem:$0x3FA8] =	sst s0  }
0x9: {  	[smem:$0x3FA9] =	sst s1  }
0xa: {  	[smem:$0x3FAA] =	sst s2  }
0xb: {  	[smem:$0x3FAB] =	sst s3  }
0xc: {  	[smem:$0x3FAC] =	sst s4  }
0xd: {  	[smem:$0x3FAD] =	sst s5  }
0xe: {  	[smem:$0x3FAE] =	sst s6  }
0xf: {  	[smem:$0x3FAF] =	sst s7  }
0x10: {  	[smem:$0x3FB0] =	sst s8  }
0x11: {  	[smem:$0x3FB1] =	sst s9;
	s0 =	simm.s32 @!p0 $0x0  }
0x12: {  	s1 =	sld [smem:$0x3F97];
	s0 =	simm.s32 @p0 $0x1  }
0x13: {  	[smem:$0x3FB2] =	sst s0;
	s0 =	simm.s32 @!p1 $0x0  }
0x14: {  	s2 =	sld [smem:$0x3F96];
	s0 =	simm.s32 @p1 $0x1  }
0x15: {  	[smem:$0x3FB3] =	sst s0;
	s0 =	simm.s32 @!p2 $0x0  }
0x16: {  	s3 =	sld [smem:$0x3FDB];
	s0 =	simm.s32 @p2 $0x1  }
0x17: {  	s4 =	simm.s32 $0x1BF5;
	[smem:$0x3FB5] =	sst s0  }
0x18: {  	s0 =	sld [smem:$0x3F98];
	_ =	swait.ge [sflag:s4], $0x0  }
0x19: {  	s7 =	sld [smem:$0x3F99]  }
0x1a: {  	s8 =	sadd.s32 $0xFFFFE003, lr  }
0x1b: {  	s9 =	sadd.s32 $0xFFFFFEF7, lr;
	s5 =	simm.s32 $0xFFFFFFFF;
	p2 =	slt.u32 s8, $0xFFFFF086  }
0x1c: {  	p1 =	slt.u32 s9, $0xF7A;
	s5 =	simm.s32 @!p2 $0x0  }
0x1d: {  	s5 =	simm.s32 @p1 $0x1;
	p0 =	seq.s32 s7, s2  }
0x1e: {  	s7 =	smul.u32 @!p0 $0xF7A, s2;
	p2 =	seq.s32 @!p0 s5, $0x0  }
0x1f: {  	s9 =	smul.u32 $0xF7A, s1;
	s8 =	simm.s32 @!p0 $0x1BF5;
	p2 =	por !p2, p0  }
0x20: {  	[sflag:s8] =	ssyncset.s32 @!p0 $0xFFFFF086;
	s6 =	sadd.s32 @!p0 s3, s7;
	s7 =	simm.s32 @!p0 $0x108  }
0x21: {  	s3 =	sadd.s32 s3, s9;
	s6 =	sadd.s32 @!p0 $0x88, s6;
	s7 =	simm.s32 @p2 $0x1082  }
0x22: {  	[simem:s7], [sflag:s8] =	dma.local @!p0 [hbm:s6], $0xF7A  }
0x23: {  	s9 =	sor.u32 $0xD0000000, s2;
	s6 =	simm.s32 $0x108;
	_ =	swait.ge @!p0 [sflag:s8], $0x0  }
0x24: {  	s3 =	sadd.s32 $0x88, s3;
	s6 =	simm.s32 @!p1 $0x1082;
	[sflag:s4] =	ssyncset.s32 $0xFFFFF086  }
0x25: {  	[simem:s6], [sflag:s4] =	dma.local [hbm:s3], $0xF7A  }
0x26: {  	[smem:$0x3F99] =	sst s1;
	(tag) =	ssettag s2;
	_ =	strace s9  }
0x27: {  	s1 =	sld [smem:$0x3FA9]  }
0x28: {  	s2 =	sld [smem:$0x3FAA]  }
0x29: {  	s4 =	sld [smem:$0x3FAC]  }
0x2a: {  	p0 =	seq.s32 s5, $0x0;
	s5 =	sld [smem:$0x3FAD]  }
0x2b: {  	s6 =	sld [smem:$0x3FAE]  }
0x2c: {  	s7 =	sld [smem:$0x3FAF]  }
0x2d: {  	s3 =	simm.s32 $0x108;
	s8 =	sld [smem:$0x3FB0]  }
0x2e: {  	s3 =	simm.s32 @!p0 $0x1082;
	s9 =	sld [smem:$0x3FB1]  }
0x2f: {  	lr =	sadd.s32 s0, s3;
	s0 =	sld [smem:$0x3FA8]  }
0x30: {  	s3 =	sld [smem:$0x3FAB]  }
0x31: {  	[smem:$0x3FB4] =	sst s10  }
0x32: {  	s10 =	sld [smem:$0x3FB2];
	_ =	sdelay $0x3  }
0x33: {  	p0 =	seq.s32 s10, $0x1;
	s10 =	sld [smem:$0x3FB4];
	_ =	sdelay $0x3  }
0x34: {  	[smem:$0x3FB4] =	sst s10  }
0x35: {  	s10 =	sld [smem:$0x3FB3];
	_ =	sdelay $0x3  }
0x36: {  	p1 =	seq.s32 s10, $0x1;
	s10 =	sld [smem:$0x3FB4];
	_ =	sdelay $0x3  }
0x37: {  	[smem:$0x3FB4] =	sst s10  }
0x38: {  	s10 =	sld [smem:$0x3FB5]  }
0x39: {  	_ = 	snop;
	(pc) =	sbr.ind lr, $3  }
0x3a: {  	_ = 	snop  }
0x3b: {  	_ = 	snop  }
0x3c: {  	p2 =	seq.s32 s10, $0x1;
	s10 =	sld [smem:$0x3FB4]  }
0x3d: {  	_ =	shalt  }
0x3e: {  	_ =	shalt  }
0x3f: {  	_ =	shalt  }
0x40: {  	_ =	shalt  }
0x41: {  	_ =	shalt  }
0x42: {  	_ =	shalt  }
0x43: {  	_ =	shalt  }
0x44: {  	_ =	shalt  }
0x45: {  	_ =	shalt  }
0x46: {  	_ =	shalt  }
0x47: {  	_ =	shalt  }
0x48: {  	_ =	shalt  }
0x49: {  	_ =	shalt  }
0x4a: {  	_ =	shalt  }
0x4b: {  	_ =	shalt  }
0x4c: {  	_ =	shalt  }
0x4d: {  	_ =	shalt  }
0x4e: {  	_ =	shalt  }
0x4f: {  	_ =	shalt  }
0x50: {  	_ =	shalt  }
0x51: {  	_ =	shalt  }
0x52: {  	_ =	shalt  }
0x53: {  	_ =	shalt  }
0x54: {  	_ =	shalt  }
0x55: {  	_ =	shalt  }
0x56: {  	_ =	shalt  }
0x57: {  	_ =	shalt  }
0x58: {  	_ =	shalt  }
0x59: {  	_ =	shalt  }
0x5a: {  	_ =	shalt  }
0x5b: {  	_ =	shalt  }
0x5c: {  	_ =	shalt  }
0x5d: {  	_ =	shalt  }
0x5e: {  	_ =	shalt  }
0x5f: {  	_ =	shalt  }
0x60: {  	_ =	shalt  }
0x61: {  	_ =	shalt  }
0x62: {  	_ =	shalt  }
0x63: {  	_ =	shalt  }
0x64: {  	_ =	shalt  }
0x65: {  	_ =	shalt  }
0x66: {  	_ =	shalt  }
0x67: {  	_ =	shalt  }
0x68: {  	_ =	shalt  }
0x69: {  	_ =	shalt  }
0x6a: {  	_ =	shalt  }
0x6b: {  	_ =	shalt  }
0x6c: {  	_ =	shalt  }
0x6d: {  	_ =	shalt  }
0x6e: {  	_ =	shalt  }
0x6f: {  	_ =	shalt  }
0x70: {  	_ =	shalt  }
0x71: {  	_ =	shalt  }
0x72: {  	_ =	shalt  }
0x73: {  	_ =	shalt  }
0x74: {  	_ =	shalt  }
0x75: {  	_ =	shalt  }
0x76: {  	_ =	shalt  }
0x77: {  	_ =	shalt  }
0x78: {  	_ =	shalt  }
0x79: {  	_ =	shalt  }
0x7a: {  	_ =	shalt  }
0x7b: {  	_ =	shalt  }
0x7c: {  	_ =	shalt  }
0x7d: {  	_ =	shalt  }
0x7e: {  	_ =	shalt  }
0x7f: {  	_ =	shalt  }
0x80: {  	_ =	shalt  }
0x81: {  	_ =	shalt  }
0x82: {  	_ =	shalt  }
0x83: {  	_ =	shalt  }
0x84: {  	_ =	shalt  }
0x85: {  	_ =	shalt  }
0x86: {  	_ =	shalt  }
0x87: {  	_ =	shalt  }
.Lfunc_end0:
.L_simem_size_0:
called_computation.2_lowered:
.L_overlay_start_0:
0x88: {  	s2 =	sld [smem:$0x3FD9]  }
0x89: {  	s3 =	sld [smem:$0x3FFE];
	_ =	sdelay $0x1  }
0x8a: {  	s1 =	srdreg.scid  }
0x8b: {  	s0 =	sand.u32 $0x1, s1  }
0x8c: {  	s17 =	sshll.u32 s0, $0xA;
	s2 =	sadd.s32 s3, s2  }
0x8d: {  	s2 =	sadd.s32 s2, s17  }
0x8e: {  	[smem:$0x3FC0] =	sst s2  }
0x8f: {  	_ = 	snop  }
0x90: {  	s2 =	sld [smem:$0x3FD0];
	(tm) =	ssettm $0x1  }
0x91: {  	s18 =	sld [smem:$0x3FFB];
	_ =	sdelay $0x3  }
0x92: {  	_ =	strace s18  }
0x93: {  	s3 =	sld [smem:$0x3FFC];
	_ =	sdelay $0x3  }
0x94: {  	_ =	strace s3  }
0x95: {  	s3 =	sld [smem:$0x3FFD];
	_ =	sdelay $0x3  }
0x96: {  	_ =	strace s3  }
0x97: {  	_ =	strace $0x8FFFFFFF  }
0x98: {  	s19 =	sld [smem:$0x3FDB];
	_ =	sdelay $0x1  }
0x99: {  	s4 =	simm.s32 $_scs_section_size  }
0x9a: {  	s5 =	simm.s32 $_size__tile_overlayer_lowered;
	s6 =	simm.s32 $_tile_overlayer_lowered  }
0x9b: {  	s22 =	simm.s32 $0x1BFF;
	s21 =	sshll.u32 s6, $0x1;
	s3 =	sadd.s32 s4, s19  }
0x9c: {  	s7 =	simm.s32 $0x0;
	s20 =	sshll.u32 s5, $0x1;
	s5 =	sadd.s32 s21, s3  }
0x9d: {  	[timem:s7], [sflag:s22] =	dma.local [hbm:s5], s20  }
0x9e: {  	_ =	swait.ge [sflag:s22], s20  }
0x9f: {  	s4 =	ssub.s32 $0x0, s20;
	[sflag:s22] =	ssyncset.done $0x0  }
0xa0: {  	[sflag:s22] =	ssyncadd.s32 s4;
	_ =	sdelay $0x1  }
0xa1: {  	s23 =	simm.s32 $0x1B8B  }
0xa2: {  	_ =	swait.ge [sflag:s23], $0x1  }
0xa3: {  	[sflag:s23] =	ssyncset.done $0x0  }
0xa4: {  	s25 =	simm.s32 $0x1B8E;
	s24 =	sld [smem:$0x3FFE];
	[sflag:s23] =	ssyncadd.s32 $0xFFFFFFFF  }
0xa5: {  	s26 =	simm.s32 $execute0_lowered;
	[smem:$0x3FD2] =	sst s25  }
0xa6: {  	s5 =	sshll.u32 s26, $0x1;
	_ =	strace $0x8000004C;
	[dreg:$0x1] =	wrdreg $0xFFFFFFFF  }
0xa7: {  	s28 =	simm.s32 $_size_execute0_lowered;
	s3 =	sadd.s32 s3, s5;
	[dreg:$0x0] =	wrdreg $0x0  }
0xa8: {  	s5 =	sshll.u32 s28, $0x1;
	[dreg:$0x2] =	wrdreg s3  }
0xa9: {  	[dreg:$0x3] =	wrdreg s5  }
0xaa: {  	[dreg:$0x4] =	wrdreg $0xC0  }
0xab: {  	_ =	task [dreg:s7], $0x5FFFF  }
0xac: {  	[dreg:$0x1] =	wrdreg $0xFFFFFFFF  }
0xad: {  	[dreg:$0x0] =	wrdreg $0x60  }
0xae: {  	[dreg:$0x2] =	wrdreg s24  }
0xaf: {  	[dreg:$0x3] =	wrdreg s2  }
0xb0: {  	[dreg:$0x4] =	wrdreg $0x0  }
0xb1: {  	[dreg:$0x5] =	wrdreg $0x9  }
0xb2: {  	_ =	task.clear_ibuf [dreg:s7], $0x6FFFF;
	_ =	strace $0x9000004C  }
0xb3: {  	s29 =	simm.s32 $0x9;
	_ =	strace $0x8000004E  }
0xb4: {  	_ =	swait.ge [sflag:s29], $0x1  }
0xb5: {  	[sflag:s29] =	ssyncadd.s32 $0xFFFFFFFF  }
0xb6: {  	_ =	strace $0x9000004E  }
0xb7: {  	_ =	sfence  }
0xb8: {  	s30 =	sld [smem:$0x0];
	_ =	sdelay $0x2  }
0xb9: {  	s31 =	sshll.u32 s1, $0xD;
	s1 =	sshrl.u32 s1, $0x2  }
0xba: {  	s3 =	sand.u32 $0x4000, s31;
	s1 =	sadd.s32 s1, s30  }
0xbb: {  	s0 =	sor.u32 s3, s0;
	s1 =	sshll.u32 s1, $0x11  }
0xbc: {  	s0 =	sor.u32 s1, s0  }
0xbd: {  	s0 =	sadd.s32 $0x8F2B, s0  }
0xbe: {  	[sflag:s0] =	ssyncadd.remote.s32 $0x1  }
0xbf: {  	_ =	sfence.sel $0xFFFF  }
0xc0: {  	[dreg:$0x0] =	wrdreg $0xFFFFFFFF;
	(pc) =	sbr.abs _section_cstart, $3  }
0xc1: {  	[dreg:$0x1] =	wrdreg $0xFFFFFFFF  }
0xc2: {  	_ =	task.clear_ibuf [dreg:s7], $0x2FFFF;
	_ =	strace $0x9FFFFFFF  }
0xc3: {  	(tm) =	ssettm $0x7FFFFFFF  }
tec
execute0_lowered:
.L_overlay_start_1:
0x0: {  	(tag) =	ssettag $0x1  }
0x1: {  	s5 =	rddreg [dreg:$0x0]  }
0x2: {  	s9 =	rddreg [dreg:$0x1]  }
0x3: {  	s2 =	rddreg [dreg:$0x2]  }
0x4: {  	s0 =	rddreg [dreg:$0x3]  }
0x5: {  	s1 =	stileid.u32;
	s3 =	simm.s32 $0x0;
	s4 =	srdreg.scid  }
0x6: {  	s16 =	simm.s32 $0x15000;
	s17 =	simm.s32 $0x80;
	s18 =	simm.s32 $0x16400  }
0x7: {  	s19 =	simm.s32 $0x13C80;
	s20 =	simm.s32 $0x1A400;
	s21 =	simm.s32 $0x1  }
0x8: {  	s22 =	simm.s32 $0x2;
	s23 =	simm.s32 $0x16300;
	s24 =	simm.s32 $0x16380  }
0x9: {  	s25 =	simm.s32 $0x0;
	s6 =	smul.u32 $0x13C00, s1;
	[smem:$0x7FF] =	sst s3  }
0xa: {  	s7 =	sand.u32 $0x1, s4;
	s4 =	sadd.s32 $0x82C00, s5;
	s11 =	sadd.s32 $0x1C00, s5  }
0xb: {  	s28 =	smul.u32 $0x4F000, s1;
	s29 =	sshll.u32 s1, $0x6;
	_ =	strace $0x8000004D  }
0xc: {  	s10 =	smul.u32 $0x13C000, s7;
	s12 =	sshll.u32 s7, $0x4;
	s7 =	ssub.s32 $0x2, s7  }
0xd: {  	s8 =	sshrl.u32 s6, $0x3;
	s12 =	sor.u32 s1, s12;
	s13 =	sshrl.u32 s7, $0x1  }
0xe: {  	s8 =	sadd.s32 s8, s5;
	s6 =	sadd.s32 s6, s10;
	s10 =	sshrl.u32 s28, $0x2  }
0xf: {  	s12 =	smul.u32 $0x2800, s12;
	s13 =	ssub.s32 s7, s13;
	s6 =	sshrl.u32 s6, $0x3  }
0x10: {  	s15 =	sadd.s32 s10, s2;
	s14 =	sadd.s32 s6, s5;
	s5 =	sadd.s32 $0xC400, s8  }
0x11: {  	s30 =	sshrl.u32 s12, $0x3;
	s6 =	sor.u32 $0x1C03, s29;
	s12 =	smax.u32 s13, $0x1  }
0x12: {  	s13 =	sshrl.u32 s15, $0x3;
	s15 =	simm.s32 $0x13C00;
	s31 =	sadd.s32 $0x280, s30  }
0x13: {  	s7 =	sadd.s32 s9, s30;
	s8 =	sadd.s32 s11, s30;
	s9 =	sadd.s32 s9, s31  }
0x14: {  	s10 =	sadd.s32 s11, s31;
	s11 =	sadd.s32 $0xA9E00, s14;
	s14 =	simm.s32 $0x3  }
.LBB2_1:
0x15: {  	[spmem:s13], [sflag:s6] =	dma.local [hbm:s5], $0x2780  }
0x16: {  	_ =	swait.ge [sflag:s14], $0x2780  }
0x17: {  	[sflag:s14] =	ssyncset.done $0x0  }
0x18: {  	[sflag:s14] =	ssyncadd.s32 $0xFFFFD880  }
0x19: {  	[bflag:$0x0] =	sbarrier.arrive $0xFFFF  }
0x1a: {  	[tilespmem:s15], [sflag:$0x3] =	stream.linear.gather [hbm4b:s7+s3], $0x1400, $0x38;
	[tilespmem:$0x1E400] =	vst v63  }
0x1b: {  	_ =	swait.ge [sflag:s14], $0x1400  }
0x1c: {  	[sflag:s14] =	ssyncset.done $0x0  }
0x1d: {  	[sflag:s14] =	ssyncadd.s32 $0xFFFFEC00  }
0x1e: {  	[tilespmem:s16], [sflag:$0x3] =	stream.linear.gather [hbm4b:s8+s3], $0x1400, $0x38;
	[tilespmem:$0x1E400] =	vst v63  }
0x1f: {  	_ =	swait.ge [sflag:s14], $0x1400  }
0x20: {  	[sflag:s14] =	ssyncset.done $0x0  }
0x21: {  	[sflag:s14] =	ssyncadd.s32 $0xFFFFEC00  }
0x22: {  	[tilespmem:s18], [sflag:$0x1] =	stream.indirect.gather [hbm4b:s4+s17], $0x80, s15, s17, $0xb8;
	[tilespmem:$0x1E400] =	vst v63  }
0x23: {  	_ = 	snop  }
0x24: {  	[tilespmem:s20], [sflag:$0x2] =	stream.indirect.gather [hbm4b:s4+s17], $0x80, s19, s17, $0xb8;
	[tilespmem:$0x1E400] =	vst v63  }
0x25: {  	_ =	swait.ge [sflag:s21], $0x4000  }
0x26: {  	[sflag:s21] =	ssyncset.done $0x0  }
0x27: {  	s26 =	simm.s32 $0x15000;
	[sflag:s21] =	ssyncadd.s32 $0xFFFFC000  }
0x28: {  	[spmem:s2] =	stream.indirect.scatter.add.f32 [tilespmem:s18], [sflag:$0x3], $0x80, s26, s17, $0xb8;
	[tilespmem:$0x1E400] =	vst v63  }
0x29: {  	_ =	swait.ge [sflag:s14], $0x4000  }
0x2a: {  	[sflag:s14] =	ssyncset.done $0x0  }
0x2b: {  	s30 =	simm.s32 $0x13D00;
	[sflag:s14] =	ssyncadd.s32 $0xFFFFC000  }
0x2c: {  	[tilespmem:s18], [sflag:$0x1] =	stream.indirect.gather [hbm4b:s4+s17], $0x80, s30, s17, $0xb8;
	[tilespmem:$0x1E400] =	vst v63  }
0x2d: {  	_ =	swait.ge [sflag:s22], $0x4000  }
0x2e: {  	[sflag:s22] =	ssyncset.done $0x0  }
0x2f: {  	s31 =	simm.s32 $0x15080;
	[sflag:s22] =	ssyncadd.s32 $0xFFFFC000  }
0x30: {  	[spmem:s2] =	stream.indirect.scatter.add.f32 [tilespmem:s20], [sflag:$0x3], $0x80, s31, s17, $0xb8;
	[tilespmem:$0x1E400] =	vst v63  }
0x31: {  	_ =	swait.ge [sflag:s14], $0x4000  }
0x32: {  	[sflag:s14] =	ssyncset.done $0x0  }
0x33: {  	s28 =	simm.s32 $0x13D80;
	s26 =	simm.s32 $0x400;
	[sflag:s14] =	ssyncadd.s32 $0xFFFFC000  }
.LBB2_2:
0x34: {  	[tilespmem:s20], [sflag:$0x2] =	stream.indirect.gather [hbm4b:s4+s17], $0x80, s28, s17, $0xb8;
	[tilespmem:$0x1E400] =	vst v63  }
0x35: {  	s28 =	smov.u32 s26  }
0x36: {  	p0 =	sne.s32 s26, $0x4800;
	s26 =	sadd.s32 $0x400, s26;
	_ =	swait.ge [sflag:s21], $0x4000  }
0x37: {  	s28 =	sshra.s32 s28, $0x2;
	[sflag:s21] =	ssyncset.done $0x0  }
0x38: {  	s29 =	sadd.s32 $0x15000, s28;
	[sflag:s21] =	ssyncadd.s32 $0xFFFFC000  }
0x39: {  	[spmem:s2] =	stream.indirect.scatter.add.f32 [tilespmem:s18], [sflag:$0x3], $0x80, s29, s17, $0xb8;
	[tilespmem:$0x1E400] =	vst v63  }
0x3a: {  	_ =	swait.ge [sflag:s14], $0x4000  }
0x3b: {  	[sflag:s14] =	ssyncset.done $0x0  }
0x3c: {  	s29 =	sadd.s32 $0x13D00, s28;
	[sflag:s14] =	ssyncadd.s32 $0xFFFFC000  }
0x3d: {  	[tilespmem:s18], [sflag:$0x1] =	stream.indirect.gather [hbm4b:s4+s17], $0x80, s29, s17, $0xb8;
	[tilespmem:$0x1E400] =	vst v63  }
0x3e: {  	_ =	swait.ge [sflag:s22], $0x4000  }
0x3f: {  	[sflag:s22] =	ssyncset.done $0x0  }
.Ltmp0:
0x40: {  	s29 =	sadd.s32 $0x15080, s28;
	[sflag:s22] =	ssyncadd.s32 $0xFFFFC000;
	(pc) =	sbr.rel @p0 .LBB2_2-.Ltmp0, $4  }
0x41: {  	[spmem:s2] =	stream.indirect.scatter.add.f32 [tilespmem:s20], [sflag:$0x3], $0x80, s29, s17, $0xb8;
	[tilespmem:$0x1E400] =	vst v63  }
0x42: {  	_ =	swait.ge [sflag:s14], $0x4000  }
0x43: {  	[sflag:s14] =	ssyncset.done $0x0  }
0x44: {  	s28 =	sadd.s32 $0x13D80, s28;
	[sflag:s14] =	ssyncadd.s32 $0xFFFFC000  }
0x45: {  	[tilespmem:s20], [sflag:$0x2] =	stream.indirect.gather [hbm4b:s4+s17], $0x80, s28, s17, $0xb8;
	[tilespmem:$0x1E400] =	vst v63  }
0x46: {  	_ =	swait.ge [sflag:s21], $0x4000  }
0x47: {  	[sflag:s21] =	ssyncset.done $0x0  }
0x48: {  	[sflag:s21] =	ssyncadd.s32 $0xFFFFC000  }
0x49: {  	[spmem:s2] =	stream.indirect.scatter.add.f32 [tilespmem:s18], [sflag:$0x3], $0x80, s23, s17, $0xb8;
	[tilespmem:$0x1E400] =	vst v63  }
0x4a: {  	_ =	swait.ge [sflag:s14], $0x4000  }
0x4b: {  	[sflag:s14] =	ssyncset.done $0x0  }
0x4c: {  	[sflag:s14] =	ssyncadd.s32 $0xFFFFC000  }
0x4d: {  	_ =	swait.ge [sflag:s22], $0x4000  }
0x4e: {  	[sflag:s22] =	ssyncset.done $0x0  }
0x4f: {  	[sflag:s22] =	ssyncadd.s32 $0xFFFFC000  }
0x50: {  	[spmem:s2] =	stream.indirect.scatter.add.f32 [tilespmem:s20], [sflag:$0x3], $0x80, s24, s17, $0xb8;
	[tilespmem:$0x1E400] =	vst v63  }
0x51: {  	_ =	swait.ge [sflag:s14], $0x4000  }
0x52: {  	[sflag:s14] =	ssyncset.done $0x0  }
0x53: {  	s26 =	simm.s32 $0x0;
	[sflag:s14] =	ssyncadd.s32 $0xFFFFC000  }
0x54: {  	[tilespmem:s15], [sflag:$0x3] =	stream.linear.gather [hbm4b:s9+s26], $0x1400, $0x38;
	[tilespmem:$0x1E400] =	vst v63  }
0x55: {  	_ =	swait.ge [sflag:s14], $0x1400  }
0x56: {  	[sflag:s14] =	ssyncset.done $0x0  }
0x57: {  	[sflag:s14] =	ssyncadd.s32 $0xFFFFEC00  }
0x58: {  	[tilespmem:s16], [sflag:$0x3] =	stream.linear.gather [hbm4b:s10+s26], $0x1400, $0x38;
	[tilespmem:$0x1E400] =	vst v63  }
0x59: {  	_ =	swait.ge [sflag:s14], $0x1400  }
0x5a: {  	[sflag:s14] =	ssyncset.done $0x0  }
0x5b: {  	[sflag:s14] =	ssyncadd.s32 $0xFFFFEC00  }
0x5c: {  	[tilespmem:s18], [sflag:$0x1] =	stream.indirect.gather [hbm4b:s4+s17], $0x80, s15, s17, $0xb8;
	[tilespmem:$0x1E400] =	vst v63  }
0x5d: {  	_ = 	snop  }
0x5e: {  	[tilespmem:s20], [sflag:$0x2] =	stream.indirect.gather [hbm4b:s4+s17], $0x80, s19, s17, $0xb8;
	[tilespmem:$0x1E400] =	vst v63  }
0x5f: {  	_ =	swait.ge [sflag:s21], $0x4000  }
0x60: {  	[sflag:s21] =	ssyncset.done $0x0  }
0x61: {  	s29 =	simm.s32 $0x15000;
	[sflag:s21] =	ssyncadd.s32 $0xFFFFC000  }
0x62: {  	[spmem:s2] =	stream.indirect.scatter.add.f32 [tilespmem:s18], [sflag:$0x3], $0x80, s29, s17, $0xb8;
	[tilespmem:$0x1E400] =	vst v63  }
0x63: {  	_ =	swait.ge [sflag:s14], $0x4000  }
0x64: {  	[sflag:s14] =	ssyncset.done $0x0  }
0x65: {  	s30 =	simm.s32 $0x13D00;
	[sflag:s14] =	ssyncadd.s32 $0xFFFFC000  }
0x66: {  	[tilespmem:s18], [sflag:$0x1] =	stream.indirect.gather [hbm4b:s4+s17], $0x80, s30, s17, $0xb8;
	[tilespmem:$0x1E400] =	vst v63  }
0x67: {  	_ =	swait.ge [sflag:s22], $0x4000  }
0x68: {  	[sflag:s22] =	ssyncset.done $0x0  }
0x69: {  	s31 =	simm.s32 $0x15080;
	[sflag:s22] =	ssyncadd.s32 $0xFFFFC000  }
0x6a: {  	[spmem:s2] =	stream.indirect.scatter.add.f32 [tilespmem:s20], [sflag:$0x3], $0x80, s31, s17, $0xb8;
	[tilespmem:$0x1E400] =	vst v63  }
0x6b: {  	_ =	swait.ge [sflag:s14], $0x4000  }
0x6c: {  	[sflag:s14] =	ssyncset.done $0x0  }
0x6d: {  	s28 =	simm.s32 $0x13D80;
	s26 =	simm.s32 $0x400;
	[sflag:s14] =	ssyncadd.s32 $0xFFFFC000  }
.LBB2_4:
0x6e: {  	[tilespmem:s20], [sflag:$0x2] =	stream.indirect.gather [hbm4b:s4+s17], $0x80, s28, s17, $0xb8;
	[tilespmem:$0x1E400] =	vst v63  }
0x6f: {  	s28 =	smov.u32 s26  }
0x70: {  	p0 =	sne.s32 s26, $0x4800;
	s26 =	sadd.s32 $0x400, s26;
	_ =	swait.ge [sflag:s21], $0x4000  }
0x71: {  	s28 =	sshra.s32 s28, $0x2;
	[sflag:s21] =	ssyncset.done $0x0  }
0x72: {  	s29 =	sadd.s32 $0x15000, s28;
	[sflag:s21] =	ssyncadd.s32 $0xFFFFC000  }
0x73: {  	[spmem:s2] =	stream.indirect.scatter.add.f32 [tilespmem:s18], [sflag:$0x3], $0x80, s29, s17, $0xb8;
	[tilespmem:$0x1E400] =	vst v63  }
0x74: {  	_ =	swait.ge [sflag:s14], $0x4000  }
0x75: {  	[sflag:s14] =	ssyncset.done $0x0  }
0x76: {  	s29 =	sadd.s32 $0x13D00, s28;
	[sflag:s14] =	ssyncadd.s32 $0xFFFFC000  }
0x77: {  	[tilespmem:s18], [sflag:$0x1] =	stream.indirect.gather [hbm4b:s4+s17], $0x80, s29, s17, $0xb8;
	[tilespmem:$0x1E400] =	vst v63  }
0x78: {  	_ =	swait.ge [sflag:s22], $0x4000  }
0x79: {  	[sflag:s22] =	ssyncset.done $0x0  }
.Ltmp1:
0x7a: {  	s29 =	sadd.s32 $0x15080, s28;
	[sflag:s22] =	ssyncadd.s32 $0xFFFFC000;
	(pc) =	sbr.rel @p0 .LBB2_4-.Ltmp1, $4  }
0x7b: {  	[spmem:s2] =	stream.indirect.scatter.add.f32 [tilespmem:s20], [sflag:$0x3], $0x80, s29, s17, $0xb8;
	[tilespmem:$0x1E400] =	vst v63  }
0x7c: {  	_ =	swait.ge [sflag:s14], $0x4000  }
0x7d: {  	[sflag:s14] =	ssyncset.done $0x0  }
0x7e: {  	s28 =	sadd.s32 $0x13D80, s28;
	[sflag:s14] =	ssyncadd.s32 $0xFFFFC000  }
0x7f: {  	[tilespmem:s20], [sflag:$0x2] =	stream.indirect.gather [hbm4b:s4+s17], $0x80, s28, s17, $0xb8;
	[tilespmem:$0x1E400] =	vst v63  }
0x80: {  	_ =	swait.ge [sflag:s21], $0x4000  }
0x81: {  	[sflag:s21] =	ssyncset.done $0x0  }
0x82: {  	[sflag:s21] =	ssyncadd.s32 $0xFFFFC000  }
0x83: {  	[spmem:s2] =	stream.indirect.scatter.add.f32 [tilespmem:s18], [sflag:$0x3], $0x80, s23, s17, $0xb8;
	[tilespmem:$0x1E400] =	vst v63  }
0x84: {  	_ =	swait.ge [sflag:s14], $0x4000  }
0x85: {  	[sflag:s14] =	ssyncset.done $0x0  }
0x86: {  	[sflag:s14] =	ssyncadd.s32 $0xFFFFC000  }
0x87: {  	_ =	swait.ge [sflag:s22], $0x4000  }
0x88: {  	[sflag:s22] =	ssyncset.done $0x0  }
0x89: {  	[sflag:s22] =	ssyncadd.s32 $0xFFFFC000  }
0x8a: {  	[spmem:s2] =	stream.indirect.scatter.add.f32 [tilespmem:s20], [sflag:$0x3], $0x80, s24, s17, $0xb8;
	[tilespmem:$0x1E400] =	vst v63  }
0x8b: {  	_ =	swait.ge [sflag:s14], $0x4000  }
0x8c: {  	s25 =	sadd.s32 $0x1, s25;
	[sflag:s14] =	ssyncset.done $0x0  }
0x8d: {  	p0 =	sne.s32 s25, s12;
	[sflag:s14] =	ssyncadd.s32 $0xFFFFC000  }
.Ltmp2:
0x8e: {  	[bflag:$0x0] =	sbarrier.arrive $0xFFFF;
	(pc) =	sbr.rel @p0 .LBB2_1-.Ltmp2, $4  }
0x8f: {  	[hbm:s11], [sflag:s6] =	dma.local [spmem:s13], $0x2780  }
0x90: {  	_ =	swait.ge [sflag:s14], $0x2780  }
0x91: {  	[sflag:s14] =	ssyncset.done $0x0  }
0x92: {  	[sflag:s14] =	ssyncadd.s32 $0xFFFFD880  }
0x93: {  	_ =	sfence.sel $0x180000  }
0x94: {  	[bflag:$0x0] =	sbarrier.arrive $0xFFFF  }
0x95: {  	p0 =	sne.s32 s1, $0x0;
	_ =	strace $0x9000004D  }
0x96: {  	s0 =	sadd.s32 @!p0 $0x100000, s0;
	[bflag:$0x2] =	sbarrier.arrive $0xFFFF  }
0x97: {  	[sflag:s0] =	ssyncadd.tile.s32 @!p0 $0x1;
	_ =	shalt  }
.Lfunc_end2:
_tile_overlayer_lowered:
.L_overlay_start_2:
0x98: {  	(tag) =	ssettag $0x2  }
0x99: {  	s0 =	rddreg [dreg:$0x0];
	s2 =	stileid.u32  }
0x9a: {  	s1 =	rddreg [dreg:$0x1];
	p0 =	sne.s32 s2, $0x0  }
0x9b: {  	s3 =	rddreg [dreg:$0x2];
	[bflag:$0x3] =	sbarrier.arrive $0xFFFF;
	s2 =	simm.s32 @!p0 $0x1C03  }
0x9c: {  	[timem:s3], [sflag:s2] =	dma.local @!p0 [hbm:s0], s1  }
0x9d: {  	s0 =	simm.s32 @!p0 $0x3  }
0x9e: {  	_ =	swait.ge @!p0 [sflag:s0], s1  }
0x9f: {  	s1 =	ssub.s32 @!p0 $0x0, s1;
	[sflag:s0] =	ssyncset.done @!p0 $0x0  }
0xa0: {  	[sflag:s0] =	ssyncadd.s32 @!p0 s1  }
0xa1: {  	[bflag:$0x3] =	sbarrier.arrive $0xFFFF  }
0xa2: {  	_ =	shalt  }

// kernel: kernel.7.cloned.1.call-start
scs
__scs_entry_jumppad:
0x0: {  	(pc) =	sbr.rel $0x88, $3  }
0x1: {  	(tag) =	ssettag $0x0;
	lr =	simm.s32 $0x1  }
0x2: {  	[smem:$0x3F99] =	sst lr;
	_ =	strace $0xD0000000  }
0x3: {  	_ = 	snop  }
0x4: {  	_ = 	snop  }
0x5: {  	_ = 	snop  }
0x6: {  	_ = 	snop  }
0x7: {  	_ = 	snop  }
__scs_overlays_trampoline_lowered:
0x8: {  	[smem:$0x3FA8] =	sst s0  }
0x9: {  	[smem:$0x3FA9] =	sst s1  }
0xa: {  	[smem:$0x3FAA] =	sst s2  }
0xb: {  	[smem:$0x3FAB] =	sst s3  }
0xc: {  	[smem:$0x3FAC] =	sst s4  }
0xd: {  	[smem:$0x3FAD] =	sst s5  }
0xe: {  	[smem:$0x3FAE] =	sst s6  }
0xf: {  	[smem:$0x3FAF] =	sst s7  }
0x10: {  	[smem:$0x3FB0] =	sst s8  }
0x11: {  	[smem:$0x3FB1] =	sst s9;
	s0 =	simm.s32 @!p0 $0x0  }
0x12: {  	s1 =	sld [smem:$0x3F97];
	s0 =	simm.s32 @p0 $0x1  }
0x13: {  	[smem:$0x3FB2] =	sst s0;
	s0 =	simm.s32 @!p1 $0x0  }
0x14: {  	s2 =	sld [smem:$0x3F96];
	s0 =	simm.s32 @p1 $0x1  }
0x15: {  	[smem:$0x3FB3] =	sst s0;
	s0 =	simm.s32 @!p2 $0x0  }
0x16: {  	s3 =	sld [smem:$0x3FDB];
	s0 =	simm.s32 @p2 $0x1  }
0x17: {  	s4 =	simm.s32 $0x1BF5;
	[smem:$0x3FB5] =	sst s0  }
0x18: {  	s0 =	sld [smem:$0x3F98];
	_ =	swait.ge [sflag:s4], $0x0  }
0x19: {  	s7 =	sld [smem:$0x3F99]  }
0x1a: {  	s8 =	sadd.s32 $0xFFFFE003, lr  }
0x1b: {  	s9 =	sadd.s32 $0xFFFFFEF7, lr;
	s5 =	simm.s32 $0xFFFFFFFF;
	p2 =	slt.u32 s8, $0xFFFFF086  }
0x1c: {  	p1 =	slt.u32 s9, $0xF7A;
	s5 =	simm.s32 @!p2 $0x0  }
0x1d: {  	s5 =	simm.s32 @p1 $0x1;
	p0 =	seq.s32 s7, s2  }
0x1e: {  	s7 =	smul.u32 @!p0 $0xF7A, s2;
	p2 =	seq.s32 @!p0 s5, $0x0  }
0x1f: {  	s9 =	smul.u32 $0xF7A, s1;
	s8 =	simm.s32 @!p0 $0x1BF5;
	p2 =	por !p2, p0  }
0x20: {  	[sflag:s8] =	ssyncset.s32 @!p0 $0xFFFFF086;
	s6 =	sadd.s32 @!p0 s3, s7;
	s7 =	simm.s32 @!p0 $0x108  }
0x21: {  	s3 =	sadd.s32 s3, s9;
	s6 =	sadd.s32 @!p0 $0x88, s6;
	s7 =	simm.s32 @p2 $0x1082  }
0x22: {  	[simem:s7], [sflag:s8] =	dma.local @!p0 [hbm:s6], $0xF7A  }
0x23: {  	s9 =	sor.u32 $0xD0000000, s2;
	s6 =	simm.s32 $0x108;
	_ =	swait.ge @!p0 [sflag:s8], $0x0  }
0x24: {  	s3 =	sadd.s32 $0x88, s3;
	s6 =	simm.s32 @!p1 $0x1082;
	[sflag:s4] =	ssyncset.s32 $0xFFFFF086  }
0x25: {  	[simem:s6], [sflag:s4] =	dma.local [hbm:s3], $0xF7A  }
0x26: {  	[smem:$0x3F99] =	sst s1;
	(tag) =	ssettag s2;
	_ =	strace s9  }
0x27: {  	s1 =	sld [smem:$0x3FA9]  }
0x28: {  	s2 =	sld [smem:$0x3FAA]  }
0x29: {  	s4 =	sld [smem:$0x3FAC]  }
0x2a: {  	p0 =	seq.s32 s5, $0x0;
	s5 =	sld [smem:$0x3FAD]  }
0x2b: {  	s6 =	sld [smem:$0x3FAE]  }
0x2c: {  	s7 =	sld [smem:$0x3FAF]  }
0x2d: {  	s3 =	simm.s32 $0x108;
	s8 =	sld [smem:$0x3FB0]  }
0x2e: {  	s3 =	simm.s32 @!p0 $0x1082;
	s9 =	sld [smem:$0x3FB1]  }
0x2f: {  	lr =	sadd.s32 s0, s3;
	s0 =	sld [smem:$0x3FA8]  }
0x30: {  	s3 =	sld [smem:$0x3FAB]  }
0x31: {  	[smem:$0x3FB4] =	sst s10  }
0x32: {  	s10 =	sld [smem:$0x3FB2];
	_ =	sdelay $0x3  }
0x33: {  	p0 =	seq.s32 s10, $0x1;
	s10 =	sld [smem:$0x3FB4];
	_ =	sdelay $0x3  }
0x34: {  	[smem:$0x3FB4] =	sst s10  }
0x35: {  	s10 =	sld [smem:$0x3FB3];
	_ =	sdelay $0x3  }
0x36: {  	p1 =	seq.s32 s10, $0x1;
	s10 =	sld [smem:$0x3FB4];
	_ =	sdelay $0x3  }
0x37: {  	[smem:$0x3FB4] =	sst s10  }
0x38: {  	s10 =	sld [smem:$0x3FB5]  }
0x39: {  	_ = 	snop;
	(pc) =	sbr.ind lr, $3  }
0x3a: {  	_ = 	snop  }
0x3b: {  	_ = 	snop  }
0x3c: {  	p2 =	seq.s32 s10, $0x1;
	s10 =	sld [smem:$0x3FB4]  }
0x3d: {  	_ =	shalt  }
0x3e: {  	_ =	shalt  }
0x3f: {  	_ =	shalt  }
0x40: {  	_ =	shalt  }
0x41: {  	_ =	shalt  }
0x42: {  	_ =	shalt  }
0x43: {  	_ =	shalt  }
0x44: {  	_ =	shalt  }
0x45: {  	_ =	shalt  }
0x46: {  	_ =	shalt  }
0x47: {  	_ =	shalt  }
0x48: {  	_ =	shalt  }
0x49: {  	_ =	shalt  }
0x4a: {  	_ =	shalt  }
0x4b: {  	_ =	shalt  }
0x4c: {  	_ =	shalt  }
0x4d: {  	_ =	shalt  }
0x4e: {  	_ =	shalt  }
0x4f: {  	_ =	shalt  }
0x50: {  	_ =	shalt  }
0x51: {  	_ =	shalt  }
0x52: {  	_ =	shalt  }
0x53: {  	_ =	shalt  }
0x54: {  	_ =	shalt  }
0x55: {  	_ =	shalt  }
0x56: {  	_ =	shalt  }
0x57: {  	_ =	shalt  }
0x58: {  	_ =	shalt  }
0x59: {  	_ =	shalt  }
0x5a: {  	_ =	shalt  }
0x5b: {  	_ =	shalt  }
0x5c: {  	_ =	shalt  }
0x5d: {  	_ =	shalt  }
0x5e: {  	_ =	shalt  }
0x5f: {  	_ =	shalt  }
0x60: {  	_ =	shalt  }
0x61: {  	_ =	shalt  }
0x62: {  	_ =	shalt  }
0x63: {  	_ =	shalt  }
0x64: {  	_ =	shalt  }
0x65: {  	_ =	shalt  }
0x66: {  	_ =	shalt  }
0x67: {  	_ =	shalt  }
0x68: {  	_ =	shalt  }
0x69: {  	_ =	shalt  }
0x6a: {  	_ =	shalt  }
0x6b: {  	_ =	shalt  }
0x6c: {  	_ =	shalt  }
0x6d: {  	_ =	shalt  }
0x6e: {  	_ =	shalt  }
0x6f: {  	_ =	shalt  }
0x70: {  	_ =	shalt  }
0x71: {  	_ =	shalt  }
0x72: {  	_ =	shalt  }
0x73: {  	_ =	shalt  }
0x74: {  	_ =	shalt  }
0x75: {  	_ =	shalt  }
0x76: {  	_ =	shalt  }
0x77: {  	_ =	shalt  }
0x78: {  	_ =	shalt  }
0x79: {  	_ =	shalt  }
0x7a: {  	_ =	shalt  }
0x7b: {  	_ =	shalt  }
0x7c: {  	_ =	shalt  }
0x7d: {  	_ =	shalt  }
0x7e: {  	_ =	shalt  }
0x7f: {  	_ =	shalt  }
0x80: {  	_ =	shalt  }
0x81: {  	_ =	shalt  }
0x82: {  	_ =	shalt  }
0x83: {  	_ =	shalt  }
0x84: {  	_ =	shalt  }
0x85: {  	_ =	shalt  }
0x86: {  	_ =	shalt  }
0x87: {  	_ =	shalt  }
.Lfunc_end0:
.L_simem_size_0:
called_computation_lowered:
.L_overlay_start_0:
0x88: {  	s2 =	sld [smem:$0x3FD9]  }
0x89: {  	s3 =	sld [smem:$0x3FFE];
	_ =	sdelay $0x1  }
0x8a: {  	s1 =	srdreg.scid  }
0x8b: {  	s0 =	sand.u32 $0x1, s1  }
0x8c: {  	s16 =	sshll.u32 s0, $0xA;
	s2 =	sadd.s32 s3, s2  }
0x8d: {  	s2 =	sadd.s32 s2, s16  }
0x8e: {  	[smem:$0x3FC0] =	sst s2  }
0x8f: {  	_ = 	snop  }
0x90: {  	(tm) =	ssettm $0x1  }
0x91: {  	s17 =	sld [smem:$0x3FFB];
	_ =	sdelay $0x3  }
0x92: {  	_ =	strace s17  }
0x93: {  	s2 =	sld [smem:$0x3FFC];
	_ =	sdelay $0x3  }
0x94: {  	_ =	strace s2  }
0x95: {  	s2 =	sld [smem:$0x3FFD];
	_ =	sdelay $0x3  }
0x96: {  	_ =	strace s2  }
0x97: {  	_ =	strace $0x8FFFFFFF  }
0x98: {  	s18 =	sld [smem:$0x3FDB];
	_ =	sdelay $0x1  }
0x99: {  	s19 =	simm.s32 $_scs_section_size  }
0x9a: {  	s4 =	simm.s32 $_size__tile_overlayer_lowered;
	s5 =	simm.s32 $_tile_overlayer_lowered  }
0x9b: {  	s22 =	simm.s32 $0x1BFF;
	s21 =	sshll.u32 s5, $0x1;
	s2 =	sadd.s32 s19, s18  }
0x9c: {  	s6 =	simm.s32 $0x0;
	s20 =	sshll.u32 s4, $0x1;
	s4 =	sadd.s32 s21, s2  }
0x9d: {  	[timem:s6], [sflag:s22] =	dma.local [hbm:s4], s20  }
0x9e: {  	_ =	swait.ge [sflag:s22], s20  }
0x9f: {  	s3 =	ssub.s32 $0x0, s20;
	[sflag:s22] =	ssyncset.done $0x0  }
0xa0: {  	[sflag:s22] =	ssyncadd.s32 s3;
	_ =	sdelay $0x1  }
0xa1: {  	s23 =	simm.s32 $0x1B8B  }
0xa2: {  	_ =	swait.ge [sflag:s23], $0x1  }
0xa3: {  	[sflag:s23] =	ssyncset.done $0x0  }
0xa4: {  	s25 =	simm.s32 $0x1B8E;
	s24 =	sld [smem:$0x3FFE];
	[sflag:s23] =	ssyncadd.s32 $0xFFFFFFFF  }
0xa5: {  	s26 =	simm.s32 $execute0_lowered;
	[smem:$0x3FD2] =	sst s25  }
0xa6: {  	s4 =	sshll.u32 s26, $0x1;
	_ =	strace $0x80000046;
	[dreg:$0x1] =	wrdreg $0xFFFFFFFF  }
0xa7: {  	s28 =	simm.s32 $_size_execute0_lowered;
	s2 =	sadd.s32 s2, s4;
	[dreg:$0x0] =	wrdreg $0x0  }
0xa8: {  	s4 =	sshll.u32 s28, $0x1;
	[dreg:$0x2] =	wrdreg s2  }
0xa9: {  	[dreg:$0x3] =	wrdreg s4  }
0xaa: {  	[dreg:$0x4] =	wrdreg $0xC0  }
0xab: {  	_ =	task [dreg:s6], $0x5FFFF  }
0xac: {  	[dreg:$0x1] =	wrdreg $0xFFFFFFFF  }
0xad: {  	[dreg:$0x0] =	wrdreg $0x60  }
0xae: {  	[dreg:$0x2] =	wrdreg s24  }
0xaf: {  	[dreg:$0x3] =	wrdreg $0x0  }
0xb0: {  	[dreg:$0x4] =	wrdreg $0x9  }
0xb1: {  	_ =	task.clear_ibuf [dreg:s6], $0x5FFFF;
	_ =	strace $0x90000046  }
0xb2: {  	s29 =	simm.s32 $0x9;
	_ =	strace $0x80000048  }
0xb3: {  	_ =	swait.ge [sflag:s29], $0x1  }
0xb4: {  	[sflag:s29] =	ssyncadd.s32 $0xFFFFFFFF  }
0xb5: {  	_ =	strace $0x90000048  }
0xb6: {  	_ =	sfence  }
0xb7: {  	s30 =	sld [smem:$0x0];
	_ =	sdelay $0x2  }
0xb8: {  	s31 =	sshll.u32 s1, $0xD;
	s1 =	sshrl.u32 s1, $0x2  }
0xb9: {  	s3 =	sand.u32 $0x4000, s31;
	s1 =	sadd.s32 s1, s30  }
0xba: {  	s0 =	sor.u32 s3, s0;
	s1 =	sshll.u32 s1, $0x11  }
0xbb: {  	s0 =	sor.u32 s1, s0  }
0xbc: {  	s0 =	sadd.s32 $0x8F2B, s0  }
0xbd: {  	[sflag:s0] =	ssyncadd.remote.s32 $0x1  }
0xbe: {  	_ =	sfence.sel $0xFFFF  }
0xbf: {  	[dreg:$0x0] =	wrdreg $0xFFFFFFFF;
	(pc) =	sbr.abs _section_cstart, $3  }
0xc0: {  	[dreg:$0x1] =	wrdreg $0xFFFFFFFF  }
0xc1: {  	_ =	task.clear_ibuf [dreg:s6], $0x2FFFF;
	_ =	strace $0x9FFFFFFF  }
0xc2: {  	(tm) =	ssettm $0x7FFFFFFF  }
0xc3: {  	_ =	shalt  }
tec
execute0_lowered:
.L_overlay_start_1:
0x0: {  	(tag) =	ssettag $0x1  }
0x1: {  	s6 =	rddreg [dreg:$0x0]  }
0x2: {  	s0 =	srdreg.scid;
	s2 =	rddreg [dreg:$0x1];
	s3 =	simm.s32 $0x0  }
0x3: {  	s14 =	simm.s32 $0x80;
	s5 =	sand.u32 $0x1, s0;
	s0 =	stileid.u32  }
0x4: {  	s15 =	simm.s32 $0x1;
	s16 =	simm.s32 $0x0;
	s7 =	smul.u32 $0x13C00, s0  }
0x5: {  	[smem:$0x7FF] =	sst s3;
	s1 =	sshll.u32 s5, $0x4;
	s8 =	smul.u32 $0x13C000, s5  }
0x6: {  	s28 =	smul.u32 $0x4F000, s0;
	s5 =	ssub.s32 $0x2, s5;
	s1 =	sor.u32 s0, s1  }
0x7: {  	s31 =	sshll.u32 s0, $0x6;
	s29 =	sshrl.u32 s5, $0x1;
	s4 =	smul.u32 $0x500, s1  }
0x8: {  	s1 =	rddreg [dreg:$0x2];
	_ =	strace $0x80000047;
	s26 =	sshrl.u32 s7, $0x3  }
0x9: {  	s7 =	sadd.s32 s7, s8;
	s30 =	sshrl.u32 s28, $0x2;
	s12 =	ssub.s32 s5, s29  }
0xa: {  	s10 =	sadd.s32 s26, s6;
	s7 =	sshrl.u32 s7, $0x3;
	s13 =	sadd.s32 s30, s2  }
0xb: {  	s9 =	sadd.s32 s4, s6;
	s4 =	sadd.s32 $0xBC00, s6;
	s11 =	sadd.s32 s7, s6  }
0xc: {  	s5 =	sadd.s32 $0xC400, s10;
	s6 =	sor.u32 $0x1C02, s31;
	s10 =	sshrl.u32 s13, $0x3  }
0xd: {  	s13 =	simm.s32 $0x13C00;
	s7 =	sadd.s32 $0x1C00, s9;
	s8 =	sadd.s32 $0x33C00, s11  }
0xe: {  	s9 =	smax.u32 s12, $0x1;
	s11 =	simm.s32 $0x2;
	s12 =	simm.s32 $0x16400  }
.LBB2_1:
0xf: {  	[spmem:s10], [sflag:s6] =	dma.local [hbm:s5], $0x2780  }
0x10: {  	_ =	swait.ge [sflag:s11], $0x2780  }
0x11: {  	[sflag:s11] =	ssyncset.done $0x0  }
0x12: {  	[sflag:s11] =	ssyncadd.s32 $0xFFFFD880  }
0x13: {  	[tilespmem:s12], [sflag:$0x2] =	stream.linear.gather [hbm4b:s4+s3], $0x4000, $0x38;
	[tilespmem:$0x1A400] =	vst v63  }
0x14: {  	_ =	swait.ge [sflag:s11], $0x4000  }
0x15: {  	[sflag:s11] =	ssyncset.done $0x0  }
0x16: {  	[sflag:s11] =	ssyncadd.s32 $0xFFFFC000  }
0x17: {  	[tilespmem:s13], [sflag:$0x2] =	stream.linear.gather [hbm4b:s7+s3], $0x2800, $0x38;
	[tilespmem:$0x1A400] =	vst v63  }
0x18: {  	_ =	swait.ge [sflag:s11], $0x2800  }
0x19: {  	[sflag:s11] =	ssyncset.done $0x0  }
0x1a: {  	[sflag:s11] =	ssyncadd.s32 $0xFFFFD800  }
0x1b: {  	s17 =	simm.s32 $0x13C00;
	[bflag:$0x0] =	sbarrier.arrive $0xFFFF  }
0x1c: {  	[spmem:s2] =	stream.indirect.scatter.add.f32 [tilespmem:s12], [sflag:$0x1], $0x80, s17, s14, $0xb8;
	[tilespmem:$0x1A400] =	vst v63  }
0x1d: {  	s30 =	simm.s32 $0x13C80  }
0x1e: {  	[spmem:s2] =	stream.indirect.scatter.add.f32 [tilespmem:s12], [sflag:$0x1], $0x80, s30, s14, $0xb8;
	[tilespmem:$0x1A400] =	vst v63  }
0x1f: {  	s31 =	simm.s32 $0x13D00  }
0x20: {  	[spmem:s2] =	stream.indirect.scatter.add.f32 [tilespmem:s12], [sflag:$0x1], $0x80, s31, s14, $0xb8;
	[tilespmem:$0x1A400] =	vst v63  }
0x21: {  	s18 =	simm.s32 $0x13D80  }
0x22: {  	[spmem:s2] =	stream.indirect.scatter.add.f32 [tilespmem:s12], [sflag:$0x1], $0x80, s18, s14, $0xb8;
	[tilespmem:$0x1A400] =	vst v63  }
0x23: {  	s19 =	simm.s32 $0x13E00  }
0x24: {  	[spmem:s2] =	stream.indirect.scatter.add.f32 [tilespmem:s12], [sflag:$0x1], $0x80, s19, s14, $0xb8;
	[tilespmem:$0x1A400] =	vst v63  }
0x25: {  	s20 =	simm.s32 $0x13E80  }
0x26: {  	[spmem:s2] =	stream.indirect.scatter.add.f32 [tilespmem:s12], [sflag:$0x1], $0x80, s20, s14, $0xb8;
	[tilespmem:$0x1A400] =	vst v63  }
0x27: {  	s21 =	simm.s32 $0x13F00  }
0x28: {  	[spmem:s2] =	stream.indirect.scatter.add.f32 [tilespmem:s12], [sflag:$0x1], $0x80, s21, s14, $0xb8;
	[tilespmem:$0x1A400] =	vst v63  }
0x29: {  	s22 =	simm.s32 $0x13F80  }
0x2a: {  	[spmem:s2] =	stream.indirect.scatter.add.f32 [tilespmem:s12], [sflag:$0x1], $0x80, s22, s14, $0xb8;
	[tilespmem:$0x1A400] =	vst v63  }
0x2b: {  	s23 =	simm.s32 $0x14000  }
0x2c: {  	[spmem:s2] =	stream.indirect.scatter.add.f32 [tilespmem:s12], [sflag:$0x1], $0x80, s23, s14, $0xb8;
	[tilespmem:$0x1A400] =	vst v63  }
0x2d: {  	s24 =	simm.s32 $0x14080  }
0x2e: {  	[spmem:s2] =	stream.indirect.scatter.add.f32 [tilespmem:s12], [sflag:$0x1], $0x80, s24, s14, $0xb8;
	[tilespmem:$0x1A400] =	vst v63  }
0x2f: {  	s25 =	simm.s32 $0x14100  }
0x30: {  	[spmem:s2] =	stream.indirect.scatter.add.f32 [tilespmem:s12], [sflag:$0x1], $0x80, s25, s14, $0xb8;
	[tilespmem:$0x1A400] =	vst v63  }
0x31: {  	s26 =	simm.s32 $0x14180  }
0x32: {  	[spmem:s2] =	stream.indirect.scatter.add.f32 [tilespmem:s12], [sflag:$0x1], $0x80, s26, s14, $0xb8;
	[tilespmem:$0x1A400] =	vst v63  }
0x33: {  	s28 =	simm.s32 $0x14200  }
0x34: {  	[spmem:s2] =	stream.indirect.scatter.add.f32 [tilespmem:s12], [sflag:$0x1], $0x80, s28, s14, $0xb8;
	[tilespmem:$0x1A400] =	vst v63  }
0x35: {  	s29 =	simm.s32 $0x14280  }
0x36: {  	[spmem:s2] =	stream.indirect.scatter.add.f32 [tilespmem:s12], [sflag:$0x1], $0x80, s29, s14, $0xb8;
	[tilespmem:$0x1A400] =	vst v63  }
0x37: {  	s30 =	simm.s32 $0x14300  }
0x38: {  	[spmem:s2] =	stream.indirect.scatter.add.f32 [tilespmem:s12], [sflag:$0x1], $0x80, s30, s14, $0xb8;
	[tilespmem:$0x1A400] =	vst v63  }
0x39: {  	s31 =	simm.s32 $0x14380  }
0x3a: {  	[spmem:s2] =	stream.indirect.scatter.add.f32 [tilespmem:s12], [sflag:$0x1], $0x80, s31, s14, $0xb8;
	[tilespmem:$0x1A400] =	vst v63  }
0x3b: {  	_ =	swait.ge [sflag:s15], $0x4000  }
0x3c: {  	[sflag:s15] =	ssyncset.done $0x0  }
0x3d: {  	[sflag:s15] =	ssyncadd.s32 $0xFFFFC000  }
0x3e: {  	_ =	swait.ge [sflag:s15], $0x4000  }
0x3f: {  	[sflag:s15] =	ssyncset.done $0x0  }
0x40: {  	[sflag:s15] =	ssyncadd.s32 $0xFFFFC000  }
0x41: {  	_ =	swait.ge [sflag:s15], $0x4000  }
0x42: {  	[sflag:s15] =	ssyncset.done $0x0  }
0x43: {  	[sflag:s15] =	ssyncadd.s32 $0xFFFFC000  }
0x44: {  	_ =	swait.ge [sflag:s15], $0x4000  }
0x45: {  	[sflag:s15] =	ssyncset.done $0x0  }
0x46: {  	[sflag:s15] =	ssyncadd.s32 $0xFFFFC000  }
0x47: {  	_ =	swait.ge [sflag:s15], $0x4000  }
0x48: {  	[sflag:s15] =	ssyncset.done $0x0  }
0x49: {  	[sflag:s15] =	ssyncadd.s32 $0xFFFFC000  }
0x4a: {  	_ =	swait.ge [sflag:s15], $0x4000  }
0x4b: {  	[sflag:s15] =	ssyncset.done $0x0  }
0x4c: {  	[sflag:s15] =	ssyncadd.s32 $0xFFFFC000  }
0x4d: {  	_ =	swait.ge [sflag:s15], $0x4000  }
0x4e: {  	[sflag:s15] =	ssyncset.done $0x0  }
0x4f: {  	[sflag:s15] =	ssyncadd.s32 $0xFFFFC000  }
0x50: {  	_ =	swait.ge [sflag:s15], $0x4000  }
0x51: {  	[sflag:s15] =	ssyncset.done $0x0  }
0x52: {  	[sflag:s15] =	ssyncadd.s32 $0xFFFFC000  }
0x53: {  	_ =	swait.ge [sflag:s15], $0x4000  }
0x54: {  	[sflag:s15] =	ssyncset.done $0x0  }
0x55: {  	[sflag:s15] =	ssyncadd.s32 $0xFFFFC000  }
0x56: {  	_ =	swait.ge [sflag:s15], $0x4000  }
0x57: {  	[sflag:s15] =	ssyncset.done $0x0  }
0x58: {  	[sflag:s15] =	ssyncadd.s32 $0xFFFFC000  }
0x59: {  	_ =	swait.ge [sflag:s15], $0x4000  }
0x5a: {  	[sflag:s15] =	ssyncset.done $0x0  }
0x5b: {  	[sflag:s15] =	ssyncadd.s32 $0xFFFFC000  }
0x5c: {  	_ =	swait.ge [sflag:s15], $0x4000  }
0x5d: {  	[sflag:s15] =	ssyncset.done $0x0  }
0x5e: {  	[sflag:s15] =	ssyncadd.s32 $0xFFFFC000  }
0x5f: {  	_ =	swait.ge [sflag:s15], $0x4000  }
0x60: {  	[sflag:s15] =	ssyncset.done $0x0  }
0x61: {  	[sflag:s15] =	ssyncadd.s32 $0xFFFFC000  }
0x62: {  	_ =	swait.ge [sflag:s15], $0x4000  }
0x63: {  	[sflag:s15] =	ssyncset.done $0x0  }
0x64: {  	[sflag:s15] =	ssyncadd.s32 $0xFFFFC000  }
0x65: {  	_ =	swait.ge [sflag:s15], $0x4000  }
0x66: {  	[sflag:s15] =	ssyncset.done $0x0  }
0x67: {  	[sflag:s15] =	ssyncadd.s32 $0xFFFFC000  }
0x68: {  	_ =	swait.ge [sflag:s15], $0x4000  }
0x69: {  	s19 =	simm.s32 $0x800;
	s20 =	simm.s32 $0x4000;
	[sflag:s15] =	ssyncset.done $0x0  }
.LBB2_2:
0x6a: {  	s21 =	sadd.s32 $0x13C00, s19  }
0x6b: {  	[sflag:s15] =	ssyncadd.s32 $0xFFFFC000;
	s18 =	smov.u32 s20;
	s17 =	sadd.s32 $0x2000, s20  }
0x6c: {  	[spmem:s2] =	stream.indirect.scatter.add.f32 [tilespmem:s12], [sflag:$0x1], $0x80, s21, s14, $0xb8;
	[tilespmem:$0x1A400] =	vst v63  }
0x6d: {  	p0 =	sne.s32 s20, $0x8000;
	s20 =	sadd.s32 $0x13C80, s19  }
0x6e: {  	[spmem:s2] =	stream.indirect.scatter.add.f32 [tilespmem:s12], [sflag:$0x1], $0x80, s20, s14, $0xb8;
	[tilespmem:$0x1A400] =	vst v63  }
0x6f: {  	s20 =	sadd.s32 $0x13D00, s19  }
0x70: {  	[spmem:s2] =	stream.indirect.scatter.add.f32 [tilespmem:s12], [sflag:$0x1], $0x80, s20, s14, $0xb8;
	[tilespmem:$0x1A400] =	vst v63  }
0x71: {  	s20 =	sadd.s32 $0x13D80, s19  }
0x72: {  	[spmem:s2] =	stream.indirect.scatter.add.f32 [tilespmem:s12], [sflag:$0x1], $0x80, s20, s14, $0xb8;
	[tilespmem:$0x1A400] =	vst v63  }
0x73: {  	s20 =	sadd.s32 $0x13E00, s19  }
0x74: {  	[spmem:s2] =	stream.indirect.scatter.add.f32 [tilespmem:s12], [sflag:$0x1], $0x80, s20, s14, $0xb8;
	[tilespmem:$0x1A400] =	vst v63  }
0x75: {  	s20 =	sadd.s32 $0x13E80, s19  }
0x76: {  	[spmem:s2] =	stream.indirect.scatter.add.f32 [tilespmem:s12], [sflag:$0x1], $0x80, s20, s14, $0xb8;
	[tilespmem:$0x1A400] =	vst v63  }
0x77: {  	s20 =	sadd.s32 $0x13F00, s19  }
0x78: {  	[spmem:s2] =	stream.indirect.scatter.add.f32 [tilespmem:s12], [sflag:$0x1], $0x80, s20, s14, $0xb8;
	[tilespmem:$0x1A400] =	vst v63  }
0x79: {  	s20 =	sadd.s32 $0x13F80, s19  }
0x7a: {  	[spmem:s2] =	stream.indirect.scatter.add.f32 [tilespmem:s12], [sflag:$0x1], $0x80, s20, s14, $0xb8;
	[tilespmem:$0x1A400] =	vst v63  }
0x7b: {  	s20 =	sadd.s32 $0x14000, s19  }
0x7c: {  	[spmem:s2] =	stream.indirect.scatter.add.f32 [tilespmem:s12], [sflag:$0x1], $0x80, s20, s14, $0xb8;
	[tilespmem:$0x1A400] =	vst v63  }
0x7d: {  	s20 =	sadd.s32 $0x14080, s19  }
0x7e: {  	[spmem:s2] =	stream.indirect.scatter.add.f32 [tilespmem:s12], [sflag:$0x1], $0x80, s20, s14, $0xb8;
	[tilespmem:$0x1A400] =	vst v63  }
0x7f: {  	s20 =	sadd.s32 $0x14100, s19  }
0x80: {  	[spmem:s2] =	stream.indirect.scatter.add.f32 [tilespmem:s12], [sflag:$0x1], $0x80, s20, s14, $0xb8;
	[tilespmem:$0x1A400] =	vst v63  }
0x81: {  	s20 =	sadd.s32 $0x14180, s19  }
0x82: {  	[spmem:s2] =	stream.indirect.scatter.add.f32 [tilespmem:s12], [sflag:$0x1], $0x80, s20, s14, $0xb8;
	[tilespmem:$0x1A400] =	vst v63  }
0x83: {  	s20 =	sadd.s32 $0x14200, s19  }
0x84: {  	[spmem:s2] =	stream.indirect.scatter.add.f32 [tilespmem:s12], [sflag:$0x1], $0x80, s20, s14, $0xb8;
	[tilespmem:$0x1A400] =	vst v63  }
0x85: {  	s20 =	sadd.s32 $0x14280, s19  }
0x86: {  	[spmem:s2] =	stream.indirect.scatter.add.f32 [tilespmem:s12], [sflag:$0x1], $0x80, s20, s14, $0xb8;
	[tilespmem:$0x1A400] =	vst v63  }
0x87: {  	s20 =	sadd.s32 $0x14300, s19  }
0x88: {  	[spmem:s2] =	stream.indirect.scatter.add.f32 [tilespmem:s12], [sflag:$0x1], $0x80, s20, s14, $0xb8;
	[tilespmem:$0x1A400] =	vst v63  }
0x89: {  	s19 =	sadd.s32 $0x14380, s19  }
0x8a: {  	[spmem:s2] =	stream.indirect.scatter.add.f32 [tilespmem:s12], [sflag:$0x1], $0x80, s19, s14, $0xb8;
	[tilespmem:$0x1A400] =	vst v63  }
0x8b: {  	_ =	swait.ge [sflag:s15], $0x4000  }
0x8c: {  	[sflag:s15] =	ssyncset.done $0x0  }
0x8d: {  	[sflag:s15] =	ssyncadd.s32 $0xFFFFC000  }
0x8e: {  	_ =	swait.ge [sflag:s15], $0x4000  }
0x8f: {  	[sflag:s15] =	ssyncset.done $0x0  }
0x90: {  	[sflag:s15] =	ssyncadd.s32 $0xFFFFC000  }
0x91: {  	_ =	swait.ge [sflag:s15], $0x4000  }
0x92: {  	[sflag:s15] =	ssyncset.done $0x0  }
0x93: {  	[sflag:s15] =	ssyncadd.s32 $0xFFFFC000  }
0x94: {  	_ =	swait.ge [sflag:s15], $0x4000  }
0x95: {  	[sflag:s15] =	ssyncset.done $0x0  }
0x96: {  	[sflag:s15] =	ssyncadd.s32 $0xFFFFC000  }
0x97: {  	_ =	swait.ge [sflag:s15], $0x4000  }
0x98: {  	[sflag:s15] =	ssyncset.done $0x0  }
0x99: {  	[sflag:s15] =	ssyncadd.s32 $0xFFFFC000  }
0x9a: {  	_ =	swait.ge [sflag:s15], $0x4000  }
0x9b: {  	[sflag:s15] =	ssyncset.done $0x0  }
0x9c: {  	[sflag:s15] =	ssyncadd.s32 $0xFFFFC000  }
0x9d: {  	_ =	swait.ge [sflag:s15], $0x4000  }
0x9e: {  	[sflag:s15] =	ssyncset.done $0x0  }
0x9f: {  	[sflag:s15] =	ssyncadd.s32 $0xFFFFC000  }
0xa0: {  	_ =	swait.ge [sflag:s15], $0x4000  }
0xa1: {  	[sflag:s15] =	ssyncset.done $0x0  }
0xa2: {  	[sflag:s15] =	ssyncadd.s32 $0xFFFFC000  }
0xa3: {  	_ =	swait.ge [sflag:s15], $0x4000  }
0xa4: {  	[sflag:s15] =	ssyncset.done $0x0  }
0xa5: {  	[sflag:s15] =	ssyncadd.s32 $0xFFFFC000  }
0xa6: {  	_ =	swait.ge [sflag:s15], $0x4000  }
0xa7: {  	[sflag:s15] =	ssyncset.done $0x0  }
0xa8: {  	[sflag:s15] =	ssyncadd.s32 $0xFFFFC000  }
0xa9: {  	_ =	swait.ge [sflag:s15], $0x4000  }
0xaa: {  	[sflag:s15] =	ssyncset.done $0x0  }
0xab: {  	[sflag:s15] =	ssyncadd.s32 $0xFFFFC000  }
0xac: {  	_ =	swait.ge [sflag:s15], $0x4000  }
0xad: {  	[sflag:s15] =	ssyncset.done $0x0  }
0xae: {  	[sflag:s15] =	ssyncadd.s32 $0xFFFFC000  }
0xaf: {  	_ =	swait.ge [sflag:s15], $0x4000  }
0xb0: {  	[sflag:s15] =	ssyncset.done $0x0  }
0xb1: {  	[sflag:s15] =	ssyncadd.s32 $0xFFFFC000  }
0xb2: {  	_ =	swait.ge [sflag:s15], $0x4000  }
0xb3: {  	[sflag:s15] =	ssyncset.done $0x0  }
0xb4: {  	[sflag:s15] =	ssyncadd.s32 $0xFFFFC000  }
.Ltmp0:
0xb5: {  	_ =	swait.ge [sflag:s15], $0x4000;
	(pc) =	sbr.rel @p0 .LBB2_2-.Ltmp0, $4  }
0xb6: {  	[sflag:s15] =	ssyncset.done $0x0  }
0xb7: {  	[sflag:s15] =	ssyncadd.s32 $0xFFFFC000  }
0xb8: {  	_ =	swait.ge [sflag:s15], $0x4000  }
0xb9: {  	s20 =	smov.u32 s17;
	s19 =	sshra.s32 s18, $0x2;
	[sflag:s15] =	ssyncset.done $0x0  }
0xba: {  	s17 =	sadd.s32 $0x13C00, s19;
	[sflag:s15] =	ssyncadd.s32 $0xFFFFC000  }
0xbb: {  	[spmem:s2] =	stream.indirect.scatter.add.f32 [tilespmem:s12], [sflag:$0x1], $0x80, s17, s14, $0xb8;
	[tilespmem:$0x1A400] =	vst v63  }
0xbc: {  	s29 =	sadd.s32 $0x13C80, s19  }
0xbd: {  	[spmem:s2] =	stream.indirect.scatter.add.f32 [tilespmem:s12], [sflag:$0x1], $0x80, s29, s14, $0xb8;
	[tilespmem:$0x1A400] =	vst v63  }
0xbe: {  	s30 =	sadd.s32 $0x13D00, s19  }
0xbf: {  	[spmem:s2] =	stream.indirect.scatter.add.f32 [tilespmem:s12], [sflag:$0x1], $0x80, s30, s14, $0xb8;
	[tilespmem:$0x1A400] =	vst v63  }
0xc0: {  	s31 =	sadd.s32 $0x13D80, s19  }
0xc1: {  	[spmem:s2] =	stream.indirect.scatter.add.f32 [tilespmem:s12], [sflag:$0x1], $0x80, s31, s14, $0xb8;
	[tilespmem:$0x1A400] =	vst v63  }
0xc2: {  	s18 =	sadd.s32 $0x13E00, s19  }
0xc3: {  	[spmem:s2] =	stream.indirect.scatter.add.f32 [tilespmem:s12], [sflag:$0x1], $0x80, s18, s14, $0xb8;
	[tilespmem:$0x1A400] =	vst v63  }
0xc4: {  	s20 =	sadd.s32 $0x13E80, s19  }
0xc5: {  	[spmem:s2] =	stream.indirect.scatter.add.f32 [tilespmem:s12], [sflag:$0x1], $0x80, s20, s14, $0xb8;
	[tilespmem:$0x1A400] =	vst v63  }
0xc6: {  	s21 =	sadd.s32 $0x13F00, s19  }
0xc7: {  	[spmem:s2] =	stream.indirect.scatter.add.f32 [tilespmem:s12], [sflag:$0x1], $0x80, s21, s14, $0xb8;
	[tilespmem:$0x1A400] =	vst v63  }
0xc8: {  	s22 =	sadd.s32 $0x13F80, s19  }
0xc9: {  	[spmem:s2] =	stream.indirect.scatter.add.f32 [tilespmem:s12], [sflag:$0x1], $0x80, s22, s14, $0xb8;
	[tilespmem:$0x1A400] =	vst v63  }
0xca: {  	s23 =	sadd.s32 $0x14000, s19  }
0xcb: {  	[spmem:s2] =	stream.indirect.scatter.add.f32 [tilespmem:s12], [sflag:$0x1], $0x80, s23, s14, $0xb8;
	[tilespmem:$0x1A400] =	vst v63  }
0xcc: {  	s24 =	sadd.s32 $0x14080, s19  }
0xcd: {  	[spmem:s2] =	stream.indirect.scatter.add.f32 [tilespmem:s12], [sflag:$0x1], $0x80, s24, s14, $0xb8;
	[tilespmem:$0x1A400] =	vst v63  }
0xce: {  	s25 =	sadd.s32 $0x14100, s19  }
0xcf: {  	[spmem:s2] =	stream.indirect.scatter.add.f32 [tilespmem:s12], [sflag:$0x1], $0x80, s25, s14, $0xb8;
	[tilespmem:$0x1A400] =	vst v63  }
0xd0: {  	s26 =	sadd.s32 $0x14180, s19  }
0xd1: {  	[spmem:s2] =	stream.indirect.scatter.add.f32 [tilespmem:s12], [sflag:$0x1], $0x80, s26, s14, $0xb8;
	[tilespmem:$0x1A400] =	vst v63  }
0xd2: {  	s28 =	sadd.s32 $0x14200, s19  }
0xd3: {  	[spmem:s2] =	stream.indirect.scatter.add.f32 [tilespmem:s12], [sflag:$0x1], $0x80, s28, s14, $0xb8;
	[tilespmem:$0x1A400] =	vst v63  }
0xd4: {  	s29 =	sadd.s32 $0x14280, s19  }
0xd5: {  	[spmem:s2] =	stream.indirect.scatter.add.f32 [tilespmem:s12], [sflag:$0x1], $0x80, s29, s14, $0xb8;
	[tilespmem:$0x1A400] =	vst v63  }
0xd6: {  	s30 =	sadd.s32 $0x14300, s19  }
0xd7: {  	[spmem:s2] =	stream.indirect.scatter.add.f32 [tilespmem:s12], [sflag:$0x1], $0x80, s30, s14, $0xb8;
	[tilespmem:$0x1A400] =	vst v63  }
0xd8: {  	s31 =	sadd.s32 $0x14380, s19  }
0xd9: {  	[spmem:s2] =	stream.indirect.scatter.add.f32 [tilespmem:s12], [sflag:$0x1], $0x80, s31, s14, $0xb8;
	[tilespmem:$0x1A400] =	vst v63  }
0xda: {  	_ =	swait.ge [sflag:s15], $0x4000  }
0xdb: {  	[sflag:s15] =	ssyncset.done $0x0  }
0xdc: {  	[sflag:s15] =	ssyncadd.s32 $0xFFFFC000  }
0xdd: {  	_ =	swait.ge [sflag:s15], $0x4000  }
0xde: {  	[sflag:s15] =	ssyncset.done $0x0  }
0xdf: {  	[sflag:s15] =	ssyncadd.s32 $0xFFFFC000  }
0xe0: {  	_ =	swait.ge [sflag:s15], $0x4000  }
0xe1: {  	[sflag:s15] =	ssyncset.done $0x0  }
0xe2: {  	[sflag:s15] =	ssyncadd.s32 $0xFFFFC000  }
0xe3: {  	_ =	swait.ge [sflag:s15], $0x4000  }
0xe4: {  	[sflag:s15] =	ssyncset.done $0x0  }
0xe5: {  	[sflag:s15] =	ssyncadd.s32 $0xFFFFC000  }
0xe6: {  	_ =	swait.ge [sflag:s15], $0x4000  }
0xe7: {  	[sflag:s15] =	ssyncset.done $0x0  }
0xe8: {  	[sflag:s15] =	ssyncadd.s32 $0xFFFFC000  }
0xe9: {  	_ =	swait.ge [sflag:s15], $0x4000  }
0xea: {  	[sflag:s15] =	ssyncset.done $0x0  }
0xeb: {  	[sflag:s15] =	ssyncadd.s32 $0xFFFFC000  }
0xec: {  	_ =	swait.ge [sflag:s15], $0x4000  }
0xed: {  	[sflag:s15] =	ssyncset.done $0x0  }
0xee: {  	[sflag:s15] =	ssyncadd.s32 $0xFFFFC000  }
0xef: {  	_ =	swait.ge [sflag:s15], $0x4000  }
0xf0: {  	[sflag:s15] =	ssyncset.done $0x0  }
0xf1: {  	[sflag:s15] =	ssyncadd.s32 $0xFFFFC000  }
0xf2: {  	_ =	swait.ge [sflag:s15], $0x4000  }
0xf3: {  	[sflag:s15] =	ssyncset.done $0x0  }
0xf4: {  	[sflag:s15] =	ssyncadd.s32 $0xFFFFC000  }
0xf5: {  	_ =	swait.ge [sflag:s15], $0x4000  }
0xf6: {  	[sflag:s15] =	ssyncset.done $0x0  }
0xf7: {  	[sflag:s15] =	ssyncadd.s32 $0xFFFFC000  }
0xf8: {  	_ =	swait.ge [sflag:s15], $0x4000  }
0xf9: {  	[sflag:s15] =	ssyncset.done $0x0  }
0xfa: {  	[sflag:s15] =	ssyncadd.s32 $0xFFFFC000  }
0xfb: {  	_ =	swait.ge [sflag:s15], $0x4000  }
0xfc: {  	[sflag:s15] =	ssyncset.done $0x0  }
0xfd: {  	[sflag:s15] =	ssyncadd.s32 $0xFFFFC000  }
0xfe: {  	_ =	swait.ge [sflag:s15], $0x4000  }
0xff: {  	[sflag:s15] =	ssyncset.done $0x0  }
0x100: {  	[sflag:s15] =	ssyncadd.s32 $0xFFFFC000  }
0x101: {  	_ =	swait.ge [sflag:s15], $0x4000  }
0x102: {  	[sflag:s15] =	ssyncset.done $0x0  }
0x103: {  	[sflag:s15] =	ssyncadd.s32 $0xFFFFC000  }
0x104: {  	_ =	swait.ge [sflag:s15], $0x4000  }
0x105: {  	[sflag:s15] =	ssyncset.done $0x0  }
0x106: {  	[sflag:s15] =	ssyncadd.s32 $0xFFFFC000  }
0x107: {  	_ =	swait.ge [sflag:s15], $0x4000  }
0x108: {  	s16 =	sadd.s32 $0x1, s16;
	[sflag:s15] =	ssyncset.done $0x0  }
0x109: {  	p0 =	sne.s32 s16, s9;
	[sflag:s15] =	ssyncadd.s32 $0xFFFFC000  }
.Ltmp1:
0x10a: {  	[bflag:$0x0] =	sbarrier.arrive $0xFFFF;
	(pc) =	sbr.rel @p0 .LBB2_1-.Ltmp1, $4  }
0x10b: {  	[hbm:s8], [sflag:s6] =	dma.local [spmem:s10], $0x2780  }
0x10c: {  	_ =	swait.ge [sflag:s11], $0x2780  }
0x10d: {  	[sflag:s11] =	ssyncset.done $0x0  }
0x10e: {  	[sflag:s11] =	ssyncadd.s32 $0xFFFFD880  }
0x10f: {  	_ =	sfence.sel $0x180000  }
0x110: {  	[bflag:$0x0] =	sbarrier.arrive $0xFFFF  }
0x111: {  	p0 =	sne.s32 s0, $0x0;
	_ =	strace $0x90000047  }
0x112: {  	s0 =	sadd.s32 @!p0 $0x100000, s1;
	[bflag:$0x2] =	sbarrier.arrive $0xFFFF  }
0x113: {  	[sflag:s0] =	ssyncadd.tile.s32 @!p0 $0x1;
	_ =	shalt  }
.Lfunc_end2:
_tile_overlayer_lowered:
.L_overlay_start_2:
0x114: {  	(tag) =	ssettag $0x2  }
0x115: {  	s0 =	rddreg [dreg:$0x0];
	s2 =	stileid.u32  }
0x116: {  	s1 =	rddreg [dreg:$0x1];
	p0 =	sne.s32 s2, $0x0  }
0x117: {  	s3 =	rddreg [dreg:$0x2];
	[bflag:$0x3] =	sbarrier.arrive $0xFFFF;
	s2 =	simm.s32 @!p0 $0x1C02  }
0x118: {  	[timem:s3], [sflag:s2] =	dma.local @!p0 [hbm:s0], s1  }
0x119: {  	s0 =	simm.s32 @!p0 $0x2  }
0x11a: {  	_ =	swait.ge @!p0 [sflag:s0], s1  }
0x11b: {  	s1 =	ssub.s32 @!p0 $0x0, s1;
	[sflag:s0] =	ssyncset.done @!p0 $0x0  }
0x11c: {  	[sflag:s0] =	ssyncadd.s32 @!p0 s1  }
0x11d: {  	[bflag:$0x3] =	sbarrier.arrive $0xFFFF  }
0x11e: {  	_ =	shalt  }

</sc_bundles>
